<compile_context>
chip_gen: v7x
topology: tpu7x:2x2x1
jax: 0.10.2.dev20260603
libtpu: 0.0.44.dev20260713+nightly
codegen_flags: <defaults>
</compile_context>

<pallas_src>
import functools

import jax
import jax.numpy as jnp
from jax import lax
from jax.experimental import pallas as pl
from jax.experimental.pallas import tpu as pltpu
from jax.experimental.pallas import tpu_sc as plsc

NUM_CORES = 2
NUM_SUBCORES = 16
NUM_WORKERS = NUM_CORES * NUM_SUBCORES
LANES = 16
EMBED = 64
HALF = 256
IDX_CHUNK = 128
TS = 17


def _sc_recommender(b_per_w):
    mesh = plsc.VectorSubcoreMesh(
        core_axis_name="c", subcore_axis_name="s", num_cores=NUM_CORES
    )

    @functools.partial(
        pl.kernel,
        mesh=mesh,
        compiler_params=pltpu.CompilerParams(
            needs_layout_passes=False, use_tc_tiling_on_sc=True
        ),
        out_type=jax.ShapeDtypeStruct((b_per_w * NUM_WORKERS,), jnp.float32),
        scratch_types=[
            pltpu.VMEM((b_per_w + LANES,), jnp.int32),
            pltpu.VMEM((b_per_w + LANES,), jnp.int32),
            pltpu.VMEM((HALF, EMBED), jnp.float32),
            pltpu.VMEM((HALF, EMBED), jnp.float32),
            pltpu.VMEM((b_per_w,), jnp.float32),
            pltpu.VMEM((b_per_w,), jnp.float32),
            pltpu.VMEM((b_per_w,), jnp.float32),
            pltpu.VMEM((LANES * TS,), jnp.float32),
            pltpu.SemaphoreType.DMA,
            pltpu.SemaphoreType.DMA,
            pltpu.SemaphoreType.DMA,
        ],
    )
    def body(uidx_hbm, midx_hbm, uemb_hbm, memb_hbm, ubias_hbm, mbias_hbm,
             out_hbm, uidx_v, midx_v, urows_v, mrows_v, ubias_v, mbias_v,
             out_v, ts_v, semu, semm, semb):
        wid = lax.axis_index("s") * NUM_CORES + lax.axis_index("c")
        base = wid * b_per_w

        pltpu.sync_copy(uidx_hbm.at[pl.ds(base, b_per_w)],
                        uidx_v.at[pl.ds(0, b_per_w)])
        pltpu.sync_copy(midx_hbm.at[pl.ds(base, b_per_w)],
                        midx_v.at[pl.ds(0, b_per_w)])

        bias_copies = []
        for j in range(b_per_w // IDX_CHUNK):
            sl = pl.ds(j * IDX_CHUNK, IDX_CHUNK)
            bias_copies.append(pltpu.async_copy(
                ubias_hbm.at[uidx_v.at[sl]], ubias_v.at[sl], semb))
            bias_copies.append(pltpu.async_copy(
                mbias_hbm.at[midx_v.at[sl]], mbias_v.at[sl], semb))

        lane17 = lax.iota(jnp.int32, LANES) * TS

        def fire_row(r, h0):
            urow = uidx_v[pl.ds(h0 + r, LANES)][0]
            mrow = midx_v[pl.ds(h0 + r, LANES)][0]
            pltpu.async_copy(uemb_hbm.at[pl.ds(urow, 1), :],
                             urows_v.at[pl.ds(r, 1), :], semu)
            pltpu.async_copy(memb_hbm.at[pl.ds(mrow, 1), :],
                             mrows_v.at[pl.ds(r, 1), :], semm)
            return h0

        def drain_row(r, _):
            pltpu.make_async_copy(uemb_hbm.at[pl.ds(0, 1), :],
                                  urows_v.at[pl.ds(0, 1), :], semu).wait()
            pltpu.make_async_copy(memb_hbm.at[pl.ds(0, 1), :],
                                  mrows_v.at[pl.ds(0, 1), :], semm).wait()
            return 0

        def group(g, h0):
            row0 = g * LANES
            for k in range(LANES):
                r = row0 + k
                s = urows_v[r, pl.ds(0, LANES)] * mrows_v[r, pl.ds(0, LANES)]
                for c in range(1, EMBED // LANES):
                    s = s + (urows_v[r, pl.ds(c * LANES, LANES)]
                             * mrows_v[r, pl.ds(c * LANES, LANES)])
                plsc.store_scatter(ts_v, [lane17 + k], s)
            acc = ts_v[pl.ds(0, LANES)]
            for i in range(1, LANES):
                acc = acc + ts_v[pl.ds(i * TS, LANES)]
            out_v[pl.ds(h0 + row0, LANES)] = acc
            return h0

        for half in range(b_per_w // HALF):
            h0 = half * HALF
            lax.fori_loop(0, HALF, fire_row, h0)
            lax.fori_loop(0, HALF, drain_row, 0)
            lax.fori_loop(0, HALF // LANES, group, h0)

        for c in bias_copies:
            c.wait()

        def finish(g, _):
            sl = pl.ds(g * LANES, LANES)
            x = out_v[sl] + ubias_v[sl] + mbias_v[sl]
            out_v[sl] = 1.0 / (1.0 + jnp.exp(-x))
            return 0

        lax.fori_loop(0, b_per_w // LANES, finish, 0)
        pltpu.sync_copy(out_v, out_hbm.at[pl.ds(base, b_per_w)])

    return body


def kernel(inputs, user_emb, movie_emb, user_bias_tab, movie_bias_tab):
    batch = inputs.shape[0]
    b_per_w = batch // NUM_WORKERS
    user_idx = inputs[:, 0]
    movie_idx = inputs[:, 1]
    fn = _sc_recommender(b_per_w)
    out = fn(user_idx, movie_idx, user_emb, movie_emb,
             user_bias_tab.T[0], movie_bias_tab.T[0])
    return out.reshape(batch, 1)

# --- scband reference (transcript-rebuilt; emitter-appended) ---
"""Pipeline reference for scband-recommender-net-33225867001857 (READ-ONLY COPY).

The authoritative reference and input builder live on the scoring server;
editing this copy changes nothing except your own understanding.
"""

import jax, jax.numpy as jnp
import numpy as np

NUM_USERS = 100000
NUM_MOVIES = 100000
EMBED_DIM = 64
BATCH = 16384


def setup_inputs(seed: int = 0) -> dict:
    key = jax.random.key(seed)
    k_idx, k_ue, k_me, k_ub, k_mb = jax.random.split(key, 5)
    inputs = jax.random.randint(k_idx, (BATCH, 2), 0, NUM_USERS, dtype=jnp.int64 if jax.config.jax_enable_x64 else jnp.int32).astype(jnp.int32)
    # he_normal init: stddev = sqrt(2 / fan_in); for Embedding keras uses fan_in = input_dim
    user_emb = jax.random.normal(k_ue, (NUM_USERS, EMBED_DIM), dtype=jnp.float32) * np.sqrt(2.0 / NUM_USERS)
    movie_emb = jax.random.normal(k_me, (NUM_MOVIES, EMBED_DIM), dtype=jnp.float32) * np.sqrt(2.0 / NUM_MOVIES)
    # bias embeddings: keras default uniform init
    user_bias_tab = jax.random.uniform(k_ub, (NUM_USERS, 1), dtype=jnp.float32, minval=-0.05, maxval=0.05)
    movie_bias_tab = jax.random.uniform(k_mb, (NUM_MOVIES, 1), dtype=jnp.float32, minval=-0.05, maxval=0.05)
    return {
        "inputs": inputs,
        "user_emb": user_emb,
        "movie_emb": movie_emb,
        "user_bias_tab": user_bias_tab,
        "movie_bias_tab": movie_bias_tab,
    }


def reference(inputs, user_emb, movie_emb, user_bias_tab, movie_bias_tab):
    user_idx = inputs[:, 0]
    movie_idx = inputs[:, 1]
    user_vec = jnp.take(user_emb, user_idx, axis=0)
    movie_vec = jnp.take(movie_emb, movie_idx, axis=0)
    user_bias = jnp.take(user_bias_tab, user_idx, axis=0)
    movie_bias = jnp.take(movie_bias_tab, movie_idx, axis=0)
    dot = jnp.sum(user_vec * movie_vec, axis=1, keepdims=True)
    x = dot + user_bias + movie_bias
    return jax.nn.sigmoid(x)

if __name__ == "__main__":
    import jax
    _d = setup_inputs()
    print(jax.jit(kernel)(*tuple(_d.values())))

</pallas_src>

<mosaic_0001>
#map = affine_map<(d0, d1) -> (0)>
#map1 = affine_map<(d0, d1) -> (0, 0)>
module attributes {stable_mosaic.version = 14 : i64} {
  func.func @body(%arg0: i32, %arg1: i32, %arg2: memref<16384xi32, #tpu.memory_space<hbm>>, %arg3: memref<16384xi32, #tpu.memory_space<hbm>>, %arg4: memref<100000x64xf32, #tpu.memory_space<hbm>>, %arg5: memref<100000x64xf32, #tpu.memory_space<hbm>>, %arg6: memref<100000xf32, #tpu.memory_space<hbm>>, %arg7: memref<100000xf32, #tpu.memory_space<hbm>>, %arg8: memref<16384xf32, #tpu.memory_space<hbm>>, %arg9: memref<528xi32, #tpu.memory_space<vmem>>, %arg10: memref<528xi32, #tpu.memory_space<vmem>>, %arg11: memref<256x64xf32, #tpu.memory_space<vmem>>, %arg12: memref<256x64xf32, #tpu.memory_space<vmem>>, %arg13: memref<512xf32, #tpu.memory_space<vmem>>, %arg14: memref<512xf32, #tpu.memory_space<vmem>>, %arg15: memref<512xf32, #tpu.memory_space<vmem>>, %arg16: memref<272xf32, #tpu.memory_space<vmem>>, %arg17: memref<!tpu.dma_semaphore, #tpu.memory_space<semaphore_mem>>, %arg18: memref<!tpu.dma_semaphore, #tpu.memory_space<semaphore_mem>>, %arg19: memref<!tpu.dma_semaphore, #tpu.memory_space<semaphore_mem>>) attributes {dimension_semantics = [#tpu.dimension_semantics<core_parallel>, #tpu.dimension_semantics<subcore_parallel>], iteration_bounds = array<i64: 2, 16>, scalar_prefetch = 0 : i64, scratch_operands = 11 : i64, tpu.core_type = #tpu.core_type<sc_vector_subcore>, window_params = [{transform_indices = #map}, {transform_indices = #map}, {transform_indices = #map1}, {transform_indices = #map1}, {transform_indices = #map}, {transform_indices = #map}, {transform_indices = #map}]} {
    %mul3A = arith.constant 2 : i32
    %mul3A_0 = arith.muli %arg1, %mul3A : i32
    %add3A = arith.addi %mul3A_0, %arg0 : i32
    %mul3A_1 = arith.constant 512 : i32
    %mul3A_2 = arith.muli %add3A, %mul3A_1 : i32
    "tpu.region"() ({
      %run_scoped3A = tpu.sem_alloc : memref<!tpu.dma_semaphore, #tpu.memory_space<semaphore_mem>>
      %dma_start3A_144 = arith.constant 0 : i32
      %dma_start3A_145 = tpu.memref_slice %arg9[%dma_start3A_144] : memref<528xi32, #tpu.memory_space<vmem>> -> memref<512xi32, #tpu.memory_space<vmem>>
      %dma_start3A_146 = tpu.memref_slice %arg2[%mul3A_2] : memref<16384xi32, #tpu.memory_space<hbm>> -> memref<512xi32, #tpu.memory_space<hbm>>
      %dma_start3A_147 = arith.constant 0 : i32
      %dma_start3A_148 = tpu.memref_slice %arg9[%dma_start3A_147] : memref<528xi32, #tpu.memory_space<vmem>> -> memref<512xi32, #tpu.memory_space<vmem>>
      %dma_start3A_149 = tpu.memref_slice %arg2[%mul3A_2] : memref<16384xi32, #tpu.memory_space<hbm>> -> memref<512xi32, #tpu.memory_space<hbm>>
      tpu.enqueue_dma source(%dma_start3A_149 : memref<512xi32, #tpu.memory_space<hbm>>) target(%dma_start3A_148 : memref<512xi32, #tpu.memory_space<vmem>>) target_semaphore(%run_scoped3A : memref<!tpu.dma_semaphore, #tpu.memory_space<semaphore_mem>>)
      %dma_wait3A_150 = arith.constant 0 : i32
      %dma_wait3A_151 = tpu.memref_slice %arg9[%dma_wait3A_150] : memref<528xi32, #tpu.memory_space<vmem>> -> memref<512xi32, #tpu.memory_space<vmem>>
      %dma_wait3A_152 = tpu.memref_slice %arg2[%mul3A_2] : memref<16384xi32, #tpu.memory_space<hbm>> -> memref<512xi32, #tpu.memory_space<hbm>>
      %dma_wait3A_153 = arith.constant 0 : i32
      %dma_wait3A_154 = tpu.memref_slice %arg9[%dma_wait3A_153] : memref<528xi32, #tpu.memory_space<vmem>> -> memref<512xi32, #tpu.memory_space<vmem>>
      %dma_wait3A_155 = tpu.memref_slice %arg2[%mul3A_2] : memref<16384xi32, #tpu.memory_space<hbm>> -> memref<512xi32, #tpu.memory_space<hbm>>
      tpu.wait_dma2 semaphore(%run_scoped3A : memref<!tpu.dma_semaphore, #tpu.memory_space<semaphore_mem>>) src(%dma_wait3A_155 : memref<512xi32, #tpu.memory_space<hbm>>) dst(%dma_wait3A_154 : memref<512xi32, #tpu.memory_space<vmem>>)
      tpu.yield
    }) : () -> ()
    "tpu.region"() ({
      %run_scoped3A = tpu.sem_alloc : memref<!tpu.dma_semaphore, #tpu.memory_space<semaphore_mem>>
      %dma_start3A_144 = arith.constant 0 : i32
      %dma_start3A_145 = tpu.memref_slice %arg10[%dma_start3A_144] : memref<528xi32, #tpu.memory_space<vmem>> -> memref<512xi32, #tpu.memory_space<vmem>>
      %dma_start3A_146 = tpu.memref_slice %arg3[%mul3A_2] : memref<16384xi32, #tpu.memory_space<hbm>> -> memref<512xi32, #tpu.memory_space<hbm>>
      %dma_start3A_147 = arith.constant 0 : i32
      %dma_start3A_148 = tpu.memref_slice %arg10[%dma_start3A_147] : memref<528xi32, #tpu.memory_space<vmem>> -> memref<512xi32, #tpu.memory_space<vmem>>
      %dma_start3A_149 = tpu.memref_slice %arg3[%mul3A_2] : memref<16384xi32, #tpu.memory_space<hbm>> -> memref<512xi32, #tpu.memory_space<hbm>>
      tpu.enqueue_dma source(%dma_start3A_149 : memref<512xi32, #tpu.memory_space<hbm>>) target(%dma_start3A_148 : memref<512xi32, #tpu.memory_space<vmem>>) target_semaphore(%run_scoped3A : memref<!tpu.dma_semaphore, #tpu.memory_space<semaphore_mem>>)
      %dma_wait3A_150 = arith.constant 0 : i32
      %dma_wait3A_151 = tpu.memref_slice %arg10[%dma_wait3A_150] : memref<528xi32, #tpu.memory_space<vmem>> -> memref<512xi32, #tpu.memory_space<vmem>>
      %dma_wait3A_152 = tpu.memref_slice %arg3[%mul3A_2] : memref<16384xi32, #tpu.memory_space<hbm>> -> memref<512xi32, #tpu.memory_space<hbm>>
      %dma_wait3A_153 = arith.constant 0 : i32
      %dma_wait3A_154 = tpu.memref_slice %arg10[%dma_wait3A_153] : memref<528xi32, #tpu.memory_space<vmem>> -> memref<512xi32, #tpu.memory_space<vmem>>
      %dma_wait3A_155 = tpu.memref_slice %arg3[%mul3A_2] : memref<16384xi32, #tpu.memory_space<hbm>> -> memref<512xi32, #tpu.memory_space<hbm>>
      tpu.wait_dma2 semaphore(%run_scoped3A : memref<!tpu.dma_semaphore, #tpu.memory_space<semaphore_mem>>) src(%dma_wait3A_155 : memref<512xi32, #tpu.memory_space<hbm>>) dst(%dma_wait3A_154 : memref<512xi32, #tpu.memory_space<vmem>>)
      tpu.yield
    }) : () -> ()
    %dma_start3A = arith.constant 0 : i32
    %dma_start3A_3 = tpu.memref_slice %arg13[%dma_start3A] : memref<512xf32, #tpu.memory_space<vmem>> -> memref<128xf32, #tpu.memory_space<vmem>>
    %dma_start3A_4 = arith.constant 0 : i32
    %dma_start3A_5 = tpu.memref_slice %arg9[%dma_start3A_4] : memref<528xi32, #tpu.memory_space<vmem>> -> memref<128xi32, #tpu.memory_space<vmem>>
    %dma_start3A_6 = arith.constant 0 : i32
    %dma_start3A_7 = tpu.memref_slice %arg6[%dma_start3A_6] : memref<100000xf32, #tpu.memory_space<hbm>> -> memref<100000xf32, #tpu.memory_space<hbm>>
    tpu.enqueue_indirect_dma source(%dma_start3A_7 : memref<100000xf32, #tpu.memory_space<hbm>>) target(%dma_start3A_3 : memref<128xf32, #tpu.memory_space<vmem>>) offsets(%dma_start3A_5 : memref<128xi32, #tpu.memory_space<vmem>>) semaphore(%arg19 : memref<!tpu.dma_semaphore, #tpu.memory_space<semaphore_mem>>)
    %dma_start3A_8 = arith.constant 0 : i32
    %dma_start3A_9 = tpu.memref_slice %arg14[%dma_start3A_8] : memref<512xf32, #tpu.memory_space<vmem>> -> memref<128xf32, #tpu.memory_space<vmem>>
    %dma_start3A_10 = arith.constant 0 : i32
    %dma_start3A_11 = tpu.memref_slice %arg10[%dma_start3A_10] : memref<528xi32, #tpu.memory_space<vmem>> -> memref<128xi32, #tpu.memory_space<vmem>>
    %dma_start3A_12 = arith.constant 0 : i32
    %dma_start3A_13 = tpu.memref_slice %arg7[%dma_start3A_12] : memref<100000xf32, #tpu.memory_space<hbm>> -> memref<100000xf32, #tpu.memory_space<hbm>>
    tpu.enqueue_indirect_dma source(%dma_start3A_13 : memref<100000xf32, #tpu.memory_space<hbm>>) target(%dma_start3A_9 : memref<128xf32, #tpu.memory_space<vmem>>) offsets(%dma_start3A_11 : memref<128xi32, #tpu.memory_space<vmem>>) semaphore(%arg19 : memref<!tpu.dma_semaphore, #tpu.memory_space<semaphore_mem>>)
    %dma_start3A_14 = arith.constant 128 : i32
    %dma_start3A_15 = tpu.memref_slice %arg13[%dma_start3A_14] : memref<512xf32, #tpu.memory_space<vmem>> -> memref<128xf32, #tpu.memory_space<vmem>>
    %dma_start3A_16 = arith.constant 128 : i32
    %dma_start3A_17 = tpu.memref_slice %arg9[%dma_start3A_16] : memref<528xi32, #tpu.memory_space<vmem>> -> memref<128xi32, #tpu.memory_space<vmem>>
    %dma_start3A_18 = arith.constant 0 : i32
    %dma_start3A_19 = tpu.memref_slice %arg6[%dma_start3A_18] : memref<100000xf32, #tpu.memory_space<hbm>> -> memref<100000xf32, #tpu.memory_space<hbm>>
    tpu.enqueue_indirect_dma source(%dma_start3A_19 : memref<100000xf32, #tpu.memory_space<hbm>>) target(%dma_start3A_15 : memref<128xf32, #tpu.memory_space<vmem>>) offsets(%dma_start3A_17 : memref<128xi32, #tpu.memory_space<vmem>>) semaphore(%arg19 : memref<!tpu.dma_semaphore, #tpu.memory_space<semaphore_mem>>)
    %dma_start3A_20 = arith.constant 128 : i32
    %dma_start3A_21 = tpu.memref_slice %arg14[%dma_start3A_20] : memref<512xf32, #tpu.memory_space<vmem>> -> memref<128xf32, #tpu.memory_space<vmem>>
    %dma_start3A_22 = arith.constant 128 : i32
    %dma_start3A_23 = tpu.memref_slice %arg10[%dma_start3A_22] : memref<528xi32, #tpu.memory_space<vmem>> -> memref<128xi32, #tpu.memory_space<vmem>>
    %dma_start3A_24 = arith.constant 0 : i32
    %dma_start3A_25 = tpu.memref_slice %arg7[%dma_start3A_24] : memref<100000xf32, #tpu.memory_space<hbm>> -> memref<100000xf32, #tpu.memory_space<hbm>>
    tpu.enqueue_indirect_dma source(%dma_start3A_25 : memref<100000xf32, #tpu.memory_space<hbm>>) target(%dma_start3A_21 : memref<128xf32, #tpu.memory_space<vmem>>) offsets(%dma_start3A_23 : memref<128xi32, #tpu.memory_space<vmem>>) semaphore(%arg19 : memref<!tpu.dma_semaphore, #tpu.memory_space<semaphore_mem>>)
    %dma_start3A_26 = arith.constant 256 : i32
    %dma_start3A_27 = tpu.memref_slice %arg13[%dma_start3A_26] : memref<512xf32, #tpu.memory_space<vmem>> -> memref<128xf32, #tpu.memory_space<vmem>>
    %dma_start3A_28 = arith.constant 256 : i32
    %dma_start3A_29 = tpu.memref_slice %arg9[%dma_start3A_28] : memref<528xi32, #tpu.memory_space<vmem>> -> memref<128xi32, #tpu.memory_space<vmem>>
    %dma_start3A_30 = arith.constant 0 : i32
    %dma_start3A_31 = tpu.memref_slice %arg6[%dma_start3A_30] : memref<100000xf32, #tpu.memory_space<hbm>> -> memref<100000xf32, #tpu.memory_space<hbm>>
    tpu.enqueue_indirect_dma source(%dma_start3A_31 : memref<100000xf32, #tpu.memory_space<hbm>>) target(%dma_start3A_27 : memref<128xf32, #tpu.memory_space<vmem>>) offsets(%dma_start3A_29 : memref<128xi32, #tpu.memory_space<vmem>>) semaphore(%arg19 : memref<!tpu.dma_semaphore, #tpu.memory_space<semaphore_mem>>)
    %dma_start3A_32 = arith.constant 256 : i32
    %dma_start3A_33 = tpu.memref_slice %arg14[%dma_start3A_32] : memref<512xf32, #tpu.memory_space<vmem>> -> memref<128xf32, #tpu.memory_space<vmem>>
    %dma_start3A_34 = arith.constant 256 : i32
    %dma_start3A_35 = tpu.memref_slice %arg10[%dma_start3A_34] : memref<528xi32, #tpu.memory_space<vmem>> -> memref<128xi32, #tpu.memory_space<vmem>>
    %dma_start3A_36 = arith.constant 0 : i32
    %dma_start3A_37 = tpu.memref_slice %arg7[%dma_start3A_36] : memref<100000xf32, #tpu.memory_space<hbm>> -> memref<100000xf32, #tpu.memory_space<hbm>>
    tpu.enqueue_indirect_dma source(%dma_start3A_37 : memref<100000xf32, #tpu.memory_space<hbm>>) target(%dma_start3A_33 : memref<128xf32, #tpu.memory_space<vmem>>) offsets(%dma_start3A_35 : memref<128xi32, #tpu.memory_space<vmem>>) semaphore(%arg19 : memref<!tpu.dma_semaphore, #tpu.memory_space<semaphore_mem>>)
    %dma_start3A_38 = arith.constant 384 : i32
    %dma_start3A_39 = tpu.memref_slice %arg13[%dma_start3A_38] : memref<512xf32, #tpu.memory_space<vmem>> -> memref<128xf32, #tpu.memory_space<vmem>>
    %dma_start3A_40 = arith.constant 384 : i32
    %dma_start3A_41 = tpu.memref_slice %arg9[%dma_start3A_40] : memref<528xi32, #tpu.memory_space<vmem>> -> memref<128xi32, #tpu.memory_space<vmem>>
    %dma_start3A_42 = arith.constant 0 : i32
    %dma_start3A_43 = tpu.memref_slice %arg6[%dma_start3A_42] : memref<100000xf32, #tpu.memory_space<hbm>> -> memref<100000xf32, #tpu.memory_space<hbm>>
    tpu.enqueue_indirect_dma source(%dma_start3A_43 : memref<100000xf32, #tpu.memory_space<hbm>>) target(%dma_start3A_39 : memref<128xf32, #tpu.memory_space<vmem>>) offsets(%dma_start3A_41 : memref<128xi32, #tpu.memory_space<vmem>>) semaphore(%arg19 : memref<!tpu.dma_semaphore, #tpu.memory_space<semaphore_mem>>)
    %dma_start3A_44 = arith.constant 384 : i32
    %dma_start3A_45 = tpu.memref_slice %arg14[%dma_start3A_44] : memref<512xf32, #tpu.memory_space<vmem>> -> memref<128xf32, #tpu.memory_space<vmem>>
    %dma_start3A_46 = arith.constant 384 : i32
    %dma_start3A_47 = tpu.memref_slice %arg10[%dma_start3A_46] : memref<528xi32, #tpu.memory_space<vmem>> -> memref<128xi32, #tpu.memory_space<vmem>>
    %dma_start3A_48 = arith.constant 0 : i32
    %dma_start3A_49 = tpu.memref_slice %arg7[%dma_start3A_48] : memref<100000xf32, #tpu.memory_space<hbm>> -> memref<100000xf32, #tpu.memory_space<hbm>>
    tpu.enqueue_indirect_dma source(%dma_start3A_49 : memref<100000xf32, #tpu.memory_space<hbm>>) target(%dma_start3A_45 : memref<128xf32, #tpu.memory_space<vmem>>) offsets(%dma_start3A_47 : memref<128xi32, #tpu.memory_space<vmem>>) semaphore(%arg19 : memref<!tpu.dma_semaphore, #tpu.memory_space<semaphore_mem>>)
    %iota3A = tpu.iota {dimensions = array<i32: 0>} : vector<16xi32>
    %mul3A_50 = arith.constant 17 : i32
    %mul3A_51 = vector.broadcast %mul3A_50 : i32 to vector<16xi32>
    %mul3A_52 = arith.muli %iota3A, %mul3A_51 : vector<16xi32>
    %scan3A = arith.constant 0 : i32
    %scan3A_53 = arith.constant 0 : i32
    %scan3A_54 = arith.constant 256 : i32
    %scan3A_55 = arith.addi %scan3A_53, %scan3A_54 : i32
    %scan3A_56 = arith.constant 1 : i32
    scf.for %scan3A_144 = %scan3A_53 to %scan3A_55 step %scan3A_56  : i32 {
      %add3A_145 = arith.addi %scan3A, %scan3A_144 : i32
      %get3A = arith.index_cast %add3A_145 : i32 to index
      %get3A_146 = tpu.vector_load %arg9[%get3A] {strides = array<i32>} : memref<528xi32, #tpu.memory_space<vmem>>, vector<16xi32>,
      %slice3A = vector.extract_strided_slice %get3A_146 {offsets = [0], sizes = [1], strides = [1]} : vector<16xi32> to vector<1xi32>
      %squeeze3A = vector.extract %slice3A[0] : i32 from vector<1xi32>
      %add3A_147 = arith.addi %scan3A, %scan3A_144 : i32
      %get3A_148 = arith.index_cast %add3A_147 : i32 to index
      %get3A_149 = tpu.vector_load %arg10[%get3A_148] {strides = array<i32>} : memref<528xi32, #tpu.memory_space<vmem>>, vector<16xi32>,
      %slice3A_150 = vector.extract_strided_slice %get3A_149 {offsets = [0], sizes = [1], strides = [1]} : vector<16xi32> to vector<1xi32>
      %squeeze3A_151 = vector.extract %slice3A_150[0] : i32 from vector<1xi32>
      %dma_start3A_152 = arith.constant 0 : i32
      %dma_start3A_153 = tpu.memref_slice %arg11[%scan3A_144, %dma_start3A_152] : memref<256x64xf32, #tpu.memory_space<vmem>> -> memref<1x64xf32, #tpu.memory_space<vmem>>
      %dma_start3A_154 = arith.constant 0 : i32
      %dma_start3A_155 = tpu.memref_slice %arg4[%squeeze3A, %dma_start3A_154] : memref<100000x64xf32, #tpu.memory_space<hbm>> -> memref<1x64xf32, #tpu.memory_space<hbm>>
      %dma_start3A_156 = arith.constant 0 : i32
      %dma_start3A_157 = tpu.memref_slice %arg11[%scan3A_144, %dma_start3A_156] : memref<256x64xf32, #tpu.memory_space<vmem>> -> memref<1x64xf32, #tpu.memory_space<vmem>>
      %dma_start3A_158 = arith.constant 0 : i32
      %dma_start3A_159 = tpu.memref_slice %arg4[%squeeze3A, %dma_start3A_158] : memref<100000x64xf32, #tpu.memory_space<hbm>> -> memref<1x64xf32, #tpu.memory_space<hbm>>
      tpu.enqueue_dma source(%dma_start3A_159 : memref<1x64xf32, #tpu.memory_space<hbm>>) target(%dma_start3A_157 : memref<1x64xf32, #tpu.memory_space<vmem>>) target_semaphore(%arg17 : memref<!tpu.dma_semaphore, #tpu.memory_space<semaphore_mem>>)
      %dma_start3A_160 = arith.constant 0 : i32
      %dma_start3A_161 = tpu.memref_slice %arg12[%scan3A_144, %dma_start3A_160] : memref<256x64xf32, #tpu.memory_space<vmem>> -> memref<1x64xf32, #tpu.memory_space<vmem>>
      %dma_start3A_162 = arith.constant 0 : i32
      %dma_start3A_163 = tpu.memref_slice %arg5[%squeeze3A_151, %dma_start3A_162] : memref<100000x64xf32, #tpu.memory_space<hbm>> -> memref<1x64xf32, #tpu.memory_space<hbm>>
      %dma_start3A_164 = arith.constant 0 : i32
      %dma_start3A_165 = tpu.memref_slice %arg12[%scan3A_144, %dma_start3A_164] : memref<256x64xf32, #tpu.memory_space<vmem>> -> memref<1x64xf32, #tpu.memory_space<vmem>>
      %dma_start3A_166 = arith.constant 0 : i32
      %dma_start3A_167 = tpu.memref_slice %arg5[%squeeze3A_151, %dma_start3A_166] : memref<100000x64xf32, #tpu.memory_space<hbm>> -> memref<1x64xf32, #tpu.memory_space<hbm>>
      tpu.enqueue_dma source(%dma_start3A_167 : memref<1x64xf32, #tpu.memory_space<hbm>>) target(%dma_start3A_165 : memref<1x64xf32, #tpu.memory_space<vmem>>) target_semaphore(%arg18 : memref<!tpu.dma_semaphore, #tpu.memory_space<semaphore_mem>>)
    }
    %scan3A_57 = arith.constant 256 : i32
    %scan3A_58 = arith.constant 0 : i32
    %scan3A_59 = arith.constant 0 : i32
    %scan3A_60 = arith.constant 256 : i32
    %scan3A_61 = arith.addi %scan3A_59, %scan3A_60 : i32
    %scan3A_62 = arith.constant 1 : i32
    %scan3A_63 = scf.for %scan3A_144 = %scan3A_59 to %scan3A_61 step %scan3A_62 iter_args(%scan3A_145 = %scan3A_58) -> (i32)  : i32 {
      %dma_wait3A_146 = arith.constant 0 : i32
      %dma_wait3A_147 = arith.constant 0 : i32
      %dma_wait3A_148 = tpu.memref_slice %arg11[%dma_wait3A_146, %dma_wait3A_147] : memref<256x64xf32, #tpu.memory_space<vmem>> -> memref<1x64xf32, #tpu.memory_space<vmem>>
      %dma_wait3A_149 = arith.constant 0 : i32
      %dma_wait3A_150 = arith.constant 0 : i32
      %dma_wait3A_151 = tpu.memref_slice %arg4[%dma_wait3A_149, %dma_wait3A_150] : memref<100000x64xf32, #tpu.memory_space<hbm>> -> memref<1x64xf32, #tpu.memory_space<hbm>>
      %dma_wait3A_152 = arith.constant 0 : i32
      %dma_wait3A_153 = arith.constant 0 : i32
      %dma_wait3A_154 = tpu.memref_slice %arg11[%dma_wait3A_152, %dma_wait3A_153] : memref<256x64xf32, #tpu.memory_space<vmem>> -> memref<1x64xf32, #tpu.memory_space<vmem>>
      %dma_wait3A_155 = arith.constant 0 : i32
      %dma_wait3A_156 = arith.constant 0 : i32
      %dma_wait3A_157 = tpu.memref_slice %arg4[%dma_wait3A_155, %dma_wait3A_156] : memref<100000x64xf32, #tpu.memory_space<hbm>> -> memref<1x64xf32, #tpu.memory_space<hbm>>
      tpu.wait_dma2 semaphore(%arg17 : memref<!tpu.dma_semaphore, #tpu.memory_space<semaphore_mem>>) src(%dma_wait3A_157 : memref<1x64xf32, #tpu.memory_space<hbm>>) dst(%dma_wait3A_154 : memref<1x64xf32, #tpu.memory_space<vmem>>)
      %dma_wait3A_158 = arith.constant 0 : i32
      %dma_wait3A_159 = arith.constant 0 : i32
      %dma_wait3A_160 = tpu.memref_slice %arg12[%dma_wait3A_158, %dma_wait3A_159] : memref<256x64xf32, #tpu.memory_space<vmem>> -> memref<1x64xf32, #tpu.memory_space<vmem>>
      %dma_wait3A_161 = arith.constant 0 : i32
      %dma_wait3A_162 = arith.constant 0 : i32
      %dma_wait3A_163 = tpu.memref_slice %arg5[%dma_wait3A_161, %dma_wait3A_162] : memref<100000x64xf32, #tpu.memory_space<hbm>> -> memref<1x64xf32, #tpu.memory_space<hbm>>
      %dma_wait3A_164 = arith.constant 0 : i32
      %dma_wait3A_165 = arith.constant 0 : i32
      %dma_wait3A_166 = tpu.memref_slice %arg12[%dma_wait3A_164, %dma_wait3A_165] : memref<256x64xf32, #tpu.memory_space<vmem>> -> memref<1x64xf32, #tpu.memory_space<vmem>>
      %dma_wait3A_167 = arith.constant 0 : i32
      %dma_wait3A_168 = arith.constant 0 : i32
      %dma_wait3A_169 = tpu.memref_slice %arg5[%dma_wait3A_167, %dma_wait3A_168] : memref<100000x64xf32, #tpu.memory_space<hbm>> -> memref<1x64xf32, #tpu.memory_space<hbm>>
      tpu.wait_dma2 semaphore(%arg18 : memref<!tpu.dma_semaphore, #tpu.memory_space<semaphore_mem>>) src(%dma_wait3A_169 : memref<1x64xf32, #tpu.memory_space<hbm>>) dst(%dma_wait3A_166 : memref<1x64xf32, #tpu.memory_space<vmem>>)
      %scan3A_170 = arith.constant 0 : i32
      scf.yield %scan3A_170 : i32
    }
    %scan3A_64 = arith.constant 256 : i32
    %scan3A_65 = arith.constant 0 : i32
    %scan3A_66 = arith.constant 0 : i32
    %scan3A_67 = arith.constant 16 : i32
    %scan3A_68 = arith.addi %scan3A_66, %scan3A_67 : i32
    %scan3A_69 = arith.constant 1 : i32
    scf.for %scan3A_144 = %scan3A_66 to %scan3A_68 step %scan3A_69  : i32 {
      %mul3A_145 = arith.constant 16 : i32
      %mul3A_146 = arith.muli %scan3A_144, %mul3A_145 : i32
      %add3A_147 = arith.constant 0 : i32
      %add3A_148 = arith.addi %mul3A_146, %add3A_147 : i32
      %get3A = arith.index_cast %add3A_148 : i32 to index
      %get3A_149 = arith.constant 0 : index
      %get3A_150 = tpu.vector_load %arg11[%get3A, %get3A_149] {strides = array<i32>} : memref<256x64xf32, #tpu.memory_space<vmem>>, vector<16xf32>,
      %get3A_151 = arith.index_cast %add3A_148 : i32 to index
      %get3A_152 = arith.constant 0 : index
      %get3A_153 = tpu.vector_load %arg12[%get3A_151, %get3A_152] {strides = array<i32>} : memref<256x64xf32, #tpu.memory_space<vmem>>, vector<16xf32>,
      %mul3A_154 = arith.mulf %get3A_150, %get3A_153 : vector<16xf32>
      %get3A_155 = arith.index_cast %add3A_148 : i32 to index
      %get3A_156 = arith.constant 16 : index
      %get3A_157 = tpu.vector_load %arg11[%get3A_155, %get3A_156] {strides = array<i32>} : memref<256x64xf32, #tpu.memory_space<vmem>>, vector<16xf32>,
      %get3A_158 = arith.index_cast %add3A_148 : i32 to index
      %get3A_159 = arith.constant 16 : index
      %get3A_160 = tpu.vector_load %arg12[%get3A_158, %get3A_159] {strides = array<i32>} : memref<256x64xf32, #tpu.memory_space<vmem>>, vector<16xf32>,
      %mul3A_161 = arith.mulf %get3A_157, %get3A_160 : vector<16xf32>
      %add3A_162 = arith.addf %mul3A_154, %mul3A_161 : vector<16xf32>
      %get3A_163 = arith.index_cast %add3A_148 : i32 to index
      %get3A_164 = arith.constant 32 : index
      %get3A_165 = tpu.vector_load %arg11[%get3A_163, %get3A_164] {strides = array<i32>} : memref<256x64xf32, #tpu.memory_space<vmem>>, vector<16xf32>,
      %get3A_166 = arith.index_cast %add3A_148 : i32 to index
      %get3A_167 = arith.constant 32 : index
      %get3A_168 = tpu.vector_load %arg12[%get3A_166, %get3A_167] {strides = array<i32>} : memref<256x64xf32, #tpu.memory_space<vmem>>, vector<16xf32>,
      %mul3A_169 = arith.mulf %get3A_165, %get3A_168 : vector<16xf32>
      %add3A_170 = arith.addf %add3A_162, %mul3A_169 : vector<16xf32>
      %get3A_171 = arith.index_cast %add3A_148 : i32 to index
      %get3A_172 = arith.constant 48 : index
      %get3A_173 = tpu.vector_load %arg11[%get3A_171, %get3A_172] {strides = array<i32>} : memref<256x64xf32, #tpu.memory_space<vmem>>, vector<16xf32>,
      %get3A_174 = arith.index_cast %add3A_148 : i32 to index
      %get3A_175 = arith.constant 48 : index
      %get3A_176 = tpu.vector_load %arg12[%get3A_174, %get3A_175] {strides = array<i32>} : memref<256x64xf32, #tpu.memory_space<vmem>>, vector<16xf32>,
      %mul3A_177 = arith.mulf %get3A_173, %get3A_176 : vector<16xf32>
      %add3A_178 = arith.addf %add3A_170, %mul3A_177 : vector<16xf32>
      %add3A_179 = arith.constant 0 : i32
      %add3A_180 = vector.broadcast %add3A_179 : i32 to vector<16xi32>
      %add3A_181 = arith.addi %mul3A_52, %add3A_180 : vector<16xi32>
      tpu.vector_store_idx %arg16[%add3A_181], %add3A_178 : memref<272xf32, #tpu.memory_space<vmem>>[vector<16xi32>], vector<16xf32>,
      %add3A_182 = arith.constant 1 : i32
      %add3A_183 = arith.addi %mul3A_146, %add3A_182 : i32
      %get3A_184 = arith.index_cast %add3A_183 : i32 to index
      %get3A_185 = arith.constant 0 : index
      %get3A_186 = tpu.vector_load %arg11[%get3A_184, %get3A_185] {strides = array<i32>} : memref<256x64xf32, #tpu.memory_space<vmem>>, vector<16xf32>,
      %get3A_187 = arith.index_cast %add3A_183 : i32 to index
      %get3A_188 = arith.constant 0 : index
      %get3A_189 = tpu.vector_load %arg12[%get3A_187, %get3A_188] {strides = array<i32>} : memref<256x64xf32, #tpu.memory_space<vmem>>, vector<16xf32>,
      %mul3A_190 = arith.mulf %get3A_186, %get3A_189 : vector<16xf32>
      %get3A_191 = arith.index_cast %add3A_183 : i32 to index
      %get3A_192 = arith.constant 16 : index
      %get3A_193 = tpu.vector_load %arg11[%get3A_191, %get3A_192] {strides = array<i32>} : memref<256x64xf32, #tpu.memory_space<vmem>>, vector<16xf32>,
      %get3A_194 = arith.index_cast %add3A_183 : i32 to index
      %get3A_195 = arith.constant 16 : index
      %get3A_196 = tpu.vector_load %arg12[%get3A_194, %get3A_195] {strides = array<i32>} : memref<256x64xf32, #tpu.memory_space<vmem>>, vector<16xf32>,
      %mul3A_197 = arith.mulf %get3A_193, %get3A_196 : vector<16xf32>
      %add3A_198 = arith.addf %mul3A_190, %mul3A_197 : vector<16xf32>
      %get3A_199 = arith.index_cast %add3A_183 : i32 to index
      %get3A_200 = arith.constant 32 : index
      %get3A_201 = tpu.vector_load %arg11[%get3A_199, %get3A_200] {strides = array<i32>} : memref<256x64xf32, #tpu.memory_space<vmem>>, vector<16xf32>,
      %get3A_202 = arith.index_cast %add3A_183 : i32 to index
      %get3A_203 = arith.constant 32 : index
      %get3A_204 = tpu.vector_load %arg12[%get3A_202, %get3A_203] {strides = array<i32>} : memref<256x64xf32, #tpu.memory_space<vmem>>, vector<16xf32>,
      %mul3A_205 = arith.mulf %get3A_201, %get3A_204 : vector<16xf32>
      %add3A_206 = arith.addf %add3A_198, %mul3A_205 : vector<16xf32>
      %get3A_207 = arith.index_cast %add3A_183 : i32 to index
      %get3A_208 = arith.constant 48 : index
      %get3A_209 = tpu.vector_load %arg11[%get3A_207, %get3A_208] {strides = array<i32>} : memref<256x64xf32, #tpu.memory_space<vmem>>, vector<16xf32>,
      %get3A_210 = arith.index_cast %add3A_183 : i32 to index
      %get3A_211 = arith.constant 48 : index
      %get3A_212 = tpu.vector_load %arg12[%get3A_210, %get3A_211] {strides = array<i32>} : memref<256x64xf32, #tpu.memory_space<vmem>>, vector<16xf32>,
      %mul3A_213 = arith.mulf %get3A_209, %get3A_212 : vector<16xf32>
      %add3A_214 = arith.addf %add3A_206, %mul3A_213 : vector<16xf32>
      %add3A_215 = arith.constant 1 : i32
      %add3A_216 = vector.broadcast %add3A_215 : i32 to vector<16xi32>
      %add3A_217 = arith.addi %mul3A_52, %add3A_216 : vector<16xi32>
      tpu.vector_store_idx %arg16[%add3A_217], %add3A_214 : memref<272xf32, #tpu.memory_space<vmem>>[vector<16xi32>], vector<16xf32>,
      %add3A_218 = arith.constant 2 : i32
      %add3A_219 = arith.addi %mul3A_146, %add3A_218 : i32
      %get3A_220 = arith.index_cast %add3A_219 : i32 to index
      %get3A_221 = arith.constant 0 : index
      %get3A_222 = tpu.vector_load %arg11[%get3A_220, %get3A_221] {strides = array<i32>} : memref<256x64xf32, #tpu.memory_space<vmem>>, vector<16xf32>,
      %get3A_223 = arith.index_cast %add3A_219 : i32 to index
      %get3A_224 = arith.constant 0 : index
      %get3A_225 = tpu.vector_load %arg12[%get3A_223, %get3A_224] {strides = array<i32>} : memref<256x64xf32, #tpu.memory_space<vmem>>, vector<16xf32>,
      %mul3A_226 = arith.mulf %get3A_222, %get3A_225 : vector<16xf32>
      %get3A_227 = arith.index_cast %add3A_219 : i32 to index
      %get3A_228 = arith.constant 16 : index
      %get3A_229 = tpu.vector_load %arg11[%get3A_227, %get3A_228] {strides = array<i32>} : memref<256x64xf32, #tpu.memory_space<vmem>>, vector<16xf32>,
      %get3A_230 = arith.index_cast %add3A_219 : i32 to index
      %get3A_231 = arith.constant 16 : index
      %get3A_232 = tpu.vector_load %arg12[%get3A_230, %get3A_231] {strides = array<i32>} : memref<256x64xf32, #tpu.memory_space<vmem>>, vector<16xf32>,
      %mul3A_233 = arith.mulf %get3A_229, %get3A_232 : vector<16xf32>
      %add3A_234 = arith.addf %mul3A_226, %mul3A_233 : vector<16xf32>
      %get3A_235 = arith.index_cast %add3A_219 : i32 to index
      %get3A_236 = arith.constant 32 : index
      %get3A_237 = tpu.vector_load %arg11[%get3A_235, %get3A_236] {strides = array<i32>} : memref<256x64xf32, #tpu.memory_space<vmem>>, vector<16xf32>,
      %get3A_238 = arith.index_cast %add3A_219 : i32 to index
      %get3A_239 = arith.constant 32 : index
      %get3A_240 = tpu.vector_load %arg12[%get3A_238, %get3A_239] {strides = array<i32>} : memref<256x64xf32, #tpu.memory_space<vmem>>, vector<16xf32>,
      %mul3A_241 = arith.mulf %get3A_237, %get3A_240 : vector<16xf32>
      %add3A_242 = arith.addf %add3A_234, %mul3A_241 : vector<16xf32>
      %get3A_243 = arith.index_cast %add3A_219 : i32 to index
      %get3A_244 = arith.constant 48 : index
      %get3A_245 = tpu.vector_load %arg11[%get3A_243, %get3A_244] {strides = array<i32>} : memref<256x64xf32, #tpu.memory_space<vmem>>, vector<16xf32>,
      %get3A_246 = arith.index_cast %add3A_219 : i32 to index
      %get3A_247 = arith.constant 48 : index
      %get3A_248 = tpu.vector_load %arg12[%get3A_246, %get3A_247] {strides = array<i32>} : memref<256x64xf32, #tpu.memory_space<vmem>>, vector<16xf32>,
      %mul3A_249 = arith.mulf %get3A_245, %get3A_248 : vector<16xf32>
      %add3A_250 = arith.addf %add3A_242, %mul3A_249 : vector<16xf32>
      %add3A_251 = arith.constant 2 : i32
      %add3A_252 = vector.broadcast %add3A_251 : i32 to vector<16xi32>
      %add3A_253 = arith.addi %mul3A_52, %add3A_252 : vector<16xi32>
      tpu.vector_store_idx %arg16[%add3A_253], %add3A_250 : memref<272xf32, #tpu.memory_space<vmem>>[vector<16xi32>], vector<16xf32>,
      %add3A_254 = arith.constant 3 : i32
      %add3A_255 = arith.addi %mul3A_146, %add3A_254 : i32
      %get3A_256 = arith.index_cast %add3A_255 : i32 to index
      %get3A_257 = arith.constant 0 : index
      %get3A_258 = tpu.vector_load %arg11[%get3A_256, %get3A_257] {strides = array<i32>} : memref<256x64xf32, #tpu.memory_space<vmem>>, vector<16xf32>,
      %get3A_259 = arith.index_cast %add3A_255 : i32 to index
      %get3A_260 = arith.constant 0 : index
      %get3A_261 = tpu.vector_load %arg12[%get3A_259, %get3A_260] {strides = array<i32>} : memref<256x64xf32, #tpu.memory_space<vmem>>, vector<16xf32>,
      %mul3A_262 = arith.mulf %get3A_258, %get3A_261 : vector<16xf32>
      %get3A_263 = arith.index_cast %add3A_255 : i32 to index
      %get3A_264 = arith.constant 16 : index
      %get3A_265 = tpu.vector_load %arg11[%get3A_263, %get3A_264] {strides = array<i32>} : memref<256x64xf32, #tpu.memory_space<vmem>>, vector<16xf32>,
      %get3A_266 = arith.index_cast %add3A_255 : i32 to index
      %get3A_267 = arith.constant 16 : index
      %get3A_268 = tpu.vector_load %arg12[%get3A_266, %get3A_267] {strides = array<i32>} : memref<256x64xf32, #tpu.memory_space<vmem>>, vector<16xf32>,
      %mul3A_269 = arith.mulf %get3A_265, %get3A_268 : vector<16xf32>
      %add3A_270 = arith.addf %mul3A_262, %mul3A_269 : vector<16xf32>
      %get3A_271 = arith.index_cast %add3A_255 : i32 to index
      %get3A_272 = arith.constant 32 : index
      %get3A_273 = tpu.vector_load %arg11[%get3A_271, %get3A_272] {strides = array<i32>} : memref<256x64xf32, #tpu.memory_space<vmem>>, vector<16xf32>,
      %get3A_274 = arith.index_cast %add3A_255 : i32 to index
      %get3A_275 = arith.constant 32 : index
      %get3A_276 = tpu.vector_load %arg12[%get3A_274, %get3A_275] {strides = array<i32>} : memref<256x64xf32, #tpu.memory_space<vmem>>, vector<16xf32>,
      %mul3A_277 = arith.mulf %get3A_273, %get3A_276 : vector<16xf32>
      %add3A_278 = arith.addf %add3A_270, %mul3A_277 : vector<16xf32>
      %get3A_279 = arith.index_cast %add3A_255 : i32 to index
      %get3A_280 = arith.constant 48 : index
      %get3A_281 = tpu.vector_load %arg11[%get3A_279, %get3A_280] {strides = array<i32>} : memref<256x64xf32, #tpu.memory_space<vmem>>, vector<16xf32>,
      %get3A_282 = arith.index_cast %add3A_255 : i32 to index
      %get3A_283 = arith.constant 48 : index
      %get3A_284 = tpu.vector_load %arg12[%get3A_282, %get3A_283] {strides = array<i32>} : memref<256x64xf32, #tpu.memory_space<vmem>>, vector<16xf32>,
      %mul3A_285 = arith.mulf %get3A_281, %get3A_284 : vector<16xf32>
      %add3A_286 = arith.addf %add3A_278, %mul3A_285 : vector<16xf32>
      %add3A_287 = arith.constant 3 : i32
      %add3A_288 = vector.broadcast %add3A_287 : i32 to vector<16xi32>
      %add3A_289 = arith.addi %mul3A_52, %add3A_288 : vector<16xi32>
      tpu.vector_store_idx %arg16[%add3A_289], %add3A_286 : memref<272xf32, #tpu.memory_space<vmem>>[vector<16xi32>], vector<16xf32>,
      %add3A_290 = arith.constant 4 : i32
      %add3A_291 = arith.addi %mul3A_146, %add3A_290 : i32
      %get3A_292 = arith.index_cast %add3A_291 : i32 to index
      %get3A_293 = arith.constant 0 : index
      %get3A_294 = tpu.vector_load %arg11[%get3A_292, %get3A_293] {strides = array<i32>} : memref<256x64xf32, #tpu.memory_space<vmem>>, vector<16xf32>,
      %get3A_295 = arith.index_cast %add3A_291 : i32 to index
      %get3A_296 = arith.constant 0 : index
      %get3A_297 = tpu.vector_load %arg12[%get3A_295, %get3A_296] {strides = array<i32>} : memref<256x64xf32, #tpu.memory_space<vmem>>, vector<16xf32>,
      %mul3A_298 = arith.mulf %get3A_294, %get3A_297 : vector<16xf32>
      %get3A_299 = arith.index_cast %add3A_291 : i32 to index
      %get3A_300 = arith.constant 16 : index
      %get3A_301 = tpu.vector_load %arg11[%get3A_299, %get3A_300] {strides = array<i32>} : memref<256x64xf32, #tpu.memory_space<vmem>>, vector<16xf32>,
      %get3A_302 = arith.index_cast %add3A_291 : i32 to index
      %get3A_303 = arith.constant 16 : index
      %get3A_304 = tpu.vector_load %arg12[%get3A_302, %get3A_303] {strides = array<i32>} : memref<256x64xf32, #tpu.memory_space<vmem>>, vector<16xf32>,
      %mul3A_305 = arith.mulf %get3A_301, %get3A_304 : vector<16xf32>
      %add3A_306 = arith.addf %mul3A_298, %mul3A_305 : vector<16xf32>
      %get3A_307 = arith.index_cast %add3A_291 : i32 to index
      %get3A_308 = arith.constant 32 : index
      %get3A_309 = tpu.vector_load %arg11[%get3A_307, %get3A_308] {strides = array<i32>} : memref<256x64xf32, #tpu.memory_space<vmem>>, vector<16xf32>,
      %get3A_310 = arith.index_cast %add3A_291 : i32 to index
      %get3A_311 = arith.constant 32 : index
      %get3A_312 = tpu.vector_load %arg12[%get3A_310, %get3A_311] {strides = array<i32>} : memref<256x64xf32, #tpu.memory_space<vmem>>, vector<16xf32>,
      %mul3A_313 = arith.mulf %get3A_309, %get3A_312 : vector<16xf32>
      %add3A_314 = arith.addf %add3A_306, %mul3A_313 : vector<16xf32>
      %get3A_315 = arith.index_cast %add3A_291 : i32 to index
      %get3A_316 = arith.constant 48 : index
      %get3A_317 = tpu.vector_load %arg11[%get3A_315, %get3A_316] {strides = array<i32>} : memref<256x64xf32, #tpu.memory_space<vmem>>, vector<16xf32>,
      %get3A_318 = arith.index_cast %add3A_291 : i32 to index
      %get3A_319 = arith.constant 48 : index
      %get3A_320 = tpu.vector_load %arg12[%get3A_318, %get3A_319] {strides = array<i32>} : memref<256x64xf32, #tpu.memory_space<vmem>>, vector<16xf32>,
      %mul3A_321 = arith.mulf %get3A_317, %get3A_320 : vector<16xf32>
      %add3A_322 = arith.addf %add3A_314, %mul3A_321 : vector<16xf32>
      %add3A_323 = arith.constant 4 : i32
      %add3A_324 = vector.broadcast %add3A_323 : i32 to vector<16xi32>
      %add3A_325 = arith.addi %mul3A_52, %add3A_324 : vector<16xi32>
      tpu.vector_store_idx %arg16[%add3A_325], %add3A_322 : memref<272xf32, #tpu.memory_space<vmem>>[vector<16xi32>], vector<16xf32>,
      %add3A_326 = arith.constant 5 : i32
      %add3A_327 = arith.addi %mul3A_146, %add3A_326 : i32
      %get3A_328 = arith.index_cast %add3A_327 : i32 to index
      %get3A_329 = arith.constant 0 : index
      %get3A_330 = tpu.vector_load %arg11[%get3A_328, %get3A_329] {strides = array<i32>} : memref<256x64xf32, #tpu.memory_space<vmem>>, vector<16xf32>,
      %get3A_331 = arith.index_cast %add3A_327 : i32 to index
      %get3A_332 = arith.constant 0 : index
      %get3A_333 = tpu.vector_load %arg12[%get3A_331, %get3A_332] {strides = array<i32>} : memref<256x64xf32, #tpu.memory_space<vmem>>, vector<16xf32>,
      %mul3A_334 = arith.mulf %get3A_330, %get3A_333 : vector<16xf32>
      %get3A_335 = arith.index_cast %add3A_327 : i32 to index
      %get3A_336 = arith.constant 16 : index
      %get3A_337 = tpu.vector_load %arg11[%get3A_335, %get3A_336] {strides = array<i32>} : memref<256x64xf32, #tpu.memory_space<vmem>>, vector<16xf32>,
      %get3A_338 = arith.index_cast %add3A_327 : i32 to index
      %get3A_339 = arith.constant 16 : index
      %get3A_340 = tpu.vector_load %arg12[%get3A_338, %get3A_339] {strides = array<i32>} : memref<256x64xf32, #tpu.memory_space<vmem>>, vector<16xf32>,
      %mul3A_341 = arith.mulf %get3A_337, %get3A_340 : vector<16xf32>
      %add3A_342 = arith.addf %mul3A_334, %mul3A_341 : vector<16xf32>
      %get3A_343 = arith.index_cast %add3A_327 : i32 to index
      %get3A_344 = arith.constant 32 : index
      %get3A_345 = tpu.vector_load %arg11[%get3A_343, %get3A_344] {strides = array<i32>} : memref<256x64xf32, #tpu.memory_space<vmem>>, vector<16xf32>,
      %get3A_346 = arith.index_cast %add3A_327 : i32 to index
      %get3A_347 = arith.constant 32 : index
      %get3A_348 = tpu.vector_load %arg12[%get3A_346, %get3A_347] {strides = array<i32>} : memref<256x64xf32, #tpu.memory_space<vmem>>, vector<16xf32>,
      %mul3A_349 = arith.mulf %get3A_345, %get3A_348 : vector<16xf32>
      %add3A_350 = arith.addf %add3A_342, %mul3A_349 : vector<16xf32>
      %get3A_351 = arith.index_cast %add3A_327 : i32 to index
      %get3A_352 = arith.constant 48 : index
      %get3A_353 = tpu.vector_load %arg11[%get3A_351, %get3A_352] {strides = array<i32>} : memref<256x64xf32, #tpu.memory_space<vmem>>, vector<16xf32>,
      %get3A_354 = arith.index_cast %add3A_327 : i32 to index
      %get3A_355 = arith.constant 48 : index
      %get3A_356 = tpu.vector_load %arg12[%get3A_354, %get3A_355] {strides = array<i32>} : memref<256x64xf32, #tpu.memory_space<vmem>>, vector<16xf32>,
      %mul3A_357 = arith.mulf %get3A_353, %get3A_356 : vector<16xf32>
      %add3A_358 = arith.addf %add3A_350, %mul3A_357 : vector<16xf32>
      %add3A_359 = arith.constant 5 : i32
      %add3A_360 = vector.broadcast %add3A_359 : i32 to vector<16xi32>
      %add3A_361 = arith.addi %mul3A_52, %add3A_360 : vector<16xi32>
      tpu.vector_store_idx %arg16[%add3A_361], %add3A_358 : memref<272xf32, #tpu.memory_space<vmem>>[vector<16xi32>], vector<16xf32>,
      %add3A_362 = arith.constant 6 : i32
      %add3A_363 = arith.addi %mul3A_146, %add3A_362 : i32
      %get3A_364 = arith.index_cast %add3A_363 : i32 to index
      %get3A_365 = arith.constant 0 : index
      %get3A_366 = tpu.vector_load %arg11[%get3A_364, %get3A_365] {strides = array<i32>} : memref<256x64xf32, #tpu.memory_space<vmem>>, vector<16xf32>,
      %get3A_367 = arith.index_cast %add3A_363 : i32 to index
      %get3A_368 = arith.constant 0 : index
      %get3A_369 = tpu.vector_load %arg12[%get3A_367, %get3A_368] {strides = array<i32>} : memref<256x64xf32, #tpu.memory_space<vmem>>, vector<16xf32>,
      %mul3A_370 = arith.mulf %get3A_366, %get3A_369 : vector<16xf32>
      %get3A_371 = arith.index_cast %add3A_363 : i32 to index
      %get3A_372 = arith.constant 16 : index
      %get3A_373 = tpu.vector_load %arg11[%get3A_371, %get3A_372] {strides = array<i32>} : memref<256x64xf32, #tpu.memory_space<vmem>>, vector<16xf32>,
      %get3A_374 = arith.index_cast %add3A_363 : i32 to index
      %get3A_375 = arith.constant 16 : index
      %get3A_376 = tpu.vector_load %arg12[%get3A_374, %get3A_375] {strides = array<i32>} : memref<256x64xf32, #tpu.memory_space<vmem>>, vector<16xf32>,
      %mul3A_377 = arith.mulf %get3A_373, %get3A_376 : vector<16xf32>
      %add3A_378 = arith.addf %mul3A_370, %mul3A_377 : vector<16xf32>
      %get3A_379 = arith.index_cast %add3A_363 : i32 to index
      %get3A_380 = arith.constant 32 : index
      %get3A_381 = tpu.vector_load %arg11[%get3A_379, %get3A_380] {strides = array<i32>} : memref<256x64xf32, #tpu.memory_space<vmem>>, vector<16xf32>,
      %get3A_382 = arith.index_cast %add3A_363 : i32 to index
      %get3A_383 = arith.constant 32 : index
      %get3A_384 = tpu.vector_load %arg12[%get3A_382, %get3A_383] {strides = array<i32>} : memref<256x64xf32, #tpu.memory_space<vmem>>, vector<16xf32>,
      %mul3A_385 = arith.mulf %get3A_381, %get3A_384 : vector<16xf32>
      %add3A_386 = arith.addf %add3A_378, %mul3A_385 : vector<16xf32>
      %get3A_387 = arith.index_cast %add3A_363 : i32 to index
      %get3A_388 = arith.constant 48 : index
      %get3A_389 = tpu.vector_load %arg11[%get3A_387, %get3A_388] {strides = array<i32>} : memref<256x64xf32, #tpu.memory_space<vmem>>, vector<16xf32>,
      %get3A_390 = arith.index_cast %add3A_363 : i32 to index
      %get3A_391 = arith.constant 48 : index
      %get3A_392 = tpu.vector_load %arg12[%get3A_390, %get3A_391] {strides = array<i32>} : memref<256x64xf32, #tpu.memory_space<vmem>>, vector<16xf32>,
      %mul3A_393 = arith.mulf %get3A_389, %get3A_392 : vector<16xf32>
      %add3A_394 = arith.addf %add3A_386, %mul3A_393 : vector<16xf32>
      %add3A_395 = arith.constant 6 : i32
      %add3A_396 = vector.broadcast %add3A_395 : i32 to vector<16xi32>
      %add3A_397 = arith.addi %mul3A_52, %add3A_396 : vector<16xi32>
      tpu.vector_store_idx %arg16[%add3A_397], %add3A_394 : memref<272xf32, #tpu.memory_space<vmem>>[vector<16xi32>], vector<16xf32>,
      %add3A_398 = arith.constant 7 : i32
      %add3A_399 = arith.addi %mul3A_146, %add3A_398 : i32
      %get3A_400 = arith.index_cast %add3A_399 : i32 to index
      %get3A_401 = arith.constant 0 : index
      %get3A_402 = tpu.vector_load %arg11[%get3A_400, %get3A_401] {strides = array<i32>} : memref<256x64xf32, #tpu.memory_space<vmem>>, vector<16xf32>,
      %get3A_403 = arith.index_cast %add3A_399 : i32 to index
      %get3A_404 = arith.constant 0 : index
      %get3A_405 = tpu.vector_load %arg12[%get3A_403, %get3A_404] {strides = array<i32>} : memref<256x64xf32, #tpu.memory_space<vmem>>, vector<16xf32>,
      %mul3A_406 = arith.mulf %get3A_402, %get3A_405 : vector<16xf32>
      %get3A_407 = arith.index_cast %add3A_399 : i32 to index
      %get3A_408 = arith.constant 16 : index
      %get3A_409 = tpu.vector_load %arg11[%get3A_407, %get3A_408] {strides = array<i32>} : memref<256x64xf32, #tpu.memory_space<vmem>>, vector<16xf32>,
      %get3A_410 = arith.index_cast %add3A_399 : i32 to index
      %get3A_411 = arith.constant 16 : index
      %get3A_412 = tpu.vector_load %arg12[%get3A_410, %get3A_411] {strides = array<i32>} : memref<256x64xf32, #tpu.memory_space<vmem>>, vector<16xf32>,
      %mul3A_413 = arith.mulf %get3A_409, %get3A_412 : vector<16xf32>
      %add3A_414 = arith.addf %mul3A_406, %mul3A_413 : vector<16xf32>
      %get3A_415 = arith.index_cast %add3A_399 : i32 to index
      %get3A_416 = arith.constant 32 : index
      %get3A_417 = tpu.vector_load %arg11[%get3A_415, %get3A_416] {strides = array<i32>} : memref<256x64xf32, #tpu.memory_space<vmem>>, vector<16xf32>,
      %get3A_418 = arith.index_cast %add3A_399 : i32 to index
      %get3A_419 = arith.constant 32 : index
      %get3A_420 = tpu.vector_load %arg12[%get3A_418, %get3A_419] {strides = array<i32>} : memref<256x64xf32, #tpu.memory_space<vmem>>, vector<16xf32>,
      %mul3A_421 = arith.mulf %get3A_417, %get3A_420 : vector<16xf32>
      %add3A_422 = arith.addf %add3A_414, %mul3A_421 : vector<16xf32>
      %get3A_423 = arith.index_cast %add3A_399 : i32 to index
      %get3A_424 = arith.constant 48 : index
      %get3A_425 = tpu.vector_load %arg11[%get3A_423, %get3A_424] {strides = array<i32>} : memref<256x64xf32, #tpu.memory_space<vmem>>, vector<16xf32>,
      %get3A_426 = arith.index_cast %add3A_399 : i32 to index
      %get3A_427 = arith.constant 48 : index
      %get3A_428 = tpu.vector_load %arg12[%get3A_426, %get3A_427] {strides = array<i32>} : memref<256x64xf32, #tpu.memory_space<vmem>>, vector<16xf32>,
      %mul3A_429 = arith.mulf %get3A_425, %get3A_428 : vector<16xf32>
      %add3A_430 = arith.addf %add3A_422, %mul3A_429 : vector<16xf32>
      %add3A_431 = arith.constant 7 : i32
      %add3A_432 = vector.broadcast %add3A_431 : i32 to vector<16xi32>
      %add3A_433 = arith.addi %mul3A_52, %add3A_432 : vector<16xi32>
      tpu.vector_store_idx %arg16[%add3A_433], %add3A_430 : memref<272xf32, #tpu.memory_space<vmem>>[vector<16xi32>], vector<16xf32>,
      %add3A_434 = arith.constant 8 : i32
      %add3A_435 = arith.addi %mul3A_146, %add3A_434 : i32
      %get3A_436 = arith.index_cast %add3A_435 : i32 to index
      %get3A_437 = arith.constant 0 : index
      %get3A_438 = tpu.vector_load %arg11[%get3A_436, %get3A_437] {strides = array<i32>} : memref<256x64xf32, #tpu.memory_space<vmem>>, vector<16xf32>,
      %get3A_439 = arith.index_cast %add3A_435 : i32 to index
      %get3A_440 = arith.constant 0 : index
      %get3A_441 = tpu.vector_load %arg12[%get3A_439, %get3A_440] {strides = array<i32>} : memref<256x64xf32, #tpu.memory_space<vmem>>, vector<16xf32>,
      %mul3A_442 = arith.mulf %get3A_438, %get3A_441 : vector<16xf32>
      %get3A_443 = arith.index_cast %add3A_435 : i32 to index
      %get3A_444 = arith.constant 16 : index
      %get3A_445 = tpu.vector_load %arg11[%get3A_443, %get3A_444] {strides = array<i32>} : memref<256x64xf32, #tpu.memory_space<vmem>>, vector<16xf32>,
      %get3A_446 = arith.index_cast %add3A_435 : i32 to index
      %get3A_447 = arith.constant 16 : index
      %get3A_448 = tpu.vector_load %arg12[%get3A_446, %get3A_447] {strides = array<i32>} : memref<256x64xf32, #tpu.memory_space<vmem>>, vector<16xf32>,
      %mul3A_449 = arith.mulf %get3A_445, %get3A_448 : vector<16xf32>
      %add3A_450 = arith.addf %mul3A_442, %mul3A_449 : vector<16xf32>
      %get3A_451 = arith.index_cast %add3A_435 : i32 to index
      %get3A_452 = arith.constant 32 : index
      %get3A_453 = tpu.vector_load %arg11[%get3A_451, %get3A_452] {strides = array<i32>} : memref<256x64xf32, #tpu.memory_space<vmem>>, vector<16xf32>,
      %get3A_454 = arith.index_cast %add3A_435 : i32 to index
      %get3A_455 = arith.constant 32 : index
      %get3A_456 = tpu.vector_load %arg12[%get3A_454, %get3A_455] {strides = array<i32>} : memref<256x64xf32, #tpu.memory_space<vmem>>, vector<16xf32>,
      %mul3A_457 = arith.mulf %get3A_453, %get3A_456 : vector<16xf32>
      %add3A_458 = arith.addf %add3A_450, %mul3A_457 : vector<16xf32>
      %get3A_459 = arith.index_cast %add3A_435 : i32 to index
      %get3A_460 = arith.constant 48 : index
      %get3A_461 = tpu.vector_load %arg11[%get3A_459, %get3A_460] {strides = array<i32>} : memref<256x64xf32, #tpu.memory_space<vmem>>, vector<16xf32>,
      %get3A_462 = arith.index_cast %add3A_435 : i32 to index
      %get3A_463 = arith.constant 48 : index
      %get3A_464 = tpu.vector_load %arg12[%get3A_462, %get3A_463] {strides = array<i32>} : memref<256x64xf32, #tpu.memory_space<vmem>>, vector<16xf32>,
      %mul3A_465 = arith.mulf %get3A_461, %get3A_464 : vector<16xf32>
      %add3A_466 = arith.addf %add3A_458, %mul3A_465 : vector<16xf32>
      %add3A_467 = arith.constant 8 : i32
      %add3A_468 = vector.broadcast %add3A_467 : i32 to vector<16xi32>
      %add3A_469 = arith.addi %mul3A_52, %add3A_468 : vector<16xi32>
      tpu.vector_store_idx %arg16[%add3A_469], %add3A_466 : memref<272xf32, #tpu.memory_space<vmem>>[vector<16xi32>], vector<16xf32>,
      %add3A_470 = arith.constant 9 : i32
      %add3A_471 = arith.addi %mul3A_146, %add3A_470 : i32
      %get3A_472 = arith.index_cast %add3A_471 : i32 to index
      %get3A_473 = arith.constant 0 : index
      %get3A_474 = tpu.vector_load %arg11[%get3A_472, %get3A_473] {strides = array<i32>} : memref<256x64xf32, #tpu.memory_space<vmem>>, vector<16xf32>,
      %get3A_475 = arith.index_cast %add3A_471 : i32 to index
      %get3A_476 = arith.constant 0 : index
      %get3A_477 = tpu.vector_load %arg12[%get3A_475, %get3A_476] {strides = array<i32>} : memref<256x64xf32, #tpu.memory_space<vmem>>, vector<16xf32>,
      %mul3A_478 = arith.mulf %get3A_474, %get3A_477 : vector<16xf32>
      %get3A_479 = arith.index_cast %add3A_471 : i32 to index
      %get3A_480 = arith.constant 16 : index
      %get3A_481 = tpu.vector_load %arg11[%get3A_479, %get3A_480] {strides = array<i32>} : memref<256x64xf32, #tpu.memory_space<vmem>>, vector<16xf32>,
      %get3A_482 = arith.index_cast %add3A_471 : i32 to index
      %get3A_483 = arith.constant 16 : index
      %get3A_484 = tpu.vector_load %arg12[%get3A_482, %get3A_483] {strides = array<i32>} : memref<256x64xf32, #tpu.memory_space<vmem>>, vector<16xf32>,
      %mul3A_485 = arith.mulf %get3A_481, %get3A_484 : vector<16xf32>
      %add3A_486 = arith.addf %mul3A_478, %mul3A_485 : vector<16xf32>
      %get3A_487 = arith.index_cast %add3A_471 : i32 to index
      %get3A_488 = arith.constant 32 : index
      %get3A_489 = tpu.vector_load %arg11[%get3A_487, %get3A_488] {strides = array<i32>} : memref<256x64xf32, #tpu.memory_space<vmem>>, vector<16xf32>,
      %get3A_490 = arith.index_cast %add3A_471 : i32 to index
      %get3A_491 = arith.constant 32 : index
      %get3A_492 = tpu.vector_load %arg12[%get3A_490, %get3A_491] {strides = array<i32>} : memref<256x64xf32, #tpu.memory_space<vmem>>, vector<16xf32>,
      %mul3A_493 = arith.mulf %get3A_489, %get3A_492 : vector<16xf32>
      %add3A_494 = arith.addf %add3A_486, %mul3A_493 : vector<16xf32>
      %get3A_495 = arith.index_cast %add3A_471 : i32 to index
      %get3A_496 = arith.constant 48 : index
      %get3A_497 = tpu.vector_load %arg11[%get3A_495, %get3A_496] {strides = array<i32>} : memref<256x64xf32, #tpu.memory_space<vmem>>, vector<16xf32>,
      %get3A_498 = arith.index_cast %add3A_471 : i32 to index
      %get3A_499 = arith.constant 48 : index
      %get3A_500 = tpu.vector_load %arg12[%get3A_498, %get3A_499] {strides = array<i32>} : memref<256x64xf32, #tpu.memory_space<vmem>>, vector<16xf32>,
      %mul3A_501 = arith.mulf %get3A_497, %get3A_500 : vector<16xf32>
      %add3A_502 = arith.addf %add3A_494, %mul3A_501 : vector<16xf32>
      %add3A_503 = arith.constant 9 : i32
      %add3A_504 = vector.broadcast %add3A_503 : i32 to vector<16xi32>
      %add3A_505 = arith.addi %mul3A_52, %add3A_504 : vector<16xi32>
      tpu.vector_store_idx %arg16[%add3A_505], %add3A_502 : memref<272xf32, #tpu.memory_space<vmem>>[vector<16xi32>], vector<16xf32>,
      %add3A_506 = arith.constant 10 : i32
      %add3A_507 = arith.addi %mul3A_146, %add3A_506 : i32
      %get3A_508 = arith.index_cast %add3A_507 : i32 to index
      %get3A_509 = arith.constant 0 : index
      %get3A_510 = tpu.vector_load %arg11[%get3A_508, %get3A_509] {strides = array<i32>} : memref<256x64xf32, #tpu.memory_space<vmem>>, vector<16xf32>,
      %get3A_511 = arith.index_cast %add3A_507 : i32 to index
      %get3A_512 = arith.constant 0 : index
      %get3A_513 = tpu.vector_load %arg12[%get3A_511, %get3A_512] {strides = array<i32>} : memref<256x64xf32, #tpu.memory_space<vmem>>, vector<16xf32>,
      %mul3A_514 = arith.mulf %get3A_510, %get3A_513 : vector<16xf32>
      %get3A_515 = arith.index_cast %add3A_507 : i32 to index
      %get3A_516 = arith.constant 16 : index
      %get3A_517 = tpu.vector_load %arg11[%get3A_515, %get3A_516] {strides = array<i32>} : memref<256x64xf32, #tpu.memory_space<vmem>>, vector<16xf32>,
      %get3A_518 = arith.index_cast %add3A_507 : i32 to index
      %get3A_519 = arith.constant 16 : index
      %get3A_520 = tpu.vector_load %arg12[%get3A_518, %get3A_519] {strides = array<i32>} : memref<256x64xf32, #tpu.memory_space<vmem>>, vector<16xf32>,
      %mul3A_521 = arith.mulf %get3A_517, %get3A_520 : vector<16xf32>
      %add3A_522 = arith.addf %mul3A_514, %mul3A_521 : vector<16xf32>
      %get3A_523 = arith.index_cast %add3A_507 : i32 to index
      %get3A_524 = arith.constant 32 : index
      %get3A_525 = tpu.vector_load %arg11[%get3A_523, %get3A_524] {strides = array<i32>} : memref<256x64xf32, #tpu.memory_space<vmem>>, vector<16xf32>,
      %get3A_526 = arith.index_cast %add3A_507 : i32 to index
      %get3A_527 = arith.constant 32 : index
      %get3A_528 = tpu.vector_load %arg12[%get3A_526, %get3A_527] {strides = array<i32>} : memref<256x64xf32, #tpu.memory_space<vmem>>, vector<16xf32>,
      %mul3A_529 = arith.mulf %get3A_525, %get3A_528 : vector<16xf32>
      %add3A_530 = arith.addf %add3A_522, %mul3A_529 : vector<16xf32>
      %get3A_531 = arith.index_cast %add3A_507 : i32 to index
      %get3A_532 = arith.constant 48 : index
      %get3A_533 = tpu.vector_load %arg11[%get3A_531, %get3A_532] {strides = array<i32>} : memref<256x64xf32, #tpu.memory_space<vmem>>, vector<16xf32>,
      %get3A_534 = arith.index_cast %add3A_507 : i32 to index
      %get3A_535 = arith.constant 48 : index
      %get3A_536 = tpu.vector_load %arg12[%get3A_534, %get3A_535] {strides = array<i32>} : memref<256x64xf32, #tpu.memory_space<vmem>>, vector<16xf32>,
      %mul3A_537 = arith.mulf %get3A_533, %get3A_536 : vector<16xf32>
      %add3A_538 = arith.addf %add3A_530, %mul3A_537 : vector<16xf32>
      %add3A_539 = arith.constant 10 : i32
      %add3A_540 = vector.broadcast %add3A_539 : i32 to vector<16xi32>
      %add3A_541 = arith.addi %mul3A_52, %add3A_540 : vector<16xi32>
      tpu.vector_store_idx %arg16[%add3A_541], %add3A_538 : memref<272xf32, #tpu.memory_space<vmem>>[vector<16xi32>], vector<16xf32>,
      %add3A_542 = arith.constant 11 : i32
      %add3A_543 = arith.addi %mul3A_146, %add3A_542 : i32
      %get3A_544 = arith.index_cast %add3A_543 : i32 to index
      %get3A_545 = arith.constant 0 : index
      %get3A_546 = tpu.vector_load %arg11[%get3A_544, %get3A_545] {strides = array<i32>} : memref<256x64xf32, #tpu.memory_space<vmem>>, vector<16xf32>,
      %get3A_547 = arith.index_cast %add3A_543 : i32 to index
      %get3A_548 = arith.constant 0 : index
      %get3A_549 = tpu.vector_load %arg12[%get3A_547, %get3A_548] {strides = array<i32>} : memref<256x64xf32, #tpu.memory_space<vmem>>, vector<16xf32>,
      %mul3A_550 = arith.mulf %get3A_546, %get3A_549 : vector<16xf32>
      %get3A_551 = arith.index_cast %add3A_543 : i32 to index
      %get3A_552 = arith.constant 16 : index
      %get3A_553 = tpu.vector_load %arg11[%get3A_551, %get3A_552] {strides = array<i32>} : memref<256x64xf32, #tpu.memory_space<vmem>>, vector<16xf32>,
      %get3A_554 = arith.index_cast %add3A_543 : i32 to index
      %get3A_555 = arith.constant 16 : index
      %get3A_556 = tpu.vector_load %arg12[%get3A_554, %get3A_555] {strides = array<i32>} : memref<256x64xf32, #tpu.memory_space<vmem>>, vector<16xf32>,
      %mul3A_557 = arith.mulf %get3A_553, %get3A_556 : vector<16xf32>
      %add3A_558 = arith.addf %mul3A_550, %mul3A_557 : vector<16xf32>
      %get3A_559 = arith.index_cast %add3A_543 : i32 to index
      %get3A_560 = arith.constant 32 : index
      %get3A_561 = tpu.vector_load %arg11[%get3A_559, %get3A_560] {strides = array<i32>} : memref<256x64xf32, #tpu.memory_space<vmem>>, vector<16xf32>,
      %get3A_562 = arith.index_cast %add3A_543 : i32 to index
      %get3A_563 = arith.constant 32 : index
      %get3A_564 = tpu.vector_load %arg12[%get3A_562, %get3A_563] {strides = array<i32>} : memref<256x64xf32, #tpu.memory_space<vmem>>, vector<16xf32>,
      %mul3A_565 = arith.mulf %get3A_561, %get3A_564 : vector<16xf32>
      %add3A_566 = arith.addf %add3A_558, %mul3A_565 : vector<16xf32>
      %get3A_567 = arith.index_cast %add3A_543 : i32 to index
      %get3A_568 = arith.constant 48 : index
      %get3A_569 = tpu.vector_load %arg11[%get3A_567, %get3A_568] {strides = array<i32>} : memref<256x64xf32, #tpu.memory_space<vmem>>, vector<16xf32>,
      %get3A_570 = arith.index_cast %add3A_543 : i32 to index
      %get3A_571 = arith.constant 48 : index
      %get3A_572 = tpu.vector_load %arg12[%get3A_570, %get3A_571] {strides = array<i32>} : memref<256x64xf32, #tpu.memory_space<vmem>>, vector<16xf32>,
      %mul3A_573 = arith.mulf %get3A_569, %get3A_572 : vector<16xf32>
      %add3A_574 = arith.addf %add3A_566, %mul3A_573 : vector<16xf32>
      %add3A_575 = arith.constant 11 : i32
      %add3A_576 = vector.broadcast %add3A_575 : i32 to vector<16xi32>
      %add3A_577 = arith.addi %mul3A_52, %add3A_576 : vector<16xi32>
      tpu.vector_store_idx %arg16[%add3A_577], %add3A_574 : memref<272xf32, #tpu.memory_space<vmem>>[vector<16xi32>], vector<16xf32>,
      %add3A_578 = arith.constant 12 : i32
      %add3A_579 = arith.addi %mul3A_146, %add3A_578 : i32
      %get3A_580 = arith.index_cast %add3A_579 : i32 to index
      %get3A_581 = arith.constant 0 : index
      %get3A_582 = tpu.vector_load %arg11[%get3A_580, %get3A_581] {strides = array<i32>} : memref<256x64xf32, #tpu.memory_space<vmem>>, vector<16xf32>,
      %get3A_583 = arith.index_cast %add3A_579 : i32 to index
      %get3A_584 = arith.constant 0 : index
      %get3A_585 = tpu.vector_load %arg12[%get3A_583, %get3A_584] {strides = array<i32>} : memref<256x64xf32, #tpu.memory_space<vmem>>, vector<16xf32>,
      %mul3A_586 = arith.mulf %get3A_582, %get3A_585 : vector<16xf32>
      %get3A_587 = arith.index_cast %add3A_579 : i32 to index
      %get3A_588 = arith.constant 16 : index
      %get3A_589 = tpu.vector_load %arg11[%get3A_587, %get3A_588] {strides = array<i32>} : memref<256x64xf32, #tpu.memory_space<vmem>>, vector<16xf32>,
      %get3A_590 = arith.index_cast %add3A_579 : i32 to index
      %get3A_591 = arith.constant 16 : index
      %get3A_592 = tpu.vector_load %arg12[%get3A_590, %get3A_591] {strides = array<i32>} : memref<256x64xf32, #tpu.memory_space<vmem>>, vector<16xf32>,
      %mul3A_593 = arith.mulf %get3A_589, %get3A_592 : vector<16xf32>
      %add3A_594 = arith.addf %mul3A_586, %mul3A_593 : vector<16xf32>
      %get3A_595 = arith.index_cast %add3A_579 : i32 to index
      %get3A_596 = arith.constant 32 : index
      %get3A_597 = tpu.vector_load %arg11[%get3A_595, %get3A_596] {strides = array<i32>} : memref<256x64xf32, #tpu.memory_space<vmem>>, vector<16xf32>,
      %get3A_598 = arith.index_cast %add3A_579 : i32 to index
      %get3A_599 = arith.constant 32 : index
      %get3A_600 = tpu.vector_load %arg12[%get3A_598, %get3A_599] {strides = array<i32>} : memref<256x64xf32, #tpu.memory_space<vmem>>, vector<16xf32>,
      %mul3A_601 = arith.mulf %get3A_597, %get3A_600 : vector<16xf32>
      %add3A_602 = arith.addf %add3A_594, %mul3A_601 : vector<16xf32>
      %get3A_603 = arith.index_cast %add3A_579 : i32 to index
      %get3A_604 = arith.constant 48 : index
      %get3A_605 = tpu.vector_load %arg11[%get3A_603, %get3A_604] {strides = array<i32>} : memref<256x64xf32, #tpu.memory_space<vmem>>, vector<16xf32>,
      %get3A_606 = arith.index_cast %add3A_579 : i32 to index
      %get3A_607 = arith.constant 48 : index
      %get3A_608 = tpu.vector_load %arg12[%get3A_606, %get3A_607] {strides = array<i32>} : memref<256x64xf32, #tpu.memory_space<vmem>>, vector<16xf32>,
      %mul3A_609 = arith.mulf %get3A_605, %get3A_608 : vector<16xf32>
      %add3A_610 = arith.addf %add3A_602, %mul3A_609 : vector<16xf32>
      %add3A_611 = arith.constant 12 : i32
      %add3A_612 = vector.broadcast %add3A_611 : i32 to vector<16xi32>
      %add3A_613 = arith.addi %mul3A_52, %add3A_612 : vector<16xi32>
      tpu.vector_store_idx %arg16[%add3A_613], %add3A_610 : memref<272xf32, #tpu.memory_space<vmem>>[vector<16xi32>], vector<16xf32>,
      %add3A_614 = arith.constant 13 : i32
      %add3A_615 = arith.addi %mul3A_146, %add3A_614 : i32
      %get3A_616 = arith.index_cast %add3A_615 : i32 to index
      %get3A_617 = arith.constant 0 : index
      %get3A_618 = tpu.vector_load %arg11[%get3A_616, %get3A_617] {strides = array<i32>} : memref<256x64xf32, #tpu.memory_space<vmem>>, vector<16xf32>,
      %get3A_619 = arith.index_cast %add3A_615 : i32 to index
      %get3A_620 = arith.constant 0 : index
      %get3A_621 = tpu.vector_load %arg12[%get3A_619, %get3A_620] {strides = array<i32>} : memref<256x64xf32, #tpu.memory_space<vmem>>, vector<16xf32>,
      %mul3A_622 = arith.mulf %get3A_618, %get3A_621 : vector<16xf32>
      %get3A_623 = arith.index_cast %add3A_615 : i32 to index
      %get3A_624 = arith.constant 16 : index
      %get3A_625 = tpu.vector_load %arg11[%get3A_623, %get3A_624] {strides = array<i32>} : memref<256x64xf32, #tpu.memory_space<vmem>>, vector<16xf32>,
      %get3A_626 = arith.index_cast %add3A_615 : i32 to index
      %get3A_627 = arith.constant 16 : index
      %get3A_628 = tpu.vector_load %arg12[%get3A_626, %get3A_627] {strides = array<i32>} : memref<256x64xf32, #tpu.memory_space<vmem>>, vector<16xf32>,
      %mul3A_629 = arith.mulf %get3A_625, %get3A_628 : vector<16xf32>
      %add3A_630 = arith.addf %mul3A_622, %mul3A_629 : vector<16xf32>
      %get3A_631 = arith.index_cast %add3A_615 : i32 to index
      %get3A_632 = arith.constant 32 : index
      %get3A_633 = tpu.vector_load %arg11[%get3A_631, %get3A_632] {strides = array<i32>} : memref<256x64xf32, #tpu.memory_space<vmem>>, vector<16xf32>,
      %get3A_634 = arith.index_cast %add3A_615 : i32 to index
      %get3A_635 = arith.constant 32 : index
      %get3A_636 = tpu.vector_load %arg12[%get3A_634, %get3A_635] {strides = array<i32>} : memref<256x64xf32, #tpu.memory_space<vmem>>, vector<16xf32>,
      %mul3A_637 = arith.mulf %get3A_633, %get3A_636 : vector<16xf32>
      %add3A_638 = arith.addf %add3A_630, %mul3A_637 : vector<16xf32>
      %get3A_639 = arith.index_cast %add3A_615 : i32 to index
      %get3A_640 = arith.constant 48 : index
      %get3A_641 = tpu.vector_load %arg11[%get3A_639, %get3A_640] {strides = array<i32>} : memref<256x64xf32, #tpu.memory_space<vmem>>, vector<16xf32>,
      %get3A_642 = arith.index_cast %add3A_615 : i32 to index
      %get3A_643 = arith.constant 48 : index
      %get3A_644 = tpu.vector_load %arg12[%get3A_642, %get3A_643] {strides = array<i32>} : memref<256x64xf32, #tpu.memory_space<vmem>>, vector<16xf32>,
      %mul3A_645 = arith.mulf %get3A_641, %get3A_644 : vector<16xf32>
      %add3A_646 = arith.addf %add3A_638, %mul3A_645 : vector<16xf32>
      %add3A_647 = arith.constant 13 : i32
      %add3A_648 = vector.broadcast %add3A_647 : i32 to vector<16xi32>
      %add3A_649 = arith.addi %mul3A_52, %add3A_648 : vector<16xi32>
      tpu.vector_store_idx %arg16[%add3A_649], %add3A_646 : memref<272xf32, #tpu.memory_space<vmem>>[vector<16xi32>], vector<16xf32>,
      %add3A_650 = arith.constant 14 : i32
      %add3A_651 = arith.addi %mul3A_146, %add3A_650 : i32
      %get3A_652 = arith.index_cast %add3A_651 : i32 to index
      %get3A_653 = arith.constant 0 : index
      %get3A_654 = tpu.vector_load %arg11[%get3A_652, %get3A_653] {strides = array<i32>} : memref<256x64xf32, #tpu.memory_space<vmem>>, vector<16xf32>,
      %get3A_655 = arith.index_cast %add3A_651 : i32 to index
      %get3A_656 = arith.constant 0 : index
      %get3A_657 = tpu.vector_load %arg12[%get3A_655, %get3A_656] {strides = array<i32>} : memref<256x64xf32, #tpu.memory_space<vmem>>, vector<16xf32>,
      %mul3A_658 = arith.mulf %get3A_654, %get3A_657 : vector<16xf32>
      %get3A_659 = arith.index_cast %add3A_651 : i32 to index
      %get3A_660 = arith.constant 16 : index
      %get3A_661 = tpu.vector_load %arg11[%get3A_659, %get3A_660] {strides = array<i32>} : memref<256x64xf32, #tpu.memory_space<vmem>>, vector<16xf32>,
      %get3A_662 = arith.index_cast %add3A_651 : i32 to index
      %get3A_663 = arith.constant 16 : index
      %get3A_664 = tpu.vector_load %arg12[%get3A_662, %get3A_663] {strides = array<i32>} : memref<256x64xf32, #tpu.memory_space<vmem>>, vector<16xf32>,
      %mul3A_665 = arith.mulf %get3A_661, %get3A_664 : vector<16xf32>
      %add3A_666 = arith.addf %mul3A_658, %mul3A_665 : vector<16xf32>
      %get3A_667 = arith.index_cast %add3A_651 : i32 to index
      %get3A_668 = arith.constant 32 : index
      %get3A_669 = tpu.vector_load %arg11[%get3A_667, %get3A_668] {strides = array<i32>} : memref<256x64xf32, #tpu.memory_space<vmem>>, vector<16xf32>,
      %get3A_670 = arith.index_cast %add3A_651 : i32 to index
      %get3A_671 = arith.constant 32 : index
      %get3A_672 = tpu.vector_load %arg12[%get3A_670, %get3A_671] {strides = array<i32>} : memref<256x64xf32, #tpu.memory_space<vmem>>, vector<16xf32>,
      %mul3A_673 = arith.mulf %get3A_669, %get3A_672 : vector<16xf32>
      %add3A_674 = arith.addf %add3A_666, %mul3A_673 : vector<16xf32>
      %get3A_675 = arith.index_cast %add3A_651 : i32 to index
      %get3A_676 = arith.constant 48 : index
      %get3A_677 = tpu.vector_load %arg11[%get3A_675, %get3A_676] {strides = array<i32>} : memref<256x64xf32, #tpu.memory_space<vmem>>, vector<16xf32>,
      %get3A_678 = arith.index_cast %add3A_651 : i32 to index
      %get3A_679 = arith.constant 48 : index
      %get3A_680 = tpu.vector_load %arg12[%get3A_678, %get3A_679] {strides = array<i32>} : memref<256x64xf32, #tpu.memory_space<vmem>>, vector<16xf32>,
      %mul3A_681 = arith.mulf %get3A_677, %get3A_680 : vector<16xf32>
      %add3A_682 = arith.addf %add3A_674, %mul3A_681 : vector<16xf32>
      %add3A_683 = arith.constant 14 : i32
      %add3A_684 = vector.broadcast %add3A_683 : i32 to vector<16xi32>
      %add3A_685 = arith.addi %mul3A_52, %add3A_684 : vector<16xi32>
      tpu.vector_store_idx %arg16[%add3A_685], %add3A_682 : memref<272xf32, #tpu.memory_space<vmem>>[vector<16xi32>], vector<16xf32>,
      %add3A_686 = arith.constant 15 : i32
      %add3A_687 = arith.addi %mul3A_146, %add3A_686 : i32
      %get3A_688 = arith.index_cast %add3A_687 : i32 to index
      %get3A_689 = arith.constant 0 : index
      %get3A_690 = tpu.vector_load %arg11[%get3A_688, %get3A_689] {strides = array<i32>} : memref<256x64xf32, #tpu.memory_space<vmem>>, vector<16xf32>,
      %get3A_691 = arith.index_cast %add3A_687 : i32 to index
      %get3A_692 = arith.constant 0 : index
      %get3A_693 = tpu.vector_load %arg12[%get3A_691, %get3A_692] {strides = array<i32>} : memref<256x64xf32, #tpu.memory_space<vmem>>, vector<16xf32>,
      %mul3A_694 = arith.mulf %get3A_690, %get3A_693 : vector<16xf32>
      %get3A_695 = arith.index_cast %add3A_687 : i32 to index
      %get3A_696 = arith.constant 16 : index
      %get3A_697 = tpu.vector_load %arg11[%get3A_695, %get3A_696] {strides = array<i32>} : memref<256x64xf32, #tpu.memory_space<vmem>>, vector<16xf32>,
      %get3A_698 = arith.index_cast %add3A_687 : i32 to index
      %get3A_699 = arith.constant 16 : index
      %get3A_700 = tpu.vector_load %arg12[%get3A_698, %get3A_699] {strides = array<i32>} : memref<256x64xf32, #tpu.memory_space<vmem>>, vector<16xf32>,
      %mul3A_701 = arith.mulf %get3A_697, %get3A_700 : vector<16xf32>
      %add3A_702 = arith.addf %mul3A_694, %mul3A_701 : vector<16xf32>
      %get3A_703 = arith.index_cast %add3A_687 : i32 to index
      %get3A_704 = arith.constant 32 : index
      %get3A_705 = tpu.vector_load %arg11[%get3A_703, %get3A_704] {strides = array<i32>} : memref<256x64xf32, #tpu.memory_space<vmem>>, vector<16xf32>,
      %get3A_706 = arith.index_cast %add3A_687 : i32 to index
      %get3A_707 = arith.constant 32 : index
      %get3A_708 = tpu.vector_load %arg12[%get3A_706, %get3A_707] {strides = array<i32>} : memref<256x64xf32, #tpu.memory_space<vmem>>, vector<16xf32>,
      %mul3A_709 = arith.mulf %get3A_705, %get3A_708 : vector<16xf32>
      %add3A_710 = arith.addf %add3A_702, %mul3A_709 : vector<16xf32>
      %get3A_711 = arith.index_cast %add3A_687 : i32 to index
      %get3A_712 = arith.constant 48 : index
      %get3A_713 = tpu.vector_load %arg11[%get3A_711, %get3A_712] {strides = array<i32>} : memref<256x64xf32, #tpu.memory_space<vmem>>, vector<16xf32>,
      %get3A_714 = arith.index_cast %add3A_687 : i32 to index
      %get3A_715 = arith.constant 48 : index
      %get3A_716 = tpu.vector_load %arg12[%get3A_714, %get3A_715] {strides = array<i32>} : memref<256x64xf32, #tpu.memory_space<vmem>>, vector<16xf32>,
      %mul3A_717 = arith.mulf %get3A_713, %get3A_716 : vector<16xf32>
      %add3A_718 = arith.addf %add3A_710, %mul3A_717 : vector<16xf32>
      %add3A_719 = arith.constant 15 : i32
      %add3A_720 = vector.broadcast %add3A_719 : i32 to vector<16xi32>
      %add3A_721 = arith.addi %mul3A_52, %add3A_720 : vector<16xi32>
      tpu.vector_store_idx %arg16[%add3A_721], %add3A_718 : memref<272xf32, #tpu.memory_space<vmem>>[vector<16xi32>], vector<16xf32>,
      %get3A_722 = arith.constant 0 : index
      %get3A_723 = tpu.vector_load %arg16[%get3A_722] {strides = array<i32>} : memref<272xf32, #tpu.memory_space<vmem>>, vector<16xf32>,
      %get3A_724 = arith.constant 17 : index
      %get3A_725 = tpu.vector_load %arg16[%get3A_724] {strides = array<i32>} : memref<272xf32, #tpu.memory_space<vmem>>, vector<16xf32>,
      %add3A_726 = arith.addf %get3A_723, %get3A_725 : vector<16xf32>
      %get3A_727 = arith.constant 34 : index
      %get3A_728 = tpu.vector_load %arg16[%get3A_727] {strides = array<i32>} : memref<272xf32, #tpu.memory_space<vmem>>, vector<16xf32>,
      %add3A_729 = arith.addf %add3A_726, %get3A_728 : vector<16xf32>
      %get3A_730 = arith.constant 51 : index
      %get3A_731 = tpu.vector_load %arg16[%get3A_730] {strides = array<i32>} : memref<272xf32, #tpu.memory_space<vmem>>, vector<16xf32>,
      %add3A_732 = arith.addf %add3A_729, %get3A_731 : vector<16xf32>
      %get3A_733 = arith.constant 68 : index
      %get3A_734 = tpu.vector_load %arg16[%get3A_733] {strides = array<i32>} : memref<272xf32, #tpu.memory_space<vmem>>, vector<16xf32>,
      %add3A_735 = arith.addf %add3A_732, %get3A_734 : vector<16xf32>
      %get3A_736 = arith.constant 85 : index
      %get3A_737 = tpu.vector_load %arg16[%get3A_736] {strides = array<i32>} : memref<272xf32, #tpu.memory_space<vmem>>, vector<16xf32>,
      %add3A_738 = arith.addf %add3A_735, %get3A_737 : vector<16xf32>
      %get3A_739 = arith.constant 102 : index
      %get3A_740 = tpu.vector_load %arg16[%get3A_739] {strides = array<i32>} : memref<272xf32, #tpu.memory_space<vmem>>, vector<16xf32>,
      %add3A_741 = arith.addf %add3A_738, %get3A_740 : vector<16xf32>
      %get3A_742 = arith.constant 119 : index
      %get3A_743 = tpu.vector_load %arg16[%get3A_742] {strides = array<i32>} : memref<272xf32, #tpu.memory_space<vmem>>, vector<16xf32>,
      %add3A_744 = arith.addf %add3A_741, %get3A_743 : vector<16xf32>
      %get3A_745 = arith.constant 136 : index
      %get3A_746 = tpu.vector_load %arg16[%get3A_745] {strides = array<i32>} : memref<272xf32, #tpu.memory_space<vmem>>, vector<16xf32>,
      %add3A_747 = arith.addf %add3A_744, %get3A_746 : vector<16xf32>
      %get3A_748 = arith.constant 153 : index
      %get3A_749 = tpu.vector_load %arg16[%get3A_748] {strides = array<i32>} : memref<272xf32, #tpu.memory_space<vmem>>, vector<16xf32>,
      %add3A_750 = arith.addf %add3A_747, %get3A_749 : vector<16xf32>
      %get3A_751 = arith.constant 170 : index
      %get3A_752 = tpu.vector_load %arg16[%get3A_751] {strides = array<i32>} : memref<272xf32, #tpu.memory_space<vmem>>, vector<16xf32>,
      %add3A_753 = arith.addf %add3A_750, %get3A_752 : vector<16xf32>
      %get3A_754 = arith.constant 187 : index
      %get3A_755 = tpu.vector_load %arg16[%get3A_754] {strides = array<i32>} : memref<272xf32, #tpu.memory_space<vmem>>, vector<16xf32>,
      %add3A_756 = arith.addf %add3A_753, %get3A_755 : vector<16xf32>
      %get3A_757 = arith.constant 204 : index
      %get3A_758 = tpu.vector_load %arg16[%get3A_757] {strides = array<i32>} : memref<272xf32, #tpu.memory_space<vmem>>, vector<16xf32>,
      %add3A_759 = arith.addf %add3A_756, %get3A_758 : vector<16xf32>
      %get3A_760 = arith.constant 221 : index
      %get3A_761 = tpu.vector_load %arg16[%get3A_760] {strides = array<i32>} : memref<272xf32, #tpu.memory_space<vmem>>, vector<16xf32>,
      %add3A_762 = arith.addf %add3A_759, %get3A_761 : vector<16xf32>
      %get3A_763 = arith.constant 238 : index
      %get3A_764 = tpu.vector_load %arg16[%get3A_763] {strides = array<i32>} : memref<272xf32, #tpu.memory_space<vmem>>, vector<16xf32>,
      %add3A_765 = arith.addf %add3A_762, %get3A_764 : vector<16xf32>
      %get3A_766 = arith.constant 255 : index
      %get3A_767 = tpu.vector_load %arg16[%get3A_766] {strides = array<i32>} : memref<272xf32, #tpu.memory_space<vmem>>, vector<16xf32>,
      %add3A_768 = arith.addf %add3A_765, %get3A_767 : vector<16xf32>
      %add3A_769 = arith.addi %scan3A_65, %mul3A_146 : i32
      %swap3A = arith.index_cast %add3A_769 : i32 to index
      %swap3A_770 = tpu.vector_load %arg15[%swap3A] {strides = array<i32>} : memref<512xf32, #tpu.memory_space<vmem>>, vector<16xf32>,
      tpu.vector_store %arg15[%swap3A], %add3A_768 {strides = array<i32>} : memref<512xf32, #tpu.memory_space<vmem>>, vector<16xf32>,
    }
    %scan3A_70 = arith.constant 16 : i32
    %scan3A_71 = arith.constant 256 : i32
    %scan3A_72 = arith.constant 0 : i32
    %scan3A_73 = arith.constant 256 : i32
    %scan3A_74 = arith.addi %scan3A_72, %scan3A_73 : i32
    %scan3A_75 = arith.constant 1 : i32
    scf.for %scan3A_144 = %scan3A_72 to %scan3A_74 step %scan3A_75  : i32 {
      %add3A_145 = arith.addi %scan3A_71, %scan3A_144 : i32
      %get3A = arith.index_cast %add3A_145 : i32 to index
      %get3A_146 = tpu.vector_load %arg9[%get3A] {strides = array<i32>} : memref<528xi32, #tpu.memory_space<vmem>>, vector<16xi32>,
      %slice3A = vector.extract_strided_slice %get3A_146 {offsets = [0], sizes = [1], strides = [1]} : vector<16xi32> to vector<1xi32>
      %squeeze3A = vector.extract %slice3A[0] : i32 from vector<1xi32>
      %add3A_147 = arith.addi %scan3A_71, %scan3A_144 : i32
      %get3A_148 = arith.index_cast %add3A_147 : i32 to index
      %get3A_149 = tpu.vector_load %arg10[%get3A_148] {strides = array<i32>} : memref<528xi32, #tpu.memory_space<vmem>>, vector<16xi32>,
      %slice3A_150 = vector.extract_strided_slice %get3A_149 {offsets = [0], sizes = [1], strides = [1]} : vector<16xi32> to vector<1xi32>
      %squeeze3A_151 = vector.extract %slice3A_150[0] : i32 from vector<1xi32>
      %dma_start3A_152 = arith.constant 0 : i32
      %dma_start3A_153 = tpu.memref_slice %arg11[%scan3A_144, %dma_start3A_152] : memref<256x64xf32, #tpu.memory_space<vmem>> -> memref<1x64xf32, #tpu.memory_space<vmem>>
      %dma_start3A_154 = arith.constant 0 : i32
      %dma_start3A_155 = tpu.memref_slice %arg4[%squeeze3A, %dma_start3A_154] : memref<100000x64xf32, #tpu.memory_space<hbm>> -> memref<1x64xf32, #tpu.memory_space<hbm>>
      %dma_start3A_156 = arith.constant 0 : i32
      %dma_start3A_157 = tpu.memref_slice %arg11[%scan3A_144, %dma_start3A_156] : memref<256x64xf32, #tpu.memory_space<vmem>> -> memref<1x64xf32, #tpu.memory_space<vmem>>
      %dma_start3A_158 = arith.constant 0 : i32
      %dma_start3A_159 = tpu.memref_slice %arg4[%squeeze3A, %dma_start3A_158] : memref<100000x64xf32, #tpu.memory_space<hbm>> -> memref<1x64xf32, #tpu.memory_space<hbm>>
      tpu.enqueue_dma source(%dma_start3A_159 : memref<1x64xf32, #tpu.memory_space<hbm>>) target(%dma_start3A_157 : memref<1x64xf32, #tpu.memory_space<vmem>>) target_semaphore(%arg17 : memref<!tpu.dma_semaphore, #tpu.memory_space<semaphore_mem>>)
      %dma_start3A_160 = arith.constant 0 : i32
      %dma_start3A_161 = tpu.memref_slice %arg12[%scan3A_144, %dma_start3A_160] : memref<256x64xf32, #tpu.memory_space<vmem>> -> memref<1x64xf32, #tpu.memory_space<vmem>>
      %dma_start3A_162 = arith.constant 0 : i32
      %dma_start3A_163 = tpu.memref_slice %arg5[%squeeze3A_151, %dma_start3A_162] : memref<100000x64xf32, #tpu.memory_space<hbm>> -> memref<1x64xf32, #tpu.memory_space<hbm>>
      %dma_start3A_164 = arith.constant 0 : i32
      %dma_start3A_165 = tpu.memref_slice %arg12[%scan3A_144, %dma_start3A_164] : memref<256x64xf32, #tpu.memory_space<vmem>> -> memref<1x64xf32, #tpu.memory_space<vmem>>
      %dma_start3A_166 = arith.constant 0 : i32
      %dma_start3A_167 = tpu.memref_slice %arg5[%squeeze3A_151, %dma_start3A_166] : memref<100000x64xf32, #tpu.memory_space<hbm>> -> memref<1x64xf32, #tpu.memory_space<hbm>>
      tpu.enqueue_dma source(%dma_start3A_167 : memref<1x64xf32, #tpu.memory_space<hbm>>) target(%dma_start3A_165 : memref<1x64xf32, #tpu.memory_space<vmem>>) target_semaphore(%arg18 : memref<!tpu.dma_semaphore, #tpu.memory_space<semaphore_mem>>)
    }
    %scan3A_76 = arith.constant 256 : i32
    %scan3A_77 = arith.constant 0 : i32
    %scan3A_78 = arith.constant 0 : i32
    %scan3A_79 = arith.constant 256 : i32
    %scan3A_80 = arith.addi %scan3A_78, %scan3A_79 : i32
    %scan3A_81 = arith.constant 1 : i32
    %scan3A_82 = scf.for %scan3A_144 = %scan3A_78 to %scan3A_80 step %scan3A_81 iter_args(%scan3A_145 = %scan3A_77) -> (i32)  : i32 {
      %dma_wait3A_146 = arith.constant 0 : i32
      %dma_wait3A_147 = arith.constant 0 : i32
      %dma_wait3A_148 = tpu.memref_slice %arg11[%dma_wait3A_146, %dma_wait3A_147] : memref<256x64xf32, #tpu.memory_space<vmem>> -> memref<1x64xf32, #tpu.memory_space<vmem>>
      %dma_wait3A_149 = arith.constant 0 : i32
      %dma_wait3A_150 = arith.constant 0 : i32
      %dma_wait3A_151 = tpu.memref_slice %arg4[%dma_wait3A_149, %dma_wait3A_150] : memref<100000x64xf32, #tpu.memory_space<hbm>> -> memref<1x64xf32, #tpu.memory_space<hbm>>
      %dma_wait3A_152 = arith.constant 0 : i32
      %dma_wait3A_153 = arith.constant 0 : i32
      %dma_wait3A_154 = tpu.memref_slice %arg11[%dma_wait3A_152, %dma_wait3A_153] : memref<256x64xf32, #tpu.memory_space<vmem>> -> memref<1x64xf32, #tpu.memory_space<vmem>>
      %dma_wait3A_155 = arith.constant 0 : i32
      %dma_wait3A_156 = arith.constant 0 : i32
      %dma_wait3A_157 = tpu.memref_slice %arg4[%dma_wait3A_155, %dma_wait3A_156] : memref<100000x64xf32, #tpu.memory_space<hbm>> -> memref<1x64xf32, #tpu.memory_space<hbm>>
      tpu.wait_dma2 semaphore(%arg17 : memref<!tpu.dma_semaphore, #tpu.memory_space<semaphore_mem>>) src(%dma_wait3A_157 : memref<1x64xf32, #tpu.memory_space<hbm>>) dst(%dma_wait3A_154 : memref<1x64xf32, #tpu.memory_space<vmem>>)
      %dma_wait3A_158 = arith.constant 0 : i32
      %dma_wait3A_159 = arith.constant 0 : i32
      %dma_wait3A_160 = tpu.memref_slice %arg12[%dma_wait3A_158, %dma_wait3A_159] : memref<256x64xf32, #tpu.memory_space<vmem>> -> memref<1x64xf32, #tpu.memory_space<vmem>>
      %dma_wait3A_161 = arith.constant 0 : i32
      %dma_wait3A_162 = arith.constant 0 : i32
      %dma_wait3A_163 = tpu.memref_slice %arg5[%dma_wait3A_161, %dma_wait3A_162] : memref<100000x64xf32, #tpu.memory_space<hbm>> -> memref<1x64xf32, #tpu.memory_space<hbm>>
      %dma_wait3A_164 = arith.constant 0 : i32
      %dma_wait3A_165 = arith.constant 0 : i32
      %dma_wait3A_166 = tpu.memref_slice %arg12[%dma_wait3A_164, %dma_wait3A_165] : memref<256x64xf32, #tpu.memory_space<vmem>> -> memref<1x64xf32, #tpu.memory_space<vmem>>
      %dma_wait3A_167 = arith.constant 0 : i32
      %dma_wait3A_168 = arith.constant 0 : i32
      %dma_wait3A_169 = tpu.memref_slice %arg5[%dma_wait3A_167, %dma_wait3A_168] : memref<100000x64xf32, #tpu.memory_space<hbm>> -> memref<1x64xf32, #tpu.memory_space<hbm>>
      tpu.wait_dma2 semaphore(%arg18 : memref<!tpu.dma_semaphore, #tpu.memory_space<semaphore_mem>>) src(%dma_wait3A_169 : memref<1x64xf32, #tpu.memory_space<hbm>>) dst(%dma_wait3A_166 : memref<1x64xf32, #tpu.memory_space<vmem>>)
      %scan3A_170 = arith.constant 0 : i32
      scf.yield %scan3A_170 : i32
    }
    %scan3A_83 = arith.constant 256 : i32
    %scan3A_84 = arith.constant 256 : i32
    %scan3A_85 = arith.constant 0 : i32
    %scan3A_86 = arith.constant 16 : i32
    %scan3A_87 = arith.addi %scan3A_85, %scan3A_86 : i32
    %scan3A_88 = arith.constant 1 : i32
    scf.for %scan3A_144 = %scan3A_85 to %scan3A_87 step %scan3A_88  : i32 {
      %mul3A_145 = arith.constant 16 : i32
      %mul3A_146 = arith.muli %scan3A_144, %mul3A_145 : i32
      %add3A_147 = arith.constant 0 : i32
      %add3A_148 = arith.addi %mul3A_146, %add3A_147 : i32
      %get3A = arith.index_cast %add3A_148 : i32 to index
      %get3A_149 = arith.constant 0 : index
      %get3A_150 = tpu.vector_load %arg11[%get3A, %get3A_149] {strides = array<i32>} : memref<256x64xf32, #tpu.memory_space<vmem>>, vector<16xf32>,
      %get3A_151 = arith.index_cast %add3A_148 : i32 to index
      %get3A_152 = arith.constant 0 : index
      %get3A_153 = tpu.vector_load %arg12[%get3A_151, %get3A_152] {strides = array<i32>} : memref<256x64xf32, #tpu.memory_space<vmem>>, vector<16xf32>,
      %mul3A_154 = arith.mulf %get3A_150, %get3A_153 : vector<16xf32>
      %get3A_155 = arith.index_cast %add3A_148 : i32 to index
      %get3A_156 = arith.constant 16 : index
      %get3A_157 = tpu.vector_load %arg11[%get3A_155, %get3A_156] {strides = array<i32>} : memref<256x64xf32, #tpu.memory_space<vmem>>, vector<16xf32>,
      %get3A_158 = arith.index_cast %add3A_148 : i32 to index
      %get3A_159 = arith.constant 16 : index
      %get3A_160 = tpu.vector_load %arg12[%get3A_158, %get3A_159] {strides = array<i32>} : memref<256x64xf32, #tpu.memory_space<vmem>>, vector<16xf32>,
      %mul3A_161 = arith.mulf %get3A_157, %get3A_160 : vector<16xf32>
      %add3A_162 = arith.addf %mul3A_154, %mul3A_161 : vector<16xf32>
      %get3A_163 = arith.index_cast %add3A_148 : i32 to index
      %get3A_164 = arith.constant 32 : index
      %get3A_165 = tpu.vector_load %arg11[%get3A_163, %get3A_164] {strides = array<i32>} : memref<256x64xf32, #tpu.memory_space<vmem>>, vector<16xf32>,
      %get3A_166 = arith.index_cast %add3A_148 : i32 to index
      %get3A_167 = arith.constant 32 : index
      %get3A_168 = tpu.vector_load %arg12[%get3A_166, %get3A_167] {strides = array<i32>} : memref<256x64xf32, #tpu.memory_space<vmem>>, vector<16xf32>,
      %mul3A_169 = arith.mulf %get3A_165, %get3A_168 : vector<16xf32>
      %add3A_170 = arith.addf %add3A_162, %mul3A_169 : vector<16xf32>
      %get3A_171 = arith.index_cast %add3A_148 : i32 to index
      %get3A_172 = arith.constant 48 : index
      %get3A_173 = tpu.vector_load %arg11[%get3A_171, %get3A_172] {strides = array<i32>} : memref<256x64xf32, #tpu.memory_space<vmem>>, vector<16xf32>,
      %get3A_174 = arith.index_cast %add3A_148 : i32 to index
      %get3A_175 = arith.constant 48 : index
      %get3A_176 = tpu.vector_load %arg12[%get3A_174, %get3A_175] {strides = array<i32>} : memref<256x64xf32, #tpu.memory_space<vmem>>, vector<16xf32>,
      %mul3A_177 = arith.mulf %get3A_173, %get3A_176 : vector<16xf32>
      %add3A_178 = arith.addf %add3A_170, %mul3A_177 : vector<16xf32>
      %add3A_179 = arith.constant 0 : i32
      %add3A_180 = vector.broadcast %add3A_179 : i32 to vector<16xi32>
      %add3A_181 = arith.addi %mul3A_52, %add3A_180 : vector<16xi32>
      tpu.vector_store_idx %arg16[%add3A_181], %add3A_178 : memref<272xf32, #tpu.memory_space<vmem>>[vector<16xi32>], vector<16xf32>,
      %add3A_182 = arith.constant 1 : i32
      %add3A_183 = arith.addi %mul3A_146, %add3A_182 : i32
      %get3A_184 = arith.index_cast %add3A_183 : i32 to index
      %get3A_185 = arith.constant 0 : index
      %get3A_186 = tpu.vector_load %arg11[%get3A_184, %get3A_185] {strides = array<i32>} : memref<256x64xf32, #tpu.memory_space<vmem>>, vector<16xf32>,
      %get3A_187 = arith.index_cast %add3A_183 : i32 to index
      %get3A_188 = arith.constant 0 : index
      %get3A_189 = tpu.vector_load %arg12[%get3A_187, %get3A_188] {strides = array<i32>} : memref<256x64xf32, #tpu.memory_space<vmem>>, vector<16xf32>,
      %mul3A_190 = arith.mulf %get3A_186, %get3A_189 : vector<16xf32>
      %get3A_191 = arith.index_cast %add3A_183 : i32 to index
      %get3A_192 = arith.constant 16 : index
      %get3A_193 = tpu.vector_load %arg11[%get3A_191, %get3A_192] {strides = array<i32>} : memref<256x64xf32, #tpu.memory_space<vmem>>, vector<16xf32>,
      %get3A_194 = arith.index_cast %add3A_183 : i32 to index
      %get3A_195 = arith.constant 16 : index
      %get3A_196 = tpu.vector_load %arg12[%get3A_194, %get3A_195] {strides = array<i32>} : memref<256x64xf32, #tpu.memory_space<vmem>>, vector<16xf32>,
      %mul3A_197 = arith.mulf %get3A_193, %get3A_196 : vector<16xf32>
      %add3A_198 = arith.addf %mul3A_190, %mul3A_197 : vector<16xf32>
      %get3A_199 = arith.index_cast %add3A_183 : i32 to index
      %get3A_200 = arith.constant 32 : index
      %get3A_201 = tpu.vector_load %arg11[%get3A_199, %get3A_200] {strides = array<i32>} : memref<256x64xf32, #tpu.memory_space<vmem>>, vector<16xf32>,
      %get3A_202 = arith.index_cast %add3A_183 : i32 to index
      %get3A_203 = arith.constant 32 : index
      %get3A_204 = tpu.vector_load %arg12[%get3A_202, %get3A_203] {strides = array<i32>} : memref<256x64xf32, #tpu.memory_space<vmem>>, vector<16xf32>,
      %mul3A_205 = arith.mulf %get3A_201, %get3A_204 : vector<16xf32>
      %add3A_206 = arith.addf %add3A_198, %mul3A_205 : vector<16xf32>
      %get3A_207 = arith.index_cast %add3A_183 : i32 to index
      %get3A_208 = arith.constant 48 : index
      %get3A_209 = tpu.vector_load %arg11[%get3A_207, %get3A_208] {strides = array<i32>} : memref<256x64xf32, #tpu.memory_space<vmem>>, vector<16xf32>,
      %get3A_210 = arith.index_cast %add3A_183 : i32 to index
      %get3A_211 = arith.constant 48 : index
      %get3A_212 = tpu.vector_load %arg12[%get3A_210, %get3A_211] {strides = array<i32>} : memref<256x64xf32, #tpu.memory_space<vmem>>, vector<16xf32>,
      %mul3A_213 = arith.mulf %get3A_209, %get3A_212 : vector<16xf32>
      %add3A_214 = arith.addf %add3A_206, %mul3A_213 : vector<16xf32>
      %add3A_215 = arith.constant 1 : i32
      %add3A_216 = vector.broadcast %add3A_215 : i32 to vector<16xi32>
      %add3A_217 = arith.addi %mul3A_52, %add3A_216 : vector<16xi32>
      tpu.vector_store_idx %arg16[%add3A_217], %add3A_214 : memref<272xf32, #tpu.memory_space<vmem>>[vector<16xi32>], vector<16xf32>,
      %add3A_218 = arith.constant 2 : i32
      %add3A_219 = arith.addi %mul3A_146, %add3A_218 : i32
      %get3A_220 = arith.index_cast %add3A_219 : i32 to index
      %get3A_221 = arith.constant 0 : index
      %get3A_222 = tpu.vector_load %arg11[%get3A_220, %get3A_221] {strides = array<i32>} : memref<256x64xf32, #tpu.memory_space<vmem>>, vector<16xf32>,
      %get3A_223 = arith.index_cast %add3A_219 : i32 to index
      %get3A_224 = arith.constant 0 : index
      %get3A_225 = tpu.vector_load %arg12[%get3A_223, %get3A_224] {strides = array<i32>} : memref<256x64xf32, #tpu.memory_space<vmem>>, vector<16xf32>,
      %mul3A_226 = arith.mulf %get3A_222, %get3A_225 : vector<16xf32>
      %get3A_227 = arith.index_cast %add3A_219 : i32 to index
      %get3A_228 = arith.constant 16 : index
      %get3A_229 = tpu.vector_load %arg11[%get3A_227, %get3A_228] {strides = array<i32>} : memref<256x64xf32, #tpu.memory_space<vmem>>, vector<16xf32>,
      %get3A_230 = arith.index_cast %add3A_219 : i32 to index
      %get3A_231 = arith.constant 16 : index
      %get3A_232 = tpu.vector_load %arg12[%get3A_230, %get3A_231] {strides = array<i32>} : memref<256x64xf32, #tpu.memory_space<vmem>>, vector<16xf32>,
      %mul3A_233 = arith.mulf %get3A_229, %get3A_232 : vector<16xf32>
      %add3A_234 = arith.addf %mul3A_226, %mul3A_233 : vector<16xf32>
      %get3A_235 = arith.index_cast %add3A_219 : i32 to index
      %get3A_236 = arith.constant 32 : index
      %get3A_237 = tpu.vector_load %arg11[%get3A_235, %get3A_236] {strides = array<i32>} : memref<256x64xf32, #tpu.memory_space<vmem>>, vector<16xf32>,
      %get3A_238 = arith.index_cast %add3A_219 : i32 to index
      %get3A_239 = arith.constant 32 : index
      %get3A_240 = tpu.vector_load %arg12[%get3A_238, %get3A_239] {strides = array<i32>} : memref<256x64xf32, #tpu.memory_space<vmem>>, vector<16xf32>,
      %mul3A_241 = arith.mulf %get3A_237, %get3A_240 : vector<16xf32>
      %add3A_242 = arith.addf %add3A_234, %mul3A_241 : vector<16xf32>
      %get3A_243 = arith.index_cast %add3A_219 : i32 to index
      %get3A_244 = arith.constant 48 : index
      %get3A_245 = tpu.vector_load %arg11[%get3A_243, %get3A_244] {strides = array<i32>} : memref<256x64xf32, #tpu.memory_space<vmem>>, vector<16xf32>,
      %get3A_246 = arith.index_cast %add3A_219 : i32 to index
      %get3A_247 = arith.constant 48 : index
      %get3A_248 = tpu.vector_load %arg12[%get3A_246, %get3A_247] {strides = array<i32>} : memref<256x64xf32, #tpu.memory_space<vmem>>, vector<16xf32>,
      %mul3A_249 = arith.mulf %get3A_245, %get3A_248 : vector<16xf32>
      %add3A_250 = arith.addf %add3A_242, %mul3A_249 : vector<16xf32>
      %add3A_251 = arith.constant 2 : i32
      %add3A_252 = vector.broadcast %add3A_251 : i32 to vector<16xi32>
      %add3A_253 = arith.addi %mul3A_52, %add3A_252 : vector<16xi32>
      tpu.vector_store_idx %arg16[%add3A_253], %add3A_250 : memref<272xf32, #tpu.memory_space<vmem>>[vector<16xi32>], vector<16xf32>,
      %add3A_254 = arith.constant 3 : i32
      %add3A_255 = arith.addi %mul3A_146, %add3A_254 : i32
      %get3A_256 = arith.index_cast %add3A_255 : i32 to index
      %get3A_257 = arith.constant 0 : index
      %get3A_258 = tpu.vector_load %arg11[%get3A_256, %get3A_257] {strides = array<i32>} : memref<256x64xf32, #tpu.memory_space<vmem>>, vector<16xf32>,
      %get3A_259 = arith.index_cast %add3A_255 : i32 to index
      %get3A_260 = arith.constant 0 : index
      %get3A_261 = tpu.vector_load %arg12[%get3A_259, %get3A_260] {strides = array<i32>} : memref<256x64xf32, #tpu.memory_space<vmem>>, vector<16xf32>,
      %mul3A_262 = arith.mulf %get3A_258, %get3A_261 : vector<16xf32>
      %get3A_263 = arith.index_cast %add3A_255 : i32 to index
      %get3A_264 = arith.constant 16 : index
      %get3A_265 = tpu.vector_load %arg11[%get3A_263, %get3A_264] {strides = array<i32>} : memref<256x64xf32, #tpu.memory_space<vmem>>, vector<16xf32>,
      %get3A_266 = arith.index_cast %add3A_255 : i32 to index
      %get3A_267 = arith.constant 16 : index
      %get3A_268 = tpu.vector_load %arg12[%get3A_266, %get3A_267] {strides = array<i32>} : memref<256x64xf32, #tpu.memory_space<vmem>>, vector<16xf32>,
      %mul3A_269 = arith.mulf %get3A_265, %get3A_268 : vector<16xf32>
      %add3A_270 = arith.addf %mul3A_262, %mul3A_269 : vector<16xf32>
      %get3A_271 = arith.index_cast %add3A_255 : i32 to index
      %get3A_272 = arith.constant 32 : index
      %get3A_273 = tpu.vector_load %arg11[%get3A_271, %get3A_272] {strides = array<i32>} : memref<256x64xf32, #tpu.memory_space<vmem>>, vector<16xf32>,
      %get3A_274 = arith.index_cast %add3A_255 : i32 to index
      %get3A_275 = arith.constant 32 : index
      %get3A_276 = tpu.vector_load %arg12[%get3A_274, %get3A_275] {strides = array<i32>} : memref<256x64xf32, #tpu.memory_space<vmem>>, vector<16xf32>,
      %mul3A_277 = arith.mulf %get3A_273, %get3A_276 : vector<16xf32>
      %add3A_278 = arith.addf %add3A_270, %mul3A_277 : vector<16xf32>
      %get3A_279 = arith.index_cast %add3A_255 : i32 to index
      %get3A_280 = arith.constant 48 : index
      %get3A_281 = tpu.vector_load %arg11[%get3A_279, %get3A_280] {strides = array<i32>} : memref<256x64xf32, #tpu.memory_space<vmem>>, vector<16xf32>,
      %get3A_282 = arith.index_cast %add3A_255 : i32 to index
      %get3A_283 = arith.constant 48 : index
      %get3A_284 = tpu.vector_load %arg12[%get3A_282, %get3A_283] {strides = array<i32>} : memref<256x64xf32, #tpu.memory_space<vmem>>, vector<16xf32>,
      %mul3A_285 = arith.mulf %get3A_281, %get3A_284 : vector<16xf32>
      %add3A_286 = arith.addf %add3A_278, %mul3A_285 : vector<16xf32>
      %add3A_287 = arith.constant 3 : i32
      %add3A_288 = vector.broadcast %add3A_287 : i32 to vector<16xi32>
      %add3A_289 = arith.addi %mul3A_52, %add3A_288 : vector<16xi32>
      tpu.vector_store_idx %arg16[%add3A_289], %add3A_286 : memref<272xf32, #tpu.memory_space<vmem>>[vector<16xi32>], vector<16xf32>,
      %add3A_290 = arith.constant 4 : i32
      %add3A_291 = arith.addi %mul3A_146, %add3A_290 : i32
      %get3A_292 = arith.index_cast %add3A_291 : i32 to index
      %get3A_293 = arith.constant 0 : index
      %get3A_294 = tpu.vector_load %arg11[%get3A_292, %get3A_293] {strides = array<i32>} : memref<256x64xf32, #tpu.memory_space<vmem>>, vector<16xf32>,
      %get3A_295 = arith.index_cast %add3A_291 : i32 to index
      %get3A_296 = arith.constant 0 : index
      %get3A_297 = tpu.vector_load %arg12[%get3A_295, %get3A_296] {strides = array<i32>} : memref<256x64xf32, #tpu.memory_space<vmem>>, vector<16xf32>,
      %mul3A_298 = arith.mulf %get3A_294, %get3A_297 : vector<16xf32>
      %get3A_299 = arith.index_cast %add3A_291 : i32 to index
      %get3A_300 = arith.constant 16 : index
      %get3A_301 = tpu.vector_load %arg11[%get3A_299, %get3A_300] {strides = array<i32>} : memref<256x64xf32, #tpu.memory_space<vmem>>, vector<16xf32>,
      %get3A_302 = arith.index_cast %add3A_291 : i32 to index
      %get3A_303 = arith.constant 16 : index
      %get3A_304 = tpu.vector_load %arg12[%get3A_302, %get3A_303] {strides = array<i32>} : memref<256x64xf32, #tpu.memory_space<vmem>>, vector<16xf32>,
      %mul3A_305 = arith.mulf %get3A_301, %get3A_304 : vector<16xf32>
      %add3A_306 = arith.addf %mul3A_298, %mul3A_305 : vector<16xf32>
      %get3A_307 = arith.index_cast %add3A_291 : i32 to index
      %get3A_308 = arith.constant 32 : index
      %get3A_309 = tpu.vector_load %arg11[%get3A_307, %get3A_308] {strides = array<i32>} : memref<256x64xf32, #tpu.memory_space<vmem>>, vector<16xf32>,
      %get3A_310 = arith.index_cast %add3A_291 : i32 to index
      %get3A_311 = arith.constant 32 : index
      %get3A_312 = tpu.vector_load %arg12[%get3A_310, %get3A_311] {strides = array<i32>} : memref<256x64xf32, #tpu.memory_space<vmem>>, vector<16xf32>,
      %mul3A_313 = arith.mulf %get3A_309, %get3A_312 : vector<16xf32>
      %add3A_314 = arith.addf %add3A_306, %mul3A_313 : vector<16xf32>
      %get3A_315 = arith.index_cast %add3A_291 : i32 to index
      %get3A_316 = arith.constant 48 : index
      %get3A_317 = tpu.vector_load %arg11[%get3A_315, %get3A_316] {strides = array<i32>} : memref<256x64xf32, #tpu.memory_space<vmem>>, vector<16xf32>,
      %get3A_318 = arith.index_cast %add3A_291 : i32 to index
      %get3A_319 = arith.constant 48 : index
      %get3A_320 = tpu.vector_load %arg12[%get3A_318, %get3A_319] {strides = array<i32>} : memref<256x64xf32, #tpu.memory_space<vmem>>, vector<16xf32>,
      %mul3A_321 = arith.mulf %get3A_317, %get3A_320 : vector<16xf32>
      %add3A_322 = arith.addf %add3A_314, %mul3A_321 : vector<16xf32>
      %add3A_323 = arith.constant 4 : i32
      %add3A_324 = vector.broadcast %add3A_323 : i32 to vector<16xi32>
      %add3A_325 = arith.addi %mul3A_52, %add3A_324 : vector<16xi32>
      tpu.vector_store_idx %arg16[%add3A_325], %add3A_322 : memref<272xf32, #tpu.memory_space<vmem>>[vector<16xi32>], vector<16xf32>,
      %add3A_326 = arith.constant 5 : i32
      %add3A_327 = arith.addi %mul3A_146, %add3A_326 : i32
      %get3A_328 = arith.index_cast %add3A_327 : i32 to index
      %get3A_329 = arith.constant 0 : index
      %get3A_330 = tpu.vector_load %arg11[%get3A_328, %get3A_329] {strides = array<i32>} : memref<256x64xf32, #tpu.memory_space<vmem>>, vector<16xf32>,
      %get3A_331 = arith.index_cast %add3A_327 : i32 to index
      %get3A_332 = arith.constant 0 : index
      %get3A_333 = tpu.vector_load %arg12[%get3A_331, %get3A_332] {strides = array<i32>} : memref<256x64xf32, #tpu.memory_space<vmem>>, vector<16xf32>,
      %mul3A_334 = arith.mulf %get3A_330, %get3A_333 : vector<16xf32>
      %get3A_335 = arith.index_cast %add3A_327 : i32 to index
      %get3A_336 = arith.constant 16 : index
      %get3A_337 = tpu.vector_load %arg11[%get3A_335, %get3A_336] {strides = array<i32>} : memref<256x64xf32, #tpu.memory_space<vmem>>, vector<16xf32>,
      %get3A_338 = arith.index_cast %add3A_327 : i32 to index
      %get3A_339 = arith.constant 16 : index
      %get3A_340 = tpu.vector_load %arg12[%get3A_338, %get3A_339] {strides = array<i32>} : memref<256x64xf32, #tpu.memory_space<vmem>>, vector<16xf32>,
      %mul3A_341 = arith.mulf %get3A_337, %get3A_340 : vector<16xf32>
      %add3A_342 = arith.addf %mul3A_334, %mul3A_341 : vector<16xf32>
      %get3A_343 = arith.index_cast %add3A_327 : i32 to index
      %get3A_344 = arith.constant 32 : index
      %get3A_345 = tpu.vector_load %arg11[%get3A_343, %get3A_344] {strides = array<i32>} : memref<256x64xf32, #tpu.memory_space<vmem>>, vector<16xf32>,
      %get3A_346 = arith.index_cast %add3A_327 : i32 to index
      %get3A_347 = arith.constant 32 : index
      %get3A_348 = tpu.vector_load %arg12[%get3A_346, %get3A_347] {strides = array<i32>} : memref<256x64xf32, #tpu.memory_space<vmem>>, vector<16xf32>,
      %mul3A_349 = arith.mulf %get3A_345, %get3A_348 : vector<16xf32>
      %add3A_350 = arith.addf %add3A_342, %mul3A_349 : vector<16xf32>
      %get3A_351 = arith.index_cast %add3A_327 : i32 to index
      %get3A_352 = arith.constant 48 : index
      %get3A_353 = tpu.vector_load %arg11[%get3A_351, %get3A_352] {strides = array<i32>} : memref<256x64xf32, #tpu.memory_space<vmem>>, vector<16xf32>,
      %get3A_354 = arith.index_cast %add3A_327 : i32 to index
      %get3A_355 = arith.constant 48 : index
      %get3A_356 = tpu.vector_load %arg12[%get3A_354, %get3A_355] {strides = array<i32>} : memref<256x64xf32, #tpu.memory_space<vmem>>, vector<16xf32>,
      %mul3A_357 = arith.mulf %get3A_353, %get3A_356 : vector<16xf32>
      %add3A_358 = arith.addf %add3A_350, %mul3A_357 : vector<16xf32>
      %add3A_359 = arith.constant 5 : i32
      %add3A_360 = vector.broadcast %add3A_359 : i32 to vector<16xi32>
      %add3A_361 = arith.addi %mul3A_52, %add3A_360 : vector<16xi32>
      tpu.vector_store_idx %arg16[%add3A_361], %add3A_358 : memref<272xf32, #tpu.memory_space<vmem>>[vector<16xi32>], vector<16xf32>,
      %add3A_362 = arith.constant 6 : i32
      %add3A_363 = arith.addi %mul3A_146, %add3A_362 : i32
      %get3A_364 = arith.index_cast %add3A_363 : i32 to index
      %get3A_365 = arith.constant 0 : index
      %get3A_366 = tpu.vector_load %arg11[%get3A_364, %get3A_365] {strides = array<i32>} : memref<256x64xf32, #tpu.memory_space<vmem>>, vector<16xf32>,
      %get3A_367 = arith.index_cast %add3A_363 : i32 to index
      %get3A_368 = arith.constant 0 : index
      %get3A_369 = tpu.vector_load %arg12[%get3A_367, %get3A_368] {strides = array<i32>} : memref<256x64xf32, #tpu.memory_space<vmem>>, vector<16xf32>,
      %mul3A_370 = arith.mulf %get3A_366, %get3A_369 : vector<16xf32>
      %get3A_371 = arith.index_cast %add3A_363 : i32 to index
      %get3A_372 = arith.constant 16 : index
      %get3A_373 = tpu.vector_load %arg11[%get3A_371, %get3A_372] {strides = array<i32>} : memref<256x64xf32, #tpu.memory_space<vmem>>, vector<16xf32>,
      %get3A_374 = arith.index_cast %add3A_363 : i32 to index
      %get3A_375 = arith.constant 16 : index
      %get3A_376 = tpu.vector_load %arg12[%get3A_374, %get3A_375] {strides = array<i32>} : memref<256x64xf32, #tpu.memory_space<vmem>>, vector<16xf32>,
      %mul3A_377 = arith.mulf %get3A_373, %get3A_376 : vector<16xf32>
      %add3A_378 = arith.addf %mul3A_370, %mul3A_377 : vector<16xf32>
      %get3A_379 = arith.index_cast %add3A_363 : i32 to index
      %get3A_380 = arith.constant 32 : index
      %get3A_381 = tpu.vector_load %arg11[%get3A_379, %get3A_380] {strides = array<i32>} : memref<256x64xf32, #tpu.memory_space<vmem>>, vector<16xf32>,
      %get3A_382 = arith.index_cast %add3A_363 : i32 to index
      %get3A_383 = arith.constant 32 : index
      %get3A_384 = tpu.vector_load %arg12[%get3A_382, %get3A_383] {strides = array<i32>} : memref<256x64xf32, #tpu.memory_space<vmem>>, vector<16xf32>,
      %mul3A_385 = arith.mulf %get3A_381, %get3A_384 : vector<16xf32>
      %add3A_386 = arith.addf %add3A_378, %mul3A_385 : vector<16xf32>
      %get3A_387 = arith.index_cast %add3A_363 : i32 to index
      %get3A_388 = arith.constant 48 : index
      %get3A_389 = tpu.vector_load %arg11[%get3A_387, %get3A_388] {strides = array<i32>} : memref<256x64xf32, #tpu.memory_space<vmem>>, vector<16xf32>,
      %get3A_390 = arith.index_cast %add3A_363 : i32 to index
      %get3A_391 = arith.constant 48 : index
      %get3A_392 = tpu.vector_load %arg12[%get3A_390, %get3A_391] {strides = array<i32>} : memref<256x64xf32, #tpu.memory_space<vmem>>, vector<16xf32>,
      %mul3A_393 = arith.mulf %get3A_389, %get3A_392 : vector<16xf32>
      %add3A_394 = arith.addf %add3A_386, %mul3A_393 : vector<16xf32>
      %add3A_395 = arith.constant 6 : i32
      %add3A_396 = vector.broadcast %add3A_395 : i32 to vector<16xi32>
      %add3A_397 = arith.addi %mul3A_52, %add3A_396 : vector<16xi32>
      tpu.vector_store_idx %arg16[%add3A_397], %add3A_394 : memref<272xf32, #tpu.memory_space<vmem>>[vector<16xi32>], vector<16xf32>,
      %add3A_398 = arith.constant 7 : i32
      %add3A_399 = arith.addi %mul3A_146, %add3A_398 : i32
      %get3A_400 = arith.index_cast %add3A_399 : i32 to index
      %get3A_401 = arith.constant 0 : index
      %get3A_402 = tpu.vector_load %arg11[%get3A_400, %get3A_401] {strides = array<i32>} : memref<256x64xf32, #tpu.memory_space<vmem>>, vector<16xf32>,
      %get3A_403 = arith.index_cast %add3A_399 : i32 to index
      %get3A_404 = arith.constant 0 : index
      %get3A_405 = tpu.vector_load %arg12[%get3A_403, %get3A_404] {strides = array<i32>} : memref<256x64xf32, #tpu.memory_space<vmem>>, vector<16xf32>,
      %mul3A_406 = arith.mulf %get3A_402, %get3A_405 : vector<16xf32>
      %get3A_407 = arith.index_cast %add3A_399 : i32 to index
      %get3A_408 = arith.constant 16 : index
      %get3A_409 = tpu.vector_load %arg11[%get3A_407, %get3A_408] {strides = array<i32>} : memref<256x64xf32, #tpu.memory_space<vmem>>, vector<16xf32>,
      %get3A_410 = arith.index_cast %add3A_399 : i32 to index
      %get3A_411 = arith.constant 16 : index
      %get3A_412 = tpu.vector_load %arg12[%get3A_410, %get3A_411] {strides = array<i32>} : memref<256x64xf32, #tpu.memory_space<vmem>>, vector<16xf32>,
      %mul3A_413 = arith.mulf %get3A_409, %get3A_412 : vector<16xf32>
      %add3A_414 = arith.addf %mul3A_406, %mul3A_413 : vector<16xf32>
      %get3A_415 = arith.index_cast %add3A_399 : i32 to index
      %get3A_416 = arith.constant 32 : index
      %get3A_417 = tpu.vector_load %arg11[%get3A_415, %get3A_416] {strides = array<i32>} : memref<256x64xf32, #tpu.memory_space<vmem>>, vector<16xf32>,
      %get3A_418 = arith.index_cast %add3A_399 : i32 to index
      %get3A_419 = arith.constant 32 : index
      %get3A_420 = tpu.vector_load %arg12[%get3A_418, %get3A_419] {strides = array<i32>} : memref<256x64xf32, #tpu.memory_space<vmem>>, vector<16xf32>,
      %mul3A_421 = arith.mulf %get3A_417, %get3A_420 : vector<16xf32>
      %add3A_422 = arith.addf %add3A_414, %mul3A_421 : vector<16xf32>
      %get3A_423 = arith.index_cast %add3A_399 : i32 to index
      %get3A_424 = arith.constant 48 : index
      %get3A_425 = tpu.vector_load %arg11[%get3A_423, %get3A_424] {strides = array<i32>} : memref<256x64xf32, #tpu.memory_space<vmem>>, vector<16xf32>,
      %get3A_426 = arith.index_cast %add3A_399 : i32 to index
      %get3A_427 = arith.constant 48 : index
      %get3A_428 = tpu.vector_load %arg12[%get3A_426, %get3A_427] {strides = array<i32>} : memref<256x64xf32, #tpu.memory_space<vmem>>, vector<16xf32>,
      %mul3A_429 = arith.mulf %get3A_425, %get3A_428 : vector<16xf32>
      %add3A_430 = arith.addf %add3A_422, %mul3A_429 : vector<16xf32>
      %add3A_431 = arith.constant 7 : i32
      %add3A_432 = vector.broadcast %add3A_431 : i32 to vector<16xi32>
      %add3A_433 = arith.addi %mul3A_52, %add3A_432 : vector<16xi32>
      tpu.vector_store_idx %arg16[%add3A_433], %add3A_430 : memref<272xf32, #tpu.memory_space<vmem>>[vector<16xi32>], vector<16xf32>,
      %add3A_434 = arith.constant 8 : i32
      %add3A_435 = arith.addi %mul3A_146, %add3A_434 : i32
      %get3A_436 = arith.index_cast %add3A_435 : i32 to index
      %get3A_437 = arith.constant 0 : index
      %get3A_438 = tpu.vector_load %arg11[%get3A_436, %get3A_437] {strides = array<i32>} : memref<256x64xf32, #tpu.memory_space<vmem>>, vector<16xf32>,
      %get3A_439 = arith.index_cast %add3A_435 : i32 to index
      %get3A_440 = arith.constant 0 : index
      %get3A_441 = tpu.vector_load %arg12[%get3A_439, %get3A_440] {strides = array<i32>} : memref<256x64xf32, #tpu.memory_space<vmem>>, vector<16xf32>,
      %mul3A_442 = arith.mulf %get3A_438, %get3A_441 : vector<16xf32>
      %get3A_443 = arith.index_cast %add3A_435 : i32 to index
      %get3A_444 = arith.constant 16 : index
      %get3A_445 = tpu.vector_load %arg11[%get3A_443, %get3A_444] {strides = array<i32>} : memref<256x64xf32, #tpu.memory_space<vmem>>, vector<16xf32>,
      %get3A_446 = arith.index_cast %add3A_435 : i32 to index
      %get3A_447 = arith.constant 16 : index
      %get3A_448 = tpu.vector_load %arg12[%get3A_446, %get3A_447] {strides = array<i32>} : memref<256x64xf32, #tpu.memory_space<vmem>>, vector<16xf32>,
      %mul3A_449 = arith.mulf %get3A_445, %get3A_448 : vector<16xf32>
      %add3A_450 = arith.addf %mul3A_442, %mul3A_449 : vector<16xf32>
      %get3A_451 = arith.index_cast %add3A_435 : i32 to index
      %get3A_452 = arith.constant 32 : index
      %get3A_453 = tpu.vector_load %arg11[%get3A_451, %get3A_452] {strides = array<i32>} : memref<256x64xf32, #tpu.memory_space<vmem>>, vector<16xf32>,
      %get3A_454 = arith.index_cast %add3A_435 : i32 to index
      %get3A_455 = arith.constant 32 : index
      %get3A_456 = tpu.vector_load %arg12[%get3A_454, %get3A_455] {strides = array<i32>} : memref<256x64xf32, #tpu.memory_space<vmem>>, vector<16xf32>,
      %mul3A_457 = arith.mulf %get3A_453, %get3A_456 : vector<16xf32>
      %add3A_458 = arith.addf %add3A_450, %mul3A_457 : vector<16xf32>
      %get3A_459 = arith.index_cast %add3A_435 : i32 to index
      %get3A_460 = arith.constant 48 : index
      %get3A_461 = tpu.vector_load %arg11[%get3A_459, %get3A_460] {strides = array<i32>} : memref<256x64xf32, #tpu.memory_space<vmem>>, vector<16xf32>,
      %get3A_462 = arith.index_cast %add3A_435 : i32 to index
      %get3A_463 = arith.constant 48 : index
      %get3A_464 = tpu.vector_load %arg12[%get3A_462, %get3A_463] {strides = array<i32>} : memref<256x64xf32, #tpu.memory_space<vmem>>, vector<16xf32>,
      %mul3A_465 = arith.mulf %get3A_461, %get3A_464 : vector<16xf32>
      %add3A_466 = arith.addf %add3A_458, %mul3A_465 : vector<16xf32>
      %add3A_467 = arith.constant 8 : i32
      %add3A_468 = vector.broadcast %add3A_467 : i32 to vector<16xi32>
      %add3A_469 = arith.addi %mul3A_52, %add3A_468 : vector<16xi32>
      tpu.vector_store_idx %arg16[%add3A_469], %add3A_466 : memref<272xf32, #tpu.memory_space<vmem>>[vector<16xi32>], vector<16xf32>,
      %add3A_470 = arith.constant 9 : i32
      %add3A_471 = arith.addi %mul3A_146, %add3A_470 : i32
      %get3A_472 = arith.index_cast %add3A_471 : i32 to index
      %get3A_473 = arith.constant 0 : index
      %get3A_474 = tpu.vector_load %arg11[%get3A_472, %get3A_473] {strides = array<i32>} : memref<256x64xf32, #tpu.memory_space<vmem>>, vector<16xf32>,
      %get3A_475 = arith.index_cast %add3A_471 : i32 to index
      %get3A_476 = arith.constant 0 : index
      %get3A_477 = tpu.vector_load %arg12[%get3A_475, %get3A_476] {strides = array<i32>} : memref<256x64xf32, #tpu.memory_space<vmem>>, vector<16xf32>,
      %mul3A_478 = arith.mulf %get3A_474, %get3A_477 : vector<16xf32>
      %get3A_479 = arith.index_cast %add3A_471 : i32 to index
      %get3A_480 = arith.constant 16 : index
      %get3A_481 = tpu.vector_load %arg11[%get3A_479, %get3A_480] {strides = array<i32>} : memref<256x64xf32, #tpu.memory_space<vmem>>, vector<16xf32>,
      %get3A_482 = arith.index_cast %add3A_471 : i32 to index
      %get3A_483 = arith.constant 16 : index
      %get3A_484 = tpu.vector_load %arg12[%get3A_482, %get3A_483] {strides = array<i32>} : memref<256x64xf32, #tpu.memory_space<vmem>>, vector<16xf32>,
      %mul3A_485 = arith.mulf %get3A_481, %get3A_484 : vector<16xf32>
      %add3A_486 = arith.addf %mul3A_478, %mul3A_485 : vector<16xf32>
      %get3A_487 = arith.index_cast %add3A_471 : i32 to index
      %get3A_488 = arith.constant 32 : index
      %get3A_489 = tpu.vector_load %arg11[%get3A_487, %get3A_488] {strides = array<i32>} : memref<256x64xf32, #tpu.memory_space<vmem>>, vector<16xf32>,
      %get3A_490 = arith.index_cast %add3A_471 : i32 to index
      %get3A_491 = arith.constant 32 : index
      %get3A_492 = tpu.vector_load %arg12[%get3A_490, %get3A_491] {strides = array<i32>} : memref<256x64xf32, #tpu.memory_space<vmem>>, vector<16xf32>,
      %mul3A_493 = arith.mulf %get3A_489, %get3A_492 : vector<16xf32>
      %add3A_494 = arith.addf %add3A_486, %mul3A_493 : vector<16xf32>
      %get3A_495 = arith.index_cast %add3A_471 : i32 to index
      %get3A_496 = arith.constant 48 : index
      %get3A_497 = tpu.vector_load %arg11[%get3A_495, %get3A_496] {strides = array<i32>} : memref<256x64xf32, #tpu.memory_space<vmem>>, vector<16xf32>,
      %get3A_498 = arith.index_cast %add3A_471 : i32 to index
      %get3A_499 = arith.constant 48 : index
      %get3A_500 = tpu.vector_load %arg12[%get3A_498, %get3A_499] {strides = array<i32>} : memref<256x64xf32, #tpu.memory_space<vmem>>, vector<16xf32>,
      %mul3A_501 = arith.mulf %get3A_497, %get3A_500 : vector<16xf32>
      %add3A_502 = arith.addf %add3A_494, %mul3A_501 : vector<16xf32>
      %add3A_503 = arith.constant 9 : i32
      %add3A_504 = vector.broadcast %add3A_503 : i32 to vector<16xi32>
      %add3A_505 = arith.addi %mul3A_52, %add3A_504 : vector<16xi32>
      tpu.vector_store_idx %arg16[%add3A_505], %add3A_502 : memref<272xf32, #tpu.memory_space<vmem>>[vector<16xi32>], vector<16xf32>,
      %add3A_506 = arith.constant 10 : i32
      %add3A_507 = arith.addi %mul3A_146, %add3A_506 : i32
      %get3A_508 = arith.index_cast %add3A_507 : i32 to index
      %get3A_509 = arith.constant 0 : index
      %get3A_510 = tpu.vector_load %arg11[%get3A_508, %get3A_509] {strides = array<i32>} : memref<256x64xf32, #tpu.memory_space<vmem>>, vector<16xf32>,
      %get3A_511 = arith.index_cast %add3A_507 : i32 to index
      %get3A_512 = arith.constant 0 : index
      %get3A_513 = tpu.vector_load %arg12[%get3A_511, %get3A_512] {strides = array<i32>} : memref<256x64xf32, #tpu.memory_space<vmem>>, vector<16xf32>,
      %mul3A_514 = arith.mulf %get3A_510, %get3A_513 : vector<16xf32>
      %get3A_515 = arith.index_cast %add3A_507 : i32 to index
      %get3A_516 = arith.constant 16 : index
      %get3A_517 = tpu.vector_load %arg11[%get3A_515, %get3A_516] {strides = array<i32>} : memref<256x64xf32, #tpu.memory_space<vmem>>, vector<16xf32>,
      %get3A_518 = arith.index_cast %add3A_507 : i32 to index
      %get3A_519 = arith.constant 16 : index
      %get3A_520 = tpu.vector_load %arg12[%get3A_518, %get3A_519] {strides = array<i32>} : memref<256x64xf32, #tpu.memory_space<vmem>>, vector<16xf32>,
      %mul3A_521 = arith.mulf %get3A_517, %get3A_520 : vector<16xf32>
      %add3A_522 = arith.addf %mul3A_514, %mul3A_521 : vector<16xf32>
      %get3A_523 = arith.index_cast %add3A_507 : i32 to index
      %get3A_524 = arith.constant 32 : index
      %get3A_525 = tpu.vector_load %arg11[%get3A_523, %get3A_524] {strides = array<i32>} : memref<256x64xf32, #tpu.memory_space<vmem>>, vector<16xf32>,
      %get3A_526 = arith.index_cast %add3A_507 : i32 to index
      %get3A_527 = arith.constant 32 : index
      %get3A_528 = tpu.vector_load %arg12[%get3A_526, %get3A_527] {strides = array<i32>} : memref<256x64xf32, #tpu.memory_space<vmem>>, vector<16xf32>,
      %mul3A_529 = arith.mulf %get3A_525, %get3A_528 : vector<16xf32>
      %add3A_530 = arith.addf %add3A_522, %mul3A_529 : vector<16xf32>
      %get3A_531 = arith.index_cast %add3A_507 : i32 to index
      %get3A_532 = arith.constant 48 : index
      %get3A_533 = tpu.vector_load %arg11[%get3A_531, %get3A_532] {strides = array<i32>} : memref<256x64xf32, #tpu.memory_space<vmem>>, vector<16xf32>,
      %get3A_534 = arith.index_cast %add3A_507 : i32 to index
      %get3A_535 = arith.constant 48 : index
      %get3A_536 = tpu.vector_load %arg12[%get3A_534, %get3A_535] {strides = array<i32>} : memref<256x64xf32, #tpu.memory_space<vmem>>, vector<16xf32>,
      %mul3A_537 = arith.mulf %get3A_533, %get3A_536 : vector<16xf32>
      %add3A_538 = arith.addf %add3A_530, %mul3A_537 : vector<16xf32>
      %add3A_539 = arith.constant 10 : i32
      %add3A_540 = vector.broadcast %add3A_539 : i32 to vector<16xi32>
      %add3A_541 = arith.addi %mul3A_52, %add3A_540 : vector<16xi32>
      tpu.vector_store_idx %arg16[%add3A_541], %add3A_538 : memref<272xf32, #tpu.memory_space<vmem>>[vector<16xi32>], vector<16xf32>,
      %add3A_542 = arith.constant 11 : i32
      %add3A_543 = arith.addi %mul3A_146, %add3A_542 : i32
      %get3A_544 = arith.index_cast %add3A_543 : i32 to index
      %get3A_545 = arith.constant 0 : index
      %get3A_546 = tpu.vector_load %arg11[%get3A_544, %get3A_545] {strides = array<i32>} : memref<256x64xf32, #tpu.memory_space<vmem>>, vector<16xf32>,
      %get3A_547 = arith.index_cast %add3A_543 : i32 to index
      %get3A_548 = arith.constant 0 : index
      %get3A_549 = tpu.vector_load %arg12[%get3A_547, %get3A_548] {strides = array<i32>} : memref<256x64xf32, #tpu.memory_space<vmem>>, vector<16xf32>,
      %mul3A_550 = arith.mulf %get3A_546, %get3A_549 : vector<16xf32>
      %get3A_551 = arith.index_cast %add3A_543 : i32 to index
      %get3A_552 = arith.constant 16 : index
      %get3A_553 = tpu.vector_load %arg11[%get3A_551, %get3A_552] {strides = array<i32>} : memref<256x64xf32, #tpu.memory_space<vmem>>, vector<16xf32>,
      %get3A_554 = arith.index_cast %add3A_543 : i32 to index
      %get3A_555 = arith.constant 16 : index
      %get3A_556 = tpu.vector_load %arg12[%get3A_554, %get3A_555] {strides = array<i32>} : memref<256x64xf32, #tpu.memory_space<vmem>>, vector<16xf32>,
      %mul3A_557 = arith.mulf %get3A_553, %get3A_556 : vector<16xf32>
      %add3A_558 = arith.addf %mul3A_550, %mul3A_557 : vector<16xf32>
      %get3A_559 = arith.index_cast %add3A_543 : i32 to index
      %get3A_560 = arith.constant 32 : index
      %get3A_561 = tpu.vector_load %arg11[%get3A_559, %get3A_560] {strides = array<i32>} : memref<256x64xf32, #tpu.memory_space<vmem>>, vector<16xf32>,
      %get3A_562 = arith.index_cast %add3A_543 : i32 to index
      %get3A_563 = arith.constant 32 : index
      %get3A_564 = tpu.vector_load %arg12[%get3A_562, %get3A_563] {strides = array<i32>} : memref<256x64xf32, #tpu.memory_space<vmem>>, vector<16xf32>,
      %mul3A_565 = arith.mulf %get3A_561, %get3A_564 : vector<16xf32>
      %add3A_566 = arith.addf %add3A_558, %mul3A_565 : vector<16xf32>
      %get3A_567 = arith.index_cast %add3A_543 : i32 to index
      %get3A_568 = arith.constant 48 : index
      %get3A_569 = tpu.vector_load %arg11[%get3A_567, %get3A_568] {strides = array<i32>} : memref<256x64xf32, #tpu.memory_space<vmem>>, vector<16xf32>,
      %get3A_570 = arith.index_cast %add3A_543 : i32 to index
      %get3A_571 = arith.constant 48 : index
      %get3A_572 = tpu.vector_load %arg12[%get3A_570, %get3A_571] {strides = array<i32>} : memref<256x64xf32, #tpu.memory_space<vmem>>, vector<16xf32>,
      %mul3A_573 = arith.mulf %get3A_569, %get3A_572 : vector<16xf32>
      %add3A_574 = arith.addf %add3A_566, %mul3A_573 : vector<16xf32>
      %add3A_575 = arith.constant 11 : i32
      %add3A_576 = vector.broadcast %add3A_575 : i32 to vector<16xi32>
      %add3A_577 = arith.addi %mul3A_52, %add3A_576 : vector<16xi32>
      tpu.vector_store_idx %arg16[%add3A_577], %add3A_574 : memref<272xf32, #tpu.memory_space<vmem>>[vector<16xi32>], vector<16xf32>,
      %add3A_578 = arith.constant 12 : i32
      %add3A_579 = arith.addi %mul3A_146, %add3A_578 : i32
      %get3A_580 = arith.index_cast %add3A_579 : i32 to index
      %get3A_581 = arith.constant 0 : index
      %get3A_582 = tpu.vector_load %arg11[%get3A_580, %get3A_581] {strides = array<i32>} : memref<256x64xf32, #tpu.memory_space<vmem>>, vector<16xf32>,
      %get3A_583 = arith.index_cast %add3A_579 : i32 to index
      %get3A_584 = arith.constant 0 : index
      %get3A_585 = tpu.vector_load %arg12[%get3A_583, %get3A_584] {strides = array<i32>} : memref<256x64xf32, #tpu.memory_space<vmem>>, vector<16xf32>,
      %mul3A_586 = arith.mulf %get3A_582, %get3A_585 : vector<16xf32>
      %get3A_587 = arith.index_cast %add3A_579 : i32 to index
      %get3A_588 = arith.constant 16 : index
      %get3A_589 = tpu.vector_load %arg11[%get3A_587, %get3A_588] {strides = array<i32>} : memref<256x64xf32, #tpu.memory_space<vmem>>, vector<16xf32>,
      %get3A_590 = arith.index_cast %add3A_579 : i32 to index
      %get3A_591 = arith.constant 16 : index
      %get3A_592 = tpu.vector_load %arg12[%get3A_590, %get3A_591] {strides = array<i32>} : memref<256x64xf32, #tpu.memory_space<vmem>>, vector<16xf32>,
      %mul3A_593 = arith.mulf %get3A_589, %get3A_592 : vector<16xf32>
      %add3A_594 = arith.addf %mul3A_586, %mul3A_593 : vector<16xf32>
      %get3A_595 = arith.index_cast %add3A_579 : i32 to index
      %get3A_596 = arith.constant 32 : index
      %get3A_597 = tpu.vector_load %arg11[%get3A_595, %get3A_596] {strides = array<i32>} : memref<256x64xf32, #tpu.memory_space<vmem>>, vector<16xf32>,
      %get3A_598 = arith.index_cast %add3A_579 : i32 to index
      %get3A_599 = arith.constant 32 : index
      %get3A_600 = tpu.vector_load %arg12[%get3A_598, %get3A_599] {strides = array<i32>} : memref<256x64xf32, #tpu.memory_space<vmem>>, vector<16xf32>,
      %mul3A_601 = arith.mulf %get3A_597, %get3A_600 : vector<16xf32>
      %add3A_602 = arith.addf %add3A_594, %mul3A_601 : vector<16xf32>
      %get3A_603 = arith.index_cast %add3A_579 : i32 to index
      %get3A_604 = arith.constant 48 : index
      %get3A_605 = tpu.vector_load %arg11[%get3A_603, %get3A_604] {strides = array<i32>} : memref<256x64xf32, #tpu.memory_space<vmem>>, vector<16xf32>,
      %get3A_606 = arith.index_cast %add3A_579 : i32 to index
      %get3A_607 = arith.constant 48 : index
      %get3A_608 = tpu.vector_load %arg12[%get3A_606, %get3A_607] {strides = array<i32>} : memref<256x64xf32, #tpu.memory_space<vmem>>, vector<16xf32>,
      %mul3A_609 = arith.mulf %get3A_605, %get3A_608 : vector<16xf32>
      %add3A_610 = arith.addf %add3A_602, %mul3A_609 : vector<16xf32>
      %add3A_611 = arith.constant 12 : i32
      %add3A_612 = vector.broadcast %add3A_611 : i32 to vector<16xi32>
      %add3A_613 = arith.addi %mul3A_52, %add3A_612 : vector<16xi32>
      tpu.vector_store_idx %arg16[%add3A_613], %add3A_610 : memref<272xf32, #tpu.memory_space<vmem>>[vector<16xi32>], vector<16xf32>,
      %add3A_614 = arith.constant 13 : i32
      %add3A_615 = arith.addi %mul3A_146, %add3A_614 : i32
      %get3A_616 = arith.index_cast %add3A_615 : i32 to index
      %get3A_617 = arith.constant 0 : index
      %get3A_618 = tpu.vector_load %arg11[%get3A_616, %get3A_617] {strides = array<i32>} : memref<256x64xf32, #tpu.memory_space<vmem>>, vector<16xf32>,
      %get3A_619 = arith.index_cast %add3A_615 : i32 to index
      %get3A_620 = arith.constant 0 : index
      %get3A_621 = tpu.vector_load %arg12[%get3A_619, %get3A_620] {strides = array<i32>} : memref<256x64xf32, #tpu.memory_space<vmem>>, vector<16xf32>,
      %mul3A_622 = arith.mulf %get3A_618, %get3A_621 : vector<16xf32>
      %get3A_623 = arith.index_cast %add3A_615 : i32 to index
      %get3A_624 = arith.constant 16 : index
      %get3A_625 = tpu.vector_load %arg11[%get3A_623, %get3A_624] {strides = array<i32>} : memref<256x64xf32, #tpu.memory_space<vmem>>, vector<16xf32>,
      %get3A_626 = arith.index_cast %add3A_615 : i32 to index
      %get3A_627 = arith.constant 16 : index
      %get3A_628 = tpu.vector_load %arg12[%get3A_626, %get3A_627] {strides = array<i32>} : memref<256x64xf32, #tpu.memory_space<vmem>>, vector<16xf32>,
      %mul3A_629 = arith.mulf %get3A_625, %get3A_628 : vector<16xf32>
      %add3A_630 = arith.addf %mul3A_622, %mul3A_629 : vector<16xf32>
      %get3A_631 = arith.index_cast %add3A_615 : i32 to index
      %get3A_632 = arith.constant 32 : index
      %get3A_633 = tpu.vector_load %arg11[%get3A_631, %get3A_632] {strides = array<i32>} : memref<256x64xf32, #tpu.memory_space<vmem>>, vector<16xf32>,
      %get3A_634 = arith.index_cast %add3A_615 : i32 to index
      %get3A_635 = arith.constant 32 : index
      %get3A_636 = tpu.vector_load %arg12[%get3A_634, %get3A_635] {strides = array<i32>} : memref<256x64xf32, #tpu.memory_space<vmem>>, vector<16xf32>,
      %mul3A_637 = arith.mulf %get3A_633, %get3A_636 : vector<16xf32>
      %add3A_638 = arith.addf %add3A_630, %mul3A_637 : vector<16xf32>
      %get3A_639 = arith.index_cast %add3A_615 : i32 to index
      %get3A_640 = arith.constant 48 : index
      %get3A_641 = tpu.vector_load %arg11[%get3A_639, %get3A_640] {strides = array<i32>} : memref<256x64xf32, #tpu.memory_space<vmem>>, vector<16xf32>,
      %get3A_642 = arith.index_cast %add3A_615 : i32 to index
      %get3A_643 = arith.constant 48 : index
      %get3A_644 = tpu.vector_load %arg12[%get3A_642, %get3A_643] {strides = array<i32>} : memref<256x64xf32, #tpu.memory_space<vmem>>, vector<16xf32>,
      %mul3A_645 = arith.mulf %get3A_641, %get3A_644 : vector<16xf32>
      %add3A_646 = arith.addf %add3A_638, %mul3A_645 : vector<16xf32>
      %add3A_647 = arith.constant 13 : i32
      %add3A_648 = vector.broadcast %add3A_647 : i32 to vector<16xi32>
      %add3A_649 = arith.addi %mul3A_52, %add3A_648 : vector<16xi32>
      tpu.vector_store_idx %arg16[%add3A_649], %add3A_646 : memref<272xf32, #tpu.memory_space<vmem>>[vector<16xi32>], vector<16xf32>,
      %add3A_650 = arith.constant 14 : i32
      %add3A_651 = arith.addi %mul3A_146, %add3A_650 : i32
      %get3A_652 = arith.index_cast %add3A_651 : i32 to index
      %get3A_653 = arith.constant 0 : index
      %get3A_654 = tpu.vector_load %arg11[%get3A_652, %get3A_653] {strides = array<i32>} : memref<256x64xf32, #tpu.memory_space<vmem>>, vector<16xf32>,
      %get3A_655 = arith.index_cast %add3A_651 : i32 to index
      %get3A_656 = arith.constant 0 : index
      %get3A_657 = tpu.vector_load %arg12[%get3A_655, %get3A_656] {strides = array<i32>} : memref<256x64xf32, #tpu.memory_space<vmem>>, vector<16xf32>,
      %mul3A_658 = arith.mulf %get3A_654, %get3A_657 : vector<16xf32>
      %get3A_659 = arith.index_cast %add3A_651 : i32 to index
      %get3A_660 = arith.constant 16 : index
      %get3A_661 = tpu.vector_load %arg11[%get3A_659, %get3A_660] {strides = array<i32>} : memref<256x64xf32, #tpu.memory_space<vmem>>, vector<16xf32>,
      %get3A_662 = arith.index_cast %add3A_651 : i32 to index
      %get3A_663 = arith.constant 16 : index
      %get3A_664 = tpu.vector_load %arg12[%get3A_662, %get3A_663] {strides = array<i32>} : memref<256x64xf32, #tpu.memory_space<vmem>>, vector<16xf32>,
      %mul3A_665 = arith.mulf %get3A_661, %get3A_664 : vector<16xf32>
      %add3A_666 = arith.addf %mul3A_658, %mul3A_665 : vector<16xf32>
      %get3A_667 = arith.index_cast %add3A_651 : i32 to index
      %get3A_668 = arith.constant 32 : index
      %get3A_669 = tpu.vector_load %arg11[%get3A_667, %get3A_668] {strides = array<i32>} : memref<256x64xf32, #tpu.memory_space<vmem>>, vector<16xf32>,
      %get3A_670 = arith.index_cast %add3A_651 : i32 to index
      %get3A_671 = arith.constant 32 : index
      %get3A_672 = tpu.vector_load %arg12[%get3A_670, %get3A_671] {strides = array<i32>} : memref<256x64xf32, #tpu.memory_space<vmem>>, vector<16xf32>,
      %mul3A_673 = arith.mulf %get3A_669, %get3A_672 : vector<16xf32>
      %add3A_674 = arith.addf %add3A_666, %mul3A_673 : vector<16xf32>
      %get3A_675 = arith.index_cast %add3A_651 : i32 to index
      %get3A_676 = arith.constant 48 : index
      %get3A_677 = tpu.vector_load %arg11[%get3A_675, %get3A_676] {strides = array<i32>} : memref<256x64xf32, #tpu.memory_space<vmem>>, vector<16xf32>,
      %get3A_678 = arith.index_cast %add3A_651 : i32 to index
      %get3A_679 = arith.constant 48 : index
      %get3A_680 = tpu.vector_load %arg12[%get3A_678, %get3A_679] {strides = array<i32>} : memref<256x64xf32, #tpu.memory_space<vmem>>, vector<16xf32>,
      %mul3A_681 = arith.mulf %get3A_677, %get3A_680 : vector<16xf32>
      %add3A_682 = arith.addf %add3A_674, %mul3A_681 : vector<16xf32>
      %add3A_683 = arith.constant 14 : i32
      %add3A_684 = vector.broadcast %add3A_683 : i32 to vector<16xi32>
      %add3A_685 = arith.addi %mul3A_52, %add3A_684 : vector<16xi32>
      tpu.vector_store_idx %arg16[%add3A_685], %add3A_682 : memref<272xf32, #tpu.memory_space<vmem>>[vector<16xi32>], vector<16xf32>,
      %add3A_686 = arith.constant 15 : i32
      %add3A_687 = arith.addi %mul3A_146, %add3A_686 : i32
      %get3A_688 = arith.index_cast %add3A_687 : i32 to index
      %get3A_689 = arith.constant 0 : index
      %get3A_690 = tpu.vector_load %arg11[%get3A_688, %get3A_689] {strides = array<i32>} : memref<256x64xf32, #tpu.memory_space<vmem>>, vector<16xf32>,
      %get3A_691 = arith.index_cast %add3A_687 : i32 to index
      %get3A_692 = arith.constant 0 : index
      %get3A_693 = tpu.vector_load %arg12[%get3A_691, %get3A_692] {strides = array<i32>} : memref<256x64xf32, #tpu.memory_space<vmem>>, vector<16xf32>,
      %mul3A_694 = arith.mulf %get3A_690, %get3A_693 : vector<16xf32>
      %get3A_695 = arith.index_cast %add3A_687 : i32 to index
      %get3A_696 = arith.constant 16 : index
      %get3A_697 = tpu.vector_load %arg11[%get3A_695, %get3A_696] {strides = array<i32>} : memref<256x64xf32, #tpu.memory_space<vmem>>, vector<16xf32>,
      %get3A_698 = arith.index_cast %add3A_687 : i32 to index
      %get3A_699 = arith.constant 16 : index
      %get3A_700 = tpu.vector_load %arg12[%get3A_698, %get3A_699] {strides = array<i32>} : memref<256x64xf32, #tpu.memory_space<vmem>>, vector<16xf32>,
      %mul3A_701 = arith.mulf %get3A_697, %get3A_700 : vector<16xf32>
      %add3A_702 = arith.addf %mul3A_694, %mul3A_701 : vector<16xf32>
      %get3A_703 = arith.index_cast %add3A_687 : i32 to index
      %get3A_704 = arith.constant 32 : index
      %get3A_705 = tpu.vector_load %arg11[%get3A_703, %get3A_704] {strides = array<i32>} : memref<256x64xf32, #tpu.memory_space<vmem>>, vector<16xf32>,
      %get3A_706 = arith.index_cast %add3A_687 : i32 to index
      %get3A_707 = arith.constant 32 : index
      %get3A_708 = tpu.vector_load %arg12[%get3A_706, %get3A_707] {strides = array<i32>} : memref<256x64xf32, #tpu.memory_space<vmem>>, vector<16xf32>,
      %mul3A_709 = arith.mulf %get3A_705, %get3A_708 : vector<16xf32>
      %add3A_710 = arith.addf %add3A_702, %mul3A_709 : vector<16xf32>
      %get3A_711 = arith.index_cast %add3A_687 : i32 to index
      %get3A_712 = arith.constant 48 : index
      %get3A_713 = tpu.vector_load %arg11[%get3A_711, %get3A_712] {strides = array<i32>} : memref<256x64xf32, #tpu.memory_space<vmem>>, vector<16xf32>,
      %get3A_714 = arith.index_cast %add3A_687 : i32 to index
      %get3A_715 = arith.constant 48 : index
      %get3A_716 = tpu.vector_load %arg12[%get3A_714, %get3A_715] {strides = array<i32>} : memref<256x64xf32, #tpu.memory_space<vmem>>, vector<16xf32>,
      %mul3A_717 = arith.mulf %get3A_713, %get3A_716 : vector<16xf32>
      %add3A_718 = arith.addf %add3A_710, %mul3A_717 : vector<16xf32>
      %add3A_719 = arith.constant 15 : i32
      %add3A_720 = vector.broadcast %add3A_719 : i32 to vector<16xi32>
      %add3A_721 = arith.addi %mul3A_52, %add3A_720 : vector<16xi32>
      tpu.vector_store_idx %arg16[%add3A_721], %add3A_718 : memref<272xf32, #tpu.memory_space<vmem>>[vector<16xi32>], vector<16xf32>,
      %get3A_722 = arith.constant 0 : index
      %get3A_723 = tpu.vector_load %arg16[%get3A_722] {strides = array<i32>} : memref<272xf32, #tpu.memory_space<vmem>>, vector<16xf32>,
      %get3A_724 = arith.constant 17 : index
      %get3A_725 = tpu.vector_load %arg16[%get3A_724] {strides = array<i32>} : memref<272xf32, #tpu.memory_space<vmem>>, vector<16xf32>,
      %add3A_726 = arith.addf %get3A_723, %get3A_725 : vector<16xf32>
      %get3A_727 = arith.constant 34 : index
      %get3A_728 = tpu.vector_load %arg16[%get3A_727] {strides = array<i32>} : memref<272xf32, #tpu.memory_space<vmem>>, vector<16xf32>,
      %add3A_729 = arith.addf %add3A_726, %get3A_728 : vector<16xf32>
      %get3A_730 = arith.constant 51 : index
      %get3A_731 = tpu.vector_load %arg16[%get3A_730] {strides = array<i32>} : memref<272xf32, #tpu.memory_space<vmem>>, vector<16xf32>,
      %add3A_732 = arith.addf %add3A_729, %get3A_731 : vector<16xf32>
      %get3A_733 = arith.constant 68 : index
      %get3A_734 = tpu.vector_load %arg16[%get3A_733] {strides = array<i32>} : memref<272xf32, #tpu.memory_space<vmem>>, vector<16xf32>,
      %add3A_735 = arith.addf %add3A_732, %get3A_734 : vector<16xf32>
      %get3A_736 = arith.constant 85 : index
      %get3A_737 = tpu.vector_load %arg16[%get3A_736] {strides = array<i32>} : memref<272xf32, #tpu.memory_space<vmem>>, vector<16xf32>,
      %add3A_738 = arith.addf %add3A_735, %get3A_737 : vector<16xf32>
      %get3A_739 = arith.constant 102 : index
      %get3A_740 = tpu.vector_load %arg16[%get3A_739] {strides = array<i32>} : memref<272xf32, #tpu.memory_space<vmem>>, vector<16xf32>,
      %add3A_741 = arith.addf %add3A_738, %get3A_740 : vector<16xf32>
      %get3A_742 = arith.constant 119 : index
      %get3A_743 = tpu.vector_load %arg16[%get3A_742] {strides = array<i32>} : memref<272xf32, #tpu.memory_space<vmem>>, vector<16xf32>,
      %add3A_744 = arith.addf %add3A_741, %get3A_743 : vector<16xf32>
      %get3A_745 = arith.constant 136 : index
      %get3A_746 = tpu.vector_load %arg16[%get3A_745] {strides = array<i32>} : memref<272xf32, #tpu.memory_space<vmem>>, vector<16xf32>,
      %add3A_747 = arith.addf %add3A_744, %get3A_746 : vector<16xf32>
      %get3A_748 = arith.constant 153 : index
      %get3A_749 = tpu.vector_load %arg16[%get3A_748] {strides = array<i32>} : memref<272xf32, #tpu.memory_space<vmem>>, vector<16xf32>,
      %add3A_750 = arith.addf %add3A_747, %get3A_749 : vector<16xf32>
      %get3A_751 = arith.constant 170 : index
      %get3A_752 = tpu.vector_load %arg16[%get3A_751] {strides = array<i32>} : memref<272xf32, #tpu.memory_space<vmem>>, vector<16xf32>,
      %add3A_753 = arith.addf %add3A_750, %get3A_752 : vector<16xf32>
      %get3A_754 = arith.constant 187 : index
      %get3A_755 = tpu.vector_load %arg16[%get3A_754] {strides = array<i32>} : memref<272xf32, #tpu.memory_space<vmem>>, vector<16xf32>,
      %add3A_756 = arith.addf %add3A_753, %get3A_755 : vector<16xf32>
      %get3A_757 = arith.constant 204 : index
      %get3A_758 = tpu.vector_load %arg16[%get3A_757] {strides = array<i32>} : memref<272xf32, #tpu.memory_space<vmem>>, vector<16xf32>,
      %add3A_759 = arith.addf %add3A_756, %get3A_758 : vector<16xf32>
      %get3A_760 = arith.constant 221 : index
      %get3A_761 = tpu.vector_load %arg16[%get3A_760] {strides = array<i32>} : memref<272xf32, #tpu.memory_space<vmem>>, vector<16xf32>,
      %add3A_762 = arith.addf %add3A_759, %get3A_761 : vector<16xf32>
      %get3A_763 = arith.constant 238 : index
      %get3A_764 = tpu.vector_load %arg16[%get3A_763] {strides = array<i32>} : memref<272xf32, #tpu.memory_space<vmem>>, vector<16xf32>,
      %add3A_765 = arith.addf %add3A_762, %get3A_764 : vector<16xf32>
      %get3A_766 = arith.constant 255 : index
      %get3A_767 = tpu.vector_load %arg16[%get3A_766] {strides = array<i32>} : memref<272xf32, #tpu.memory_space<vmem>>, vector<16xf32>,
      %add3A_768 = arith.addf %add3A_765, %get3A_767 : vector<16xf32>
      %add3A_769 = arith.addi %scan3A_84, %mul3A_146 : i32
      %swap3A = arith.index_cast %add3A_769 : i32 to index
      %swap3A_770 = tpu.vector_load %arg15[%swap3A] {strides = array<i32>} : memref<512xf32, #tpu.memory_space<vmem>>, vector<16xf32>,
      tpu.vector_store %arg15[%swap3A], %add3A_768 {strides = array<i32>} : memref<512xf32, #tpu.memory_space<vmem>>, vector<16xf32>,
    }
    %scan3A_89 = arith.constant 16 : i32
    %dma_wait3A = arith.constant 0 : i32
    %dma_wait3A_90 = tpu.memref_slice %arg13[%dma_wait3A] : memref<512xf32, #tpu.memory_space<vmem>> -> memref<128xf32, #tpu.memory_space<vmem>>
    %dma_wait3A_91 = arith.constant 0 : i32
    %dma_wait3A_92 = tpu.memref_slice %arg9[%dma_wait3A_91] : memref<528xi32, #tpu.memory_space<vmem>> -> memref<128xi32, #tpu.memory_space<vmem>>
    %dma_wait3A_93 = arith.constant 0 : i32
    %dma_wait3A_94 = tpu.memref_slice %arg6[%dma_wait3A_93] : memref<100000xf32, #tpu.memory_space<hbm>> -> memref<100000xf32, #tpu.memory_space<hbm>>
    tpu.wait_indirect_dma semaphore(%arg19 : memref<!tpu.dma_semaphore, #tpu.memory_space<semaphore_mem>>) src(%dma_wait3A_94 : memref<100000xf32, #tpu.memory_space<hbm>>) dst(%dma_wait3A_90 : memref<128xf32, #tpu.memory_space<vmem>>)
    %dma_wait3A_95 = arith.constant 0 : i32
    %dma_wait3A_96 = tpu.memref_slice %arg14[%dma_wait3A_95] : memref<512xf32, #tpu.memory_space<vmem>> -> memref<128xf32, #tpu.memory_space<vmem>>
    %dma_wait3A_97 = arith.constant 0 : i32
    %dma_wait3A_98 = tpu.memref_slice %arg10[%dma_wait3A_97] : memref<528xi32, #tpu.memory_space<vmem>> -> memref<128xi32, #tpu.memory_space<vmem>>
    %dma_wait3A_99 = arith.constant 0 : i32
    %dma_wait3A_100 = tpu.memref_slice %arg7[%dma_wait3A_99] : memref<100000xf32, #tpu.memory_space<hbm>> -> memref<100000xf32, #tpu.memory_space<hbm>>
    tpu.wait_indirect_dma semaphore(%arg19 : memref<!tpu.dma_semaphore, #tpu.memory_space<semaphore_mem>>) src(%dma_wait3A_100 : memref<100000xf32, #tpu.memory_space<hbm>>) dst(%dma_wait3A_96 : memref<128xf32, #tpu.memory_space<vmem>>)
    %dma_wait3A_101 = arith.constant 128 : i32
    %dma_wait3A_102 = tpu.memref_slice %arg13[%dma_wait3A_101] : memref<512xf32, #tpu.memory_space<vmem>> -> memref<128xf32, #tpu.memory_space<vmem>>
    %dma_wait3A_103 = arith.constant 128 : i32
    %dma_wait3A_104 = tpu.memref_slice %arg9[%dma_wait3A_103] : memref<528xi32, #tpu.memory_space<vmem>> -> memref<128xi32, #tpu.memory_space<vmem>>
    %dma_wait3A_105 = arith.constant 0 : i32
    %dma_wait3A_106 = tpu.memref_slice %arg6[%dma_wait3A_105] : memref<100000xf32, #tpu.memory_space<hbm>> -> memref<100000xf32, #tpu.memory_space<hbm>>
    tpu.wait_indirect_dma semaphore(%arg19 : memref<!tpu.dma_semaphore, #tpu.memory_space<semaphore_mem>>) src(%dma_wait3A_106 : memref<100000xf32, #tpu.memory_space<hbm>>) dst(%dma_wait3A_102 : memref<128xf32, #tpu.memory_space<vmem>>)
    %dma_wait3A_107 = arith.constant 128 : i32
    %dma_wait3A_108 = tpu.memref_slice %arg14[%dma_wait3A_107] : memref<512xf32, #tpu.memory_space<vmem>> -> memref<128xf32, #tpu.memory_space<vmem>>
    %dma_wait3A_109 = arith.constant 128 : i32
    %dma_wait3A_110 = tpu.memref_slice %arg10[%dma_wait3A_109] : memref<528xi32, #tpu.memory_space<vmem>> -> memref<128xi32, #tpu.memory_space<vmem>>
    %dma_wait3A_111 = arith.constant 0 : i32
    %dma_wait3A_112 = tpu.memref_slice %arg7[%dma_wait3A_111] : memref<100000xf32, #tpu.memory_space<hbm>> -> memref<100000xf32, #tpu.memory_space<hbm>>
    tpu.wait_indirect_dma semaphore(%arg19 : memref<!tpu.dma_semaphore, #tpu.memory_space<semaphore_mem>>) src(%dma_wait3A_112 : memref<100000xf32, #tpu.memory_space<hbm>>) dst(%dma_wait3A_108 : memref<128xf32, #tpu.memory_space<vmem>>)
    %dma_wait3A_113 = arith.constant 256 : i32
    %dma_wait3A_114 = tpu.memref_slice %arg13[%dma_wait3A_113] : memref<512xf32, #tpu.memory_space<vmem>> -> memref<128xf32, #tpu.memory_space<vmem>>
    %dma_wait3A_115 = arith.constant 256 : i32
    %dma_wait3A_116 = tpu.memref_slice %arg9[%dma_wait3A_115] : memref<528xi32, #tpu.memory_space<vmem>> -> memref<128xi32, #tpu.memory_space<vmem>>
    %dma_wait3A_117 = arith.constant 0 : i32
    %dma_wait3A_118 = tpu.memref_slice %arg6[%dma_wait3A_117] : memref<100000xf32, #tpu.memory_space<hbm>> -> memref<100000xf32, #tpu.memory_space<hbm>>
    tpu.wait_indirect_dma semaphore(%arg19 : memref<!tpu.dma_semaphore, #tpu.memory_space<semaphore_mem>>) src(%dma_wait3A_118 : memref<100000xf32, #tpu.memory_space<hbm>>) dst(%dma_wait3A_114 : memref<128xf32, #tpu.memory_space<vmem>>)
    %dma_wait3A_119 = arith.constant 256 : i32
    %dma_wait3A_120 = tpu.memref_slice %arg14[%dma_wait3A_119] : memref<512xf32, #tpu.memory_space<vmem>> -> memref<128xf32, #tpu.memory_space<vmem>>
    %dma_wait3A_121 = arith.constant 256 : i32
    %dma_wait3A_122 = tpu.memref_slice %arg10[%dma_wait3A_121] : memref<528xi32, #tpu.memory_space<vmem>> -> memref<128xi32, #tpu.memory_space<vmem>>
    %dma_wait3A_123 = arith.constant 0 : i32
    %dma_wait3A_124 = tpu.memref_slice %arg7[%dma_wait3A_123] : memref<100000xf32, #tpu.memory_space<hbm>> -> memref<100000xf32, #tpu.memory_space<hbm>>
    tpu.wait_indirect_dma semaphore(%arg19 : memref<!tpu.dma_semaphore, #tpu.memory_space<semaphore_mem>>) src(%dma_wait3A_124 : memref<100000xf32, #tpu.memory_space<hbm>>) dst(%dma_wait3A_120 : memref<128xf32, #tpu.memory_space<vmem>>)
    %dma_wait3A_125 = arith.constant 384 : i32
    %dma_wait3A_126 = tpu.memref_slice %arg13[%dma_wait3A_125] : memref<512xf32, #tpu.memory_space<vmem>> -> memref<128xf32, #tpu.memory_space<vmem>>
    %dma_wait3A_127 = arith.constant 384 : i32
    %dma_wait3A_128 = tpu.memref_slice %arg9[%dma_wait3A_127] : memref<528xi32, #tpu.memory_space<vmem>> -> memref<128xi32, #tpu.memory_space<vmem>>
    %dma_wait3A_129 = arith.constant 0 : i32
    %dma_wait3A_130 = tpu.memref_slice %arg6[%dma_wait3A_129] : memref<100000xf32, #tpu.memory_space<hbm>> -> memref<100000xf32, #tpu.memory_space<hbm>>
    tpu.wait_indirect_dma semaphore(%arg19 : memref<!tpu.dma_semaphore, #tpu.memory_space<semaphore_mem>>) src(%dma_wait3A_130 : memref<100000xf32, #tpu.memory_space<hbm>>) dst(%dma_wait3A_126 : memref<128xf32, #tpu.memory_space<vmem>>)
    %dma_wait3A_131 = arith.constant 384 : i32
    %dma_wait3A_132 = tpu.memref_slice %arg14[%dma_wait3A_131] : memref<512xf32, #tpu.memory_space<vmem>> -> memref<128xf32, #tpu.memory_space<vmem>>
    %dma_wait3A_133 = arith.constant 384 : i32
    %dma_wait3A_134 = tpu.memref_slice %arg10[%dma_wait3A_133] : memref<528xi32, #tpu.memory_space<vmem>> -> memref<128xi32, #tpu.memory_space<vmem>>
    %dma_wait3A_135 = arith.constant 0 : i32
    %dma_wait3A_136 = tpu.memref_slice %arg7[%dma_wait3A_135] : memref<100000xf32, #tpu.memory_space<hbm>> -> memref<100000xf32, #tpu.memory_space<hbm>>
    tpu.wait_indirect_dma semaphore(%arg19 : memref<!tpu.dma_semaphore, #tpu.memory_space<semaphore_mem>>) src(%dma_wait3A_136 : memref<100000xf32, #tpu.memory_space<hbm>>) dst(%dma_wait3A_132 : memref<128xf32, #tpu.memory_space<vmem>>)
    %scan3A_137 = arith.constant 0 : i32
    %scan3A_138 = arith.constant 0 : i32
    %scan3A_139 = arith.constant 32 : i32
    %scan3A_140 = arith.addi %scan3A_138, %scan3A_139 : i32
    %scan3A_141 = arith.constant 1 : i32
    %scan3A_142 = scf.for %scan3A_144 = %scan3A_138 to %scan3A_140 step %scan3A_141 iter_args(%scan3A_145 = %scan3A_137) -> (i32)  : i32 {
      %mul3A_146 = arith.constant 16 : i32
      %mul3A_147 = arith.muli %scan3A_144, %mul3A_146 : i32
      %get3A = arith.index_cast %mul3A_147 : i32 to index
      %get3A_148 = tpu.vector_load %arg15[%get3A] {strides = array<i32>} : memref<512xf32, #tpu.memory_space<vmem>>, vector<16xf32>,
      %get3A_149 = arith.index_cast %mul3A_147 : i32 to index
      %get3A_150 = tpu.vector_load %arg13[%get3A_149] {strides = array<i32>} : memref<512xf32, #tpu.memory_space<vmem>>, vector<16xf32>,
      %add3A_151 = arith.addf %get3A_148, %get3A_150 : vector<16xf32>
      %get3A_152 = arith.index_cast %mul3A_147 : i32 to index
      %get3A_153 = tpu.vector_load %arg14[%get3A_152] {strides = array<i32>} : memref<512xf32, #tpu.memory_space<vmem>>, vector<16xf32>,
      %add3A_154 = arith.addf %add3A_151, %get3A_153 : vector<16xf32>
      %neg3A = arith.constant 0.000000e+00 : f32
      %neg3A_155 = vector.broadcast %neg3A : f32 to vector<16xf32>
      %neg3A_156 = arith.subf %neg3A_155, %add3A_154 : vector<16xf32>
      %exp3A = math.exp %neg3A_156 : vector<16xf32>
      %add3A_157 = arith.constant 1.000000e+00 : f32
      %add3A_158 = vector.broadcast %add3A_157 : f32 to vector<16xf32>
      %add3A_159 = arith.addf %add3A_158, %exp3A : vector<16xf32>
      %div3A = arith.constant 1.000000e+00 : f32
      %div3A_160 = vector.broadcast %div3A : f32 to vector<16xf32>
      %div3A_161 = arith.divf %div3A_160, %add3A_159 : vector<16xf32>
      %swap3A = arith.index_cast %mul3A_147 : i32 to index
      %swap3A_162 = tpu.vector_load %arg15[%swap3A] {strides = array<i32>} : memref<512xf32, #tpu.memory_space<vmem>>, vector<16xf32>,
      tpu.vector_store %arg15[%swap3A], %div3A_161 {strides = array<i32>} : memref<512xf32, #tpu.memory_space<vmem>>, vector<16xf32>,
      %scan3A_163 = arith.constant 0 : i32
      scf.yield %scan3A_163 : i32
    }
    %scan3A_143 = arith.constant 32 : i32
    "tpu.region"() ({
      %run_scoped3A = tpu.sem_alloc : memref<!tpu.dma_semaphore, #tpu.memory_space<semaphore_mem>>
      %dma_start3A_144 = tpu.memref_slice %arg8[%mul3A_2] : memref<16384xf32, #tpu.memory_space<hbm>> -> memref<512xf32, #tpu.memory_space<hbm>>
      %dma_start3A_145 = tpu.memref_slice %arg8[%mul3A_2] : memref<16384xf32, #tpu.memory_space<hbm>> -> memref<512xf32, #tpu.memory_space<hbm>>
      tpu.enqueue_dma source(%arg15 : memref<512xf32, #tpu.memory_space<vmem>>) target(%dma_start3A_145 : memref<512xf32, #tpu.memory_space<hbm>>) target_semaphore(%run_scoped3A : memref<!tpu.dma_semaphore, #tpu.memory_space<semaphore_mem>>)
      %dma_wait3A_146 = tpu.memref_slice %arg8[%mul3A_2] : memref<16384xf32, #tpu.memory_space<hbm>> -> memref<512xf32, #tpu.memory_space<hbm>>
      %dma_wait3A_147 = tpu.memref_slice %arg8[%mul3A_2] : memref<16384xf32, #tpu.memory_space<hbm>> -> memref<512xf32, #tpu.memory_space<hbm>>
      tpu.wait_dma2 semaphore(%run_scoped3A : memref<!tpu.dma_semaphore, #tpu.memory_space<semaphore_mem>>) src(%arg15 : memref<512xf32, #tpu.memory_space<vmem>>) dst(%dma_wait3A_147 : memref<512xf32, #tpu.memory_space<hbm>>)
      tpu.yield
    }) : () -> ()
    return
  }
}

</mosaic_0001>

<sc_bundles>
// kernel: kernel.3.cloned.1.call-start
scs
__scs_entry_jumppad:
0x0: {  	(pc) =	sbr.rel $0x88, $3  }
0x1: {  	(tag) =	ssettag $0x0;
	lr =	simm.s32 $0x1  }
0x2: {  	[smem:$0x3F9C] =	sst lr;
	_ =	strace $0xD0000000  }
0x3: {  	_ = 	snop  }
0x4: {  	_ = 	snop  }
0x5: {  	_ = 	snop  }
0x6: {  	_ = 	snop  }
0x7: {  	_ = 	snop  }
__scs_overlays_trampoline_lowered:
0x8: {  	[smem:$0x3FAB] =	sst s0  }
0x9: {  	[smem:$0x3FAC] =	sst s1  }
0xa: {  	[smem:$0x3FAD] =	sst s2  }
0xb: {  	[smem:$0x3FAE] =	sst s3  }
0xc: {  	[smem:$0x3FAF] =	sst s4  }
0xd: {  	[smem:$0x3FB0] =	sst s5  }
0xe: {  	[smem:$0x3FB1] =	sst s6  }
0xf: {  	[smem:$0x3FB2] =	sst s7  }
0x10: {  	[smem:$0x3FB3] =	sst s8  }
0x11: {  	[smem:$0x3FB4] =	sst s9;
	s0 =	simm.s32 @!p0 $0x0  }
0x12: {  	s1 =	sld [smem:$0x3F9A];
	s0 =	simm.s32 @p0 $0x1  }
0x13: {  	[smem:$0x3FB5] =	sst s0;
	s0 =	simm.s32 @!p1 $0x0  }
0x14: {  	s2 =	sld [smem:$0x3F99];
	s0 =	simm.s32 @p1 $0x1  }
0x15: {  	[smem:$0x3FB6] =	sst s0;
	s0 =	simm.s32 @!p2 $0x0  }
0x16: {  	s3 =	sld [smem:$0x3FDB];
	s0 =	simm.s32 @p2 $0x1  }
0x17: {  	s4 =	simm.s32 $0x1BF5;
	[smem:$0x3FB8] =	sst s0  }
0x18: {  	s0 =	sld [smem:$0x3F9B];
	_ =	swait.ge [sflag:s4], $0x0  }
0x19: {  	s7 =	sld [smem:$0x3F9C]  }
0x1a: {  	s8 =	sadd.s32 $0xFFFFE003, lr  }
0x1b: {  	s9 =	sadd.s32 $0xFFFFFEF7, lr;
	s5 =	simm.s32 $0xFFFFFFFF;
	p2 =	slt.u32 s8, $0xFFFFF086  }
0x1c: {  	p1 =	slt.u32 s9, $0xF7A;
	s5 =	simm.s32 @!p2 $0x0  }
0x1d: {  	s5 =	simm.s32 @p1 $0x1;
	p0 =	seq.s32 s7, s2  }
0x1e: {  	s7 =	smul.u32 @!p0 $0xF7A, s2;
	p2 =	seq.s32 @!p0 s5, $0x0  }
0x1f: {  	s9 =	smul.u32 $0xF7A, s1;
	s8 =	simm.s32 @!p0 $0x1BF5;
	p2 =	por !p2, p0  }
0x20: {  	[sflag:s8] =	ssyncset.s32 @!p0 $0xFFFFF086;
	s6 =	sadd.s32 @!p0 s3, s7;
	s7 =	simm.s32 @!p0 $0x108  }
0x21: {  	s3 =	sadd.s32 s3, s9;
	s6 =	sadd.s32 @!p0 $0x88, s6;
	s7 =	simm.s32 @p2 $0x1082  }
0x22: {  	[simem:s7], [sflag:s8] =	dma.local @!p0 [hbm:s6], $0xF7A  }
0x23: {  	s9 =	sor.u32 $0xD0000000, s2;
	s6 =	simm.s32 $0x108;
	_ =	swait.ge @!p0 [sflag:s8], $0x0  }
0x24: {  	s3 =	sadd.s32 $0x88, s3;
	s6 =	simm.s32 @!p1 $0x1082;
	[sflag:s4] =	ssyncset.s32 $0xFFFFF086  }
0x25: {  	[simem:s6], [sflag:s4] =	dma.local [hbm:s3], $0xF7A  }
0x26: {  	[smem:$0x3F9C] =	sst s1;
	(tag) =	ssettag s2;
	_ =	strace s9  }
0x27: {  	s1 =	sld [smem:$0x3FAC]  }
0x28: {  	s2 =	sld [smem:$0x3FAD]  }
0x29: {  	s4 =	sld [smem:$0x3FAF]  }
0x2a: {  	p0 =	seq.s32 s5, $0x0;
	s5 =	sld [smem:$0x3FB0]  }
0x2b: {  	s6 =	sld [smem:$0x3FB1]  }
0x2c: {  	s7 =	sld [smem:$0x3FB2]  }
0x2d: {  	s3 =	simm.s32 $0x108;
	s8 =	sld [smem:$0x3FB3]  }
0x2e: {  	s3 =	simm.s32 @!p0 $0x1082;
	s9 =	sld [smem:$0x3FB4]  }
0x2f: {  	lr =	sadd.s32 s0, s3;
	s0 =	sld [smem:$0x3FAB]  }
0x30: {  	s3 =	sld [smem:$0x3FAE]  }
0x31: {  	[smem:$0x3FB7] =	sst s10  }
0x32: {  	s10 =	sld [smem:$0x3FB5];
	_ =	sdelay $0x3  }
0x33: {  	p0 =	seq.s32 s10, $0x1;
	s10 =	sld [smem:$0x3FB7];
	_ =	sdelay $0x3  }
0x34: {  	[smem:$0x3FB7] =	sst s10  }
0x35: {  	s10 =	sld [smem:$0x3FB6];
	_ =	sdelay $0x3  }
0x36: {  	p1 =	seq.s32 s10, $0x1;
	s10 =	sld [smem:$0x3FB7];
	_ =	sdelay $0x3  }
0x37: {  	[smem:$0x3FB7] =	sst s10  }
0x38: {  	s10 =	sld [smem:$0x3FB8]  }
0x39: {  	_ = 	snop;
	(pc) =	sbr.ind lr, $3  }
0x3a: {  	_ = 	snop  }
0x3b: {  	_ = 	snop  }
0x3c: {  	p2 =	seq.s32 s10, $0x1;
	s10 =	sld [smem:$0x3FB7]  }
0x3d: {  	_ =	shalt  }
0x3e: {  	_ =	shalt  }
0x3f: {  	_ =	shalt  }
0x40: {  	_ =	shalt  }
0x41: {  	_ =	shalt  }
0x42: {  	_ =	shalt  }
0x43: {  	_ =	shalt  }
0x44: {  	_ =	shalt  }
0x45: {  	_ =	shalt  }
0x46: {  	_ =	shalt  }
0x47: {  	_ =	shalt  }
0x48: {  	_ =	shalt  }
0x49: {  	_ =	shalt  }
0x4a: {  	_ =	shalt  }
0x4b: {  	_ =	shalt  }
0x4c: {  	_ =	shalt  }
0x4d: {  	_ =	shalt  }
0x4e: {  	_ =	shalt  }
0x4f: {  	_ =	shalt  }
0x50: {  	_ =	shalt  }
0x51: {  	_ =	shalt  }
0x52: {  	_ =	shalt  }
0x53: {  	_ =	shalt  }
0x54: {  	_ =	shalt  }
0x55: {  	_ =	shalt  }
0x56: {  	_ =	shalt  }
0x57: {  	_ =	shalt  }
0x58: {  	_ =	shalt  }
0x59: {  	_ =	shalt  }
0x5a: {  	_ =	shalt  }
0x5b: {  	_ =	shalt  }
0x5c: {  	_ =	shalt  }
0x5d: {  	_ =	shalt  }
0x5e: {  	_ =	shalt  }
0x5f: {  	_ =	shalt  }
0x60: {  	_ =	shalt  }
0x61: {  	_ =	shalt  }
0x62: {  	_ =	shalt  }
0x63: {  	_ =	shalt  }
0x64: {  	_ =	shalt  }
0x65: {  	_ =	shalt  }
0x66: {  	_ =	shalt  }
0x67: {  	_ =	shalt  }
0x68: {  	_ =	shalt  }
0x69: {  	_ =	shalt  }
0x6a: {  	_ =	shalt  }
0x6b: {  	_ =	shalt  }
0x6c: {  	_ =	shalt  }
0x6d: {  	_ =	shalt  }
0x6e: {  	_ =	shalt  }
0x6f: {  	_ =	shalt  }
0x70: {  	_ =	shalt  }
0x71: {  	_ =	shalt  }
0x72: {  	_ =	shalt  }
0x73: {  	_ =	shalt  }
0x74: {  	_ =	shalt  }
0x75: {  	_ =	shalt  }
0x76: {  	_ =	shalt  }
0x77: {  	_ =	shalt  }
0x78: {  	_ =	shalt  }
0x79: {  	_ =	shalt  }
0x7a: {  	_ =	shalt  }
0x7b: {  	_ =	shalt  }
0x7c: {  	_ =	shalt  }
0x7d: {  	_ =	shalt  }
0x7e: {  	_ =	shalt  }
0x7f: {  	_ =	shalt  }
0x80: {  	_ =	shalt  }
0x81: {  	_ =	shalt  }
0x82: {  	_ =	shalt  }
0x83: {  	_ =	shalt  }
0x84: {  	_ =	shalt  }
0x85: {  	_ =	shalt  }
0x86: {  	_ =	shalt  }
0x87: {  	_ =	shalt  }
.Lfunc_end0:
.L_simem_size_0:
called_computation_lowered:
.L_overlay_start_0:
0x88: {  	s2 =	sld [smem:$0x3FD9]  }
0x89: {  	s3 =	sld [smem:$0x3FFE];
	_ =	sdelay $0x1  }
0x8a: {  	s1 =	srdreg.scid  }
0x8b: {  	s0 =	sand.u32 $0x1, s1  }
0x8c: {  	s17 =	sshll.u32 s0, $0xA;
	s2 =	sadd.s32 s3, s2  }
0x8d: {  	s2 =	sadd.s32 s2, s17  }
0x8e: {  	[smem:$0x3FC3] =	sst s2  }
0x8f: {  	_ = 	snop  }
0x90: {  	s2 =	sld [smem:$0x3FD0];
	(tm) =	ssettm $0x1  }
0x91: {  	s18 =	sld [smem:$0x3FFB];
	_ =	sdelay $0x3  }
0x92: {  	_ =	strace s18  }
0x93: {  	s3 =	sld [smem:$0x3FFC];
	_ =	sdelay $0x3  }
0x94: {  	_ =	strace s3  }
0x95: {  	s3 =	sld [smem:$0x3FFD];
	_ =	sdelay $0x3  }
0x96: {  	_ =	strace s3  }
0x97: {  	_ =	strace $0x8FFFFFFF  }
0x98: {  	s19 =	sld [smem:$0x3FDB];
	_ =	sdelay $0x1  }
0x99: {  	s4 =	simm.s32 $_scs_section_size  }
0x9a: {  	s5 =	simm.s32 $_size__tile_overlayer_lowered;
	s6 =	simm.s32 $_tile_overlayer_lowered  }
0x9b: {  	s22 =	simm.s32 $0x1BFF;
	s21 =	sshll.u32 s6, $0x1;
	s3 =	sadd.s32 s4, s19  }
0x9c: {  	s7 =	simm.s32 $0x0;
	s20 =	sshll.u32 s5, $0x1;
	s5 =	sadd.s32 s21, s3  }
0x9d: {  	[timem:s7], [sflag:s22] =	dma.local [hbm:s5], s20  }
0x9e: {  	_ =	swait.ge [sflag:s22], s20  }
0x9f: {  	s4 =	ssub.s32 $0x0, s20;
	[sflag:s22] =	ssyncset.done $0x0  }
0xa0: {  	[sflag:s22] =	ssyncadd.s32 s4;
	_ =	sdelay $0x1  }
0xa1: {  	s23 =	simm.s32 $0x1B8B  }
0xa2: {  	_ =	swait.ge [sflag:s23], $0x1  }
0xa3: {  	[sflag:s23] =	ssyncset.done $0x0  }
0xa4: {  	s25 =	simm.s32 $0x1B8E;
	s24 =	sld [smem:$0x3FFE];
	[sflag:s23] =	ssyncadd.s32 $0xFFFFFFFF  }
0xa5: {  	s26 =	simm.s32 $execute0_lowered;
	[smem:$0x3FD2] =	sst s25  }
0xa6: {  	s5 =	sshll.u32 s26, $0x1;
	_ =	strace $0x80000046;
	[dreg:$0x1] =	wrdreg $0xFFFFFFFF  }
0xa7: {  	s28 =	simm.s32 $_size_execute0_lowered;
	s3 =	sadd.s32 s3, s5;
	[dreg:$0x0] =	wrdreg $0x0  }
0xa8: {  	s5 =	sshll.u32 s28, $0x1;
	[dreg:$0x2] =	wrdreg s3  }
0xa9: {  	[dreg:$0x3] =	wrdreg s5  }
0xaa: {  	[dreg:$0x4] =	wrdreg $0xC0  }
0xab: {  	_ =	task [dreg:s7], $0x5FFFF  }
0xac: {  	[dreg:$0x1] =	wrdreg $0xFFFFFFFF  }
0xad: {  	[dreg:$0x0] =	wrdreg $0x60  }
0xae: {  	[dreg:$0x2] =	wrdreg s24  }
0xaf: {  	[dreg:$0x3] =	wrdreg s2  }
0xb0: {  	[dreg:$0x4] =	wrdreg $0x9  }
0xb1: {  	_ =	task.clear_ibuf [dreg:s7], $0x5FFFF;
	_ =	strace $0x90000046  }
0xb2: {  	s29 =	simm.s32 $0x9;
	_ =	strace $0x80000048  }
0xb3: {  	_ =	swait.ge [sflag:s29], $0x1  }
0xb4: {  	[sflag:s29] =	ssyncadd.s32 $0xFFFFFFFF  }
0xb5: {  	_ =	strace $0x90000048  }
0xb6: {  	_ =	sfence  }
0xb7: {  	s30 =	sld [smem:$0x0];
	_ =	sdelay $0x2  }
0xb8: {  	s31 =	sshll.u32 s1, $0xD;
	s1 =	sshrl.u32 s1, $0x2  }
0xb9: {  	s3 =	sand.u32 $0x4000, s31;
	s1 =	sadd.s32 s1, s30  }
0xba: {  	s0 =	sor.u32 s3, s0;
	s1 =	sshll.u32 s1, $0x11  }
0xbb: {  	s0 =	sor.u32 s1, s0  }
0xbc: {  	s0 =	sadd.s32 $0x8F2B, s0  }
0xbd: {  	[sflag:s0] =	ssyncadd.remote.s32 $0x1  }
0xbe: {  	_ =	sfence.sel $0xFFFF  }
0xbf: {  	[dreg:$0x0] =	wrdreg $0xFFFFFFFF;
	(pc) =	sbr.abs _section_cstart, $3  }
0xc0: {  	[dreg:$0x1] =	wrdreg $0xFFFFFFFF  }
0xc1: {  	_ =	task.clear_ibuf [dreg:s7], $0x2FFFF;
	_ =	strace $0x9FFFFFFF  }
0xc2: {  	(tm) =	ssettm $0x7FFFFFFF  }
0xc3: {  	_ =	shalt  }
tec
execute0_lowered:
.L_overlay_start_1:
0x0: {  	(tag) =	ssettag $0x1  }
0x1: {  	s0 =	rddreg [dreg:$0x0]  }
0x2: {  	s1 =	rddreg [dreg:$0x1];
	s2 =	srdreg.scid  }
0x3: {  	s3 =	stileid.u32;
	s11 =	simm.s32 $0x4;
	s12 =	simm.s32 $0x280  }
0x4: {  	s13 =	simm.s32 $0x80;
	s20 =	simm.s32 $0x10600;
	s21 =	simm.s32 $0x380  }
0x5: {  	s22 =	simm.s32 $0x10800;
	s23 =	simm.s32 $0x180;
	s24 =	simm.s32 $0x10680  }
0x6: {  	s25 =	simm.s32 $0x400;
	s28 =	simm.s32 $0x1;
	s29 =	simm.s32 $0x2  }
0x7: {  	v0 =	vlaneseq.u32;
	s30 =	simm.s32 $0x10B00;
	s31 =	simm.s32 $0x3;
	s5 =	sand.u32 $0x1, s2  }
0x8: {  	s2 =	simm.s32 $0x0;
	s3 =	sshll.u32 s3, $0x7;
	s6 =	sadd.s32 $0x5A00, s0;
	v0 =	vmul.u32 $0x11, v0  }
0x9: {  	s4 =	sshll.u32 s5, $0x6;
	[smem:$0x7FF] =	sst s2;
	s7 =	ssub.s32 $0x2, s5  }
0xa: {  	s5 =	sadd.s32 $0x2800, s0;
	s9 =	sor.u32 s4, s3;
	_ =	strace $0x80000047;
	v1 =	vadd.s32 $0x1, v0;
	v2 =	vadd.s32 $0x2, v0;
	v3 =	vadd.s32 $0x3, v0  }
0xb: {  	s3 =	sadd.s32 $0x8C00, s0;
	s4 =	sadd.s32 $0x18F600, s0;
	s26 =	sshrl.u32 s7, $0x1;
	v4 =	vadd.s32 $0x4, v0;
	v5 =	vadd.s32 $0x5, v0;
	v6 =	vadd.s32 $0x6, v0  }
0xc: {  	v7 =	vadd.s32 $0x7, v0;
	v8 =	vadd.s32 $0x8, v0;
	v9 =	vadd.s32 $0x9, v0;
	s8 =	sadd.s32 s9, s0;
	s0 =	ssub.s32 s7, s26;
	s9 =	sadd.s32 s1, s9  }
0xd: {  	v10 =	vadd.s32 $0xA, v0;
	v11 =	vadd.s32 $0xB, v0;
	v12 =	vadd.s32 $0xC, v0;
	s26 =	simm.s32 $0x10880;
	s1 =	simm.s32 $0x0;
	s7 =	sadd.s32 $0x2000, s8  }
0xe: {  	v13 =	vadd.s32 $0xD, v0;
	v14 =	vadd.s32 $0xE, v0;
	v15 =	vadd.s32 $0xF, v0;
	s8 =	sadd.s32 $0x1800, s8;
	s10 =	smax.u32 s0, $0x1;
	s0 =	simm.s32 $0x10900  }
.LBB2_1:
0xf: {  	[tilespmem:s2], [sflag:$0x4] =	stream.linear.gather [hbm4b:s7+s2], $0x200, $0x38;
	[tilespmem:$0x10C80] =	vst v63  }
0x10: {  	_ =	swait.ge [sflag:s11], $0x200  }
0x11: {  	[sflag:s11] =	ssyncset.done $0x0  }
0x12: {  	[sflag:s11] =	ssyncadd.s32 $0xFFFFFE00  }
0x13: {  	[tilespmem:s12], [sflag:$0x4] =	stream.linear.gather [hbm4b:s8+s2], $0x200, $0x38;
	[tilespmem:$0x10C80] =	vst v63  }
0x14: {  	_ =	swait.ge [sflag:s11], $0x200  }
0x15: {  	[sflag:s11] =	ssyncset.done $0x0  }
0x16: {  	s14 =	simm.s32 $0x10500;
	[sflag:s11] =	ssyncadd.s32 $0xFFFFFE00  }
0x17: {  	[tilespmem:s14], [sflag:$0x3] =	stream.indirect.gather [hbm4b:s5+s13], $0x1, s2, s13, $0xb8;
	[tilespmem:$0x10C80] =	vst v63  }
0x18: {  	s17 =	simm.s32 $0x10700  }
0x19: {  	[tilespmem:s17], [sflag:$0x3] =	stream.indirect.gather [hbm4b:s6+s13], $0x1, s12, s13, $0xb8;
	[tilespmem:$0x10C80] =	vst v63  }
0x1a: {  	s18 =	simm.s32 $0x10580  }
0x1b: {  	[tilespmem:s18], [sflag:$0x3] =	stream.indirect.gather [hbm4b:s5+s13], $0x1, s13, s13, $0xb8;
	[tilespmem:$0x10C80] =	vst v63  }
0x1c: {  	s19 =	simm.s32 $0x300;
	s15 =	simm.s32 $0x10780  }
0x1d: {  	[tilespmem:s15], [sflag:$0x3] =	stream.indirect.gather [hbm4b:s6+s13], $0x1, s19, s13, $0xb8;
	[tilespmem:$0x10C80] =	vst v63  }
0x1e: {  	s15 =	simm.s32 $0x100  }
0x1f: {  	[tilespmem:s20], [sflag:$0x3] =	stream.indirect.gather [hbm4b:s5+s13], $0x1, s15, s13, $0xb8;
	[tilespmem:$0x10C80] =	vst v63  }
0x20: {  	_ = 	snop  }
0x21: {  	[tilespmem:s22], [sflag:$0x3] =	stream.indirect.gather [hbm4b:s6+s13], $0x1, s21, s13, $0xb8;
	[tilespmem:$0x10C80] =	vst v63  }
0x22: {  	_ = 	snop  }
0x23: {  	[tilespmem:s24], [sflag:$0x3] =	stream.indirect.gather [hbm4b:s5+s13], $0x1, s23, s13, $0xb8;
	[tilespmem:$0x10C80] =	vst v63  }
0x24: {  	s16 =	simm.s32 $0x0  }
0x25: {  	[tilespmem:s26], [sflag:$0x3] =	stream.indirect.gather [hbm4b:s6+s13], $0x1, s25, s13, $0xb8;
	[tilespmem:$0x10C80] =	vst v63  }
0x26: {  	v16 =	vld [tilespmem:s16+$0x0]  }
0x27: {  	v17 =	vld [tilespmem:s16+$0x280];
	_ =	sdelay $0x3  }
0x28: {  	(v2sf) =	vpush v16, $0x0  }
0x29: {  	(v2sf) =	vpush v17, $0x0;
	_ =	sdelay $0xd  }
0x2a: {  	s17 =	spop (v2sf)  }
0x2b: {  	s14 =	sshll.u32 s17, $0x4;
	s18 =	spop (v2sf)  }
0x2c: {  	s16 =	sand.u32 $0x1FFFFFF0, s14;
	s15 =	sshll.u32 s18, $0x4  }
0x2d: {  	s14 =	simm.s32 $0x500;
	s16 =	sadd.s32 s3, s16;
	s17 =	sand.u32 $0x1FFFFFF0, s15  }
0x2e: {  	[tilespmem:s14], [sflag:$0x1] =	stream.linear.gather [hbm4b:s16+s2], $0x80, $0x38;
	[tilespmem:$0x10C80] =	vst v63  }
0x2f: {  	s15 =	simm.s32 $0x8500;
	s19 =	sadd.s32 s4, s17;
	s17 =	simm.s32 $0x1  }
0x30: {  	[tilespmem:s15], [sflag:$0x2] =	stream.linear.gather [hbm4b:s19+s2], $0x80, $0x38;
	[tilespmem:$0x10C80] =	vst v63  }
0x31: {  	s16 =	simm.s32 $0x8;
	v16 =	vld [tilespmem:s17+$0x0]  }
.LBB2_2:
0x32: {  	p0 =	sne.s32 s16, $0x3FC;
	v17 =	vld [tilespmem:s17+$0x280];
	_ =	sdelay $0x3  }
0x33: {  	(v2sf) =	vpush v16, $0x0  }
0x34: {  	(v2sf) =	vpush v17, $0x0;
	_ =	sdelay $0xd  }
0x35: {  	s17 =	spop (v2sf)  }
0x36: {  	s17 =	sshll.u32 s17, $0x4;
	s18 =	spop (v2sf)  }
0x37: {  	s14 =	sadd.s32 $0x80, s14;
	s17 =	sand.u32 $0x1FFFFFF0, s17;
	s18 =	sshll.u32 s18, $0x4  }
.Ltmp0:
0x38: {  	s17 =	sadd.s32 s3, s17;
	s18 =	sand.u32 $0x1FFFFFF0, s18;
	(pc) =	sbr.rel @p0 .LBB2_2-.Ltmp0, $4  }
0x39: {  	[tilespmem:s14], [sflag:$0x1] =	stream.linear.gather [hbm4b:s17+s2], $0x80, $0x38;
	[tilespmem:$0x10C80] =	vst v63  }
0x3a: {  	s15 =	sadd.s32 $0x80, s15;
	s17 =	sshra.s32 s16, $0x2;
	s18 =	sadd.s32 s4, s18  }
0x3b: {  	[tilespmem:s15], [sflag:$0x2] =	stream.linear.gather [hbm4b:s18+s2], $0x80, $0x38;
	[tilespmem:$0x10C80] =	vst v63  }
0x3c: {  	s16 =	sadd.s32 $0x4, s16;
	v16 =	vld [tilespmem:s17+$0x0]  }
0x3d: {  	v17 =	vld [tilespmem:s17+$0x280];
	_ =	sdelay $0x3  }
0x3e: {  	(v2sf) =	vpush v16, $0x0  }
0x3f: {  	(v2sf) =	vpush v17, $0x0;
	_ =	sdelay $0xd  }
0x40: {  	s16 =	spop (v2sf)  }
0x41: {  	s16 =	sshll.u32 s16, $0x4;
	s18 =	spop (v2sf)  }
0x42: {  	s16 =	sand.u32 $0x1FFFFFF0, s16;
	s17 =	sshll.u32 s18, $0x4  }
0x43: {  	s14 =	sadd.s32 $0x80, s14;
	s16 =	sadd.s32 s3, s16;
	s17 =	sand.u32 $0x1FFFFFF0, s17  }
0x44: {  	[tilespmem:s14], [sflag:$0x1] =	stream.linear.gather [hbm4b:s16+s2], $0x80, $0x38;
	[tilespmem:$0x10C80] =	vst v63  }
0x45: {  	s15 =	sadd.s32 $0x80, s15;
	s19 =	sadd.s32 s4, s17  }
0x46: {  	[tilespmem:s15], [sflag:$0x2] =	stream.linear.gather [hbm4b:s19+s2], $0x80, $0x38;
	[tilespmem:$0x10C80] =	vst v63  }
0x47: {  	_ =	swait.ge [sflag:s28], $0x80  }
0x48: {  	[sflag:s28] =	ssyncset.done $0x0  }
0x49: {  	[sflag:s28] =	ssyncadd.s32 $0xFFFFFF80  }
0x4a: {  	_ =	swait.ge [sflag:s29], $0x80  }
0x4b: {  	s14 =	simm.s32 $0xFF;
	[sflag:s29] =	ssyncset.done $0x0  }
.LBB2_4:
0x4c: {  	p0 =	sne.s32 s14, $0x1;
	s14 =	sadd.s32 $0xFFFFFFFF, s14;
	[sflag:s29] =	ssyncadd.s32 $0xFFFFFF80  }
.Ltmp1:
0x4d: {  	_ =	swait.ge [sflag:s28], $0x80;
	(pc) =	sbr.rel @p0 .LBB2_4-.Ltmp1, $4  }
0x4e: {  	[sflag:s28] =	ssyncset.done $0x0  }
0x4f: {  	[sflag:s28] =	ssyncadd.s32 $0xFFFFFF80  }
0x50: {  	_ =	swait.ge [sflag:s29], $0x80  }
0x51: {  	[sflag:s29] =	ssyncset.done $0x0  }
0x52: {  	[sflag:s29] =	ssyncadd.s32 $0xFFFFFF80;
	s14 =	simm.s32 $0x0  }
0x53: {  	v16 =	vld [tilespmem:s14+$0x8510]  }
0x54: {  	v17 =	vld [tilespmem:s14+$0x500]  }
0x55: {  	v18 =	vld [tilespmem:s14+$0x510]  }
0x56: {  	v19 =	vld [tilespmem:s14+$0x8500]  }
0x57: {  	v20 =	vld [tilespmem:s14+$0x8520]  }
0x58: {  	v21 =	vld [tilespmem:s14+$0x520]  }
0x59: {  	v22 =	vld [tilespmem:s14+$0x8530]  }
0x5a: {  	v23 =	vld [tilespmem:s14+$0x530]  }
0x5b: {  	v16 =	vmul.f32 v16, v18;
	v17 =	vmul.f32 v19, v17;
	_ =	sdelay $0x1  }
0x5c: {  	v16 =	vadd.f32 v16, v17;
	v17 =	vmul.f32 v20, v21;
	_ =	sdelay $0x1  }
0x5d: {  	v16 =	vadd.f32 v17, v16;
	v17 =	vmul.f32 v22, v23;
	_ =	sdelay $0x1  }
0x5e: {  	v16 =	vadd.f32 v17, v16;
	_ =	sdelay $0x1  }
0x5f: {  	[tilespmem:v0+s30+$0x0] =	vst.idx.msk $0xffff, v16  }
0x60: {  	v16 =	vld [tilespmem:s14+$0x580]  }
0x61: {  	v17 =	vld [tilespmem:s14+$0x8580]  }
0x62: {  	v18 =	vld [tilespmem:s14+$0x590]  }
0x63: {  	v19 =	vld [tilespmem:s14+$0x8590]  }
0x64: {  	v20 =	vld [tilespmem:s14+$0x85A0]  }
0x65: {  	v62 =	vld [tilespmem:s14+$0x5A0]  }
0x66: {  	v63 =	vld [tilespmem:s14+$0x85B0]  }
0x67: {  	v24 =	vld [tilespmem:s14+$0x5B0]  }
0x68: {  	v16 =	vmul.f32 v17, v16;
	v17 =	vmul.f32 v19, v18;
	_ =	sdelay $0x1  }
0x69: {  	v16 =	vadd.f32 v17, v16;
	v17 =	vmul.f32 v20, v62;
	_ =	sdelay $0x1  }
0x6a: {  	v16 =	vadd.f32 v17, v16;
	v17 =	vmul.f32 v63, v24;
	_ =	sdelay $0x1  }
0x6b: {  	v16 =	vadd.f32 v17, v16;
	_ =	sdelay $0x1  }
0x6c: {  	[tilespmem:v1+s30+$0x0] =	vst.idx.msk $0xffff, v16  }
0x6d: {  	v16 =	vld [tilespmem:s14+$0x8610]  }
0x6e: {  	v17 =	vld [tilespmem:s14+$0x600]  }
0x6f: {  	v18 =	vld [tilespmem:s14+$0x8600]  }
0x70: {  	v19 =	vld [tilespmem:s14+$0x610]  }
0x71: {  	v20 =	vld [tilespmem:s14+$0x8620]  }
0x72: {  	v25 =	vld [tilespmem:s14+$0x620]  }
0x73: {  	v26 =	vld [tilespmem:s14+$0x8630]  }
0x74: {  	v27 =	vld [tilespmem:s14+$0x630]  }
0x75: {  	v17 =	vmul.f32 v18, v17;
	v16 =	vmul.f32 v16, v19;
	_ =	sdelay $0x1  }
0x76: {  	v16 =	vadd.f32 v16, v17;
	v17 =	vmul.f32 v20, v25;
	_ =	sdelay $0x1  }
0x77: {  	v16 =	vadd.f32 v17, v16;
	v17 =	vmul.f32 v26, v27;
	_ =	sdelay $0x1  }
0x78: {  	v16 =	vadd.f32 v17, v16;
	_ =	sdelay $0x1  }
0x79: {  	[tilespmem:v2+s30+$0x0] =	vst.idx.msk $0xffff, v16  }
0x7a: {  	v16 =	vld [tilespmem:s14+$0x8690]  }
0x7b: {  	v17 =	vld [tilespmem:s14+$0x680]  }
0x7c: {  	v18 =	vld [tilespmem:s14+$0x8680]  }
0x7d: {  	v19 =	vld [tilespmem:s14+$0x690]  }
0x7e: {  	v20 =	vld [tilespmem:s14+$0x6A0]  }
0x7f: {  	v28 =	vld [tilespmem:s14+$0x86A0]  }
0x80: {  	v29 =	vld [tilespmem:s14+$0x86B0]  }
0x81: {  	v30 =	vld [tilespmem:s14+$0x6B0]  }
0x82: {  	v17 =	vmul.f32 v18, v17;
	v16 =	vmul.f32 v16, v19;
	_ =	sdelay $0x1  }
0x83: {  	v16 =	vadd.f32 v16, v17;
	v17 =	vmul.f32 v28, v20;
	_ =	sdelay $0x1  }
0x84: {  	v16 =	vadd.f32 v17, v16;
	v17 =	vmul.f32 v29, v30;
	_ =	sdelay $0x1  }
0x85: {  	v16 =	vadd.f32 v17, v16;
	_ =	sdelay $0x1  }
0x86: {  	[tilespmem:v3+s30+$0x0] =	vst.idx.msk $0xffff, v16  }
0x87: {  	v16 =	vld [tilespmem:s14+$0x8700]  }
0x88: {  	v17 =	vld [tilespmem:s14+$0x8710]  }
0x89: {  	v18 =	vld [tilespmem:s14+$0x700]  }
0x8a: {  	v19 =	vld [tilespmem:s14+$0x710]  }
0x8b: {  	v20 =	vld [tilespmem:s14+$0x720]  }
0x8c: {  	v31 =	vld [tilespmem:s14+$0x8720]  }
0x8d: {  	v32 =	vld [tilespmem:s14+$0x8730]  }
0x8e: {  	v33 =	vld [tilespmem:s14+$0x730]  }
0x8f: {  	v16 =	vmul.f32 v16, v18;
	v17 =	vmul.f32 v17, v19;
	_ =	sdelay $0x1  }
0x90: {  	v16 =	vadd.f32 v17, v16;
	v17 =	vmul.f32 v31, v20;
	_ =	sdelay $0x1  }
0x91: {  	v16 =	vadd.f32 v17, v16;
	v17 =	vmul.f32 v32, v33;
	_ =	sdelay $0x1  }
0x92: {  	v16 =	vadd.f32 v17, v16;
	_ =	sdelay $0x1  }
0x93: {  	[tilespmem:v4+s30+$0x0] =	vst.idx.msk $0xffff, v16  }
0x94: {  	v16 =	vld [tilespmem:s14+$0x8780]  }
0x95: {  	v17 =	vld [tilespmem:s14+$0x8790]  }
0x96: {  	v18 =	vld [tilespmem:s14+$0x780]  }
0x97: {  	v19 =	vld [tilespmem:s14+$0x790]  }
0x98: {  	v20 =	vld [tilespmem:s14+$0x7A0]  }
0x99: {  	v34 =	vld [tilespmem:s14+$0x87A0]  }
0x9a: {  	v35 =	vld [tilespmem:s14+$0x87B0]  }
0x9b: {  	v36 =	vld [tilespmem:s14+$0x7B0]  }
0x9c: {  	v16 =	vmul.f32 v16, v18;
	v17 =	vmul.f32 v17, v19;
	_ =	sdelay $0x1  }
0x9d: {  	v16 =	vadd.f32 v17, v16;
	v17 =	vmul.f32 v34, v20;
	_ =	sdelay $0x1  }
0x9e: {  	v16 =	vadd.f32 v17, v16;
	v17 =	vmul.f32 v35, v36;
	_ =	sdelay $0x1  }
0x9f: {  	v16 =	vadd.f32 v17, v16;
	_ =	sdelay $0x1  }
0xa0: {  	[tilespmem:v5+s30+$0x0] =	vst.idx.msk $0xffff, v16  }
0xa1: {  	v16 =	vld [tilespmem:s14+$0x8800]  }
0xa2: {  	v17 =	vld [tilespmem:s14+$0x8810]  }
0xa3: {  	v18 =	vld [tilespmem:s14+$0x810]  }
0xa4: {  	v19 =	vld [tilespmem:s14+$0x800]  }
0xa5: {  	v20 =	vld [tilespmem:s14+$0x8820]  }
0xa6: {  	v37 =	vld [tilespmem:s14+$0x820]  }
0xa7: {  	v38 =	vld [tilespmem:s14+$0x8830]  }
0xa8: {  	v39 =	vld [tilespmem:s14+$0x830]  }
0xa9: {  	v17 =	vmul.f32 v17, v18;
	v16 =	vmul.f32 v16, v19;
	_ =	sdelay $0x1  }
0xaa: {  	v16 =	vadd.f32 v17, v16;
	v17 =	vmul.f32 v20, v37;
	_ =	sdelay $0x1  }
0xab: {  	v16 =	vadd.f32 v17, v16;
	v17 =	vmul.f32 v38, v39;
	_ =	sdelay $0x1  }
0xac: {  	v16 =	vadd.f32 v17, v16;
	_ =	sdelay $0x1  }
0xad: {  	[tilespmem:v6+s30+$0x0] =	vst.idx.msk $0xffff, v16  }
0xae: {  	v16 =	vld [tilespmem:s14+$0x880]  }
0xaf: {  	v17 =	vld [tilespmem:s14+$0x8880]  }
0xb0: {  	v18 =	vld [tilespmem:s14+$0x8890]  }
0xb1: {  	v19 =	vld [tilespmem:s14+$0x890]  }
0xb2: {  	v20 =	vld [tilespmem:s14+$0x88A0]  }
0xb3: {  	v40 =	vld [tilespmem:s14+$0x8A0]  }
0xb4: {  	v41 =	vld [tilespmem:s14+$0x88B0]  }
0xb5: {  	v42 =	vld [tilespmem:s14+$0x8B0]  }
0xb6: {  	v16 =	vmul.f32 v17, v16;
	v17 =	vmul.f32 v18, v19;
	_ =	sdelay $0x1  }
0xb7: {  	v16 =	vadd.f32 v17, v16;
	v17 =	vmul.f32 v20, v40;
	_ =	sdelay $0x1  }
0xb8: {  	v16 =	vadd.f32 v17, v16;
	v17 =	vmul.f32 v41, v42;
	_ =	sdelay $0x1  }
0xb9: {  	v16 =	vadd.f32 v17, v16;
	_ =	sdelay $0x1  }
0xba: {  	[tilespmem:v7+s30+$0x0] =	vst.idx.msk $0xffff, v16  }
0xbb: {  	v16 =	vld [tilespmem:s14+$0x8900]  }
0xbc: {  	v17 =	vld [tilespmem:s14+$0x8910]  }
0xbd: {  	v18 =	vld [tilespmem:s14+$0x900]  }
0xbe: {  	v19 =	vld [tilespmem:s14+$0x910]  }
0xbf: {  	v20 =	vld [tilespmem:s14+$0x8920]  }
0xc0: {  	v43 =	vld [tilespmem:s14+$0x920]  }
0xc1: {  	v44 =	vld [tilespmem:s14+$0x8930]  }
0xc2: {  	v45 =	vld [tilespmem:s14+$0x930]  }
0xc3: {  	v16 =	vmul.f32 v16, v18;
	v17 =	vmul.f32 v17, v19;
	_ =	sdelay $0x1  }
0xc4: {  	v16 =	vadd.f32 v17, v16;
	v17 =	vmul.f32 v20, v43;
	_ =	sdelay $0x1  }
0xc5: {  	v16 =	vadd.f32 v17, v16;
	v17 =	vmul.f32 v44, v45;
	_ =	sdelay $0x1  }
0xc6: {  	v16 =	vadd.f32 v17, v16;
	_ =	sdelay $0x1  }
0xc7: {  	[tilespmem:v8+s30+$0x0] =	vst.idx.msk $0xffff, v16  }
0xc8: {  	v16 =	vld [tilespmem:s14+$0x8980]  }
0xc9: {  	v17 =	vld [tilespmem:s14+$0x8990]  }
0xca: {  	v18 =	vld [tilespmem:s14+$0x990]  }
0xcb: {  	v19 =	vld [tilespmem:s14+$0x980]  }
0xcc: {  	v20 =	vld [tilespmem:s14+$0x9A0]  }
0xcd: {  	v46 =	vld [tilespmem:s14+$0x89A0]  }
0xce: {  	v47 =	vld [tilespmem:s14+$0x9B0]  }
0xcf: {  	v48 =	vld [tilespmem:s14+$0x89B0]  }
0xd0: {  	v17 =	vmul.f32 v17, v18;
	v16 =	vmul.f32 v16, v19;
	_ =	sdelay $0x1  }
0xd1: {  	v16 =	vadd.f32 v17, v16;
	v17 =	vmul.f32 v46, v20;
	_ =	sdelay $0x1  }
0xd2: {  	v16 =	vadd.f32 v17, v16;
	v17 =	vmul.f32 v48, v47;
	_ =	sdelay $0x1  }
0xd3: {  	v16 =	vadd.f32 v17, v16;
	_ =	sdelay $0x1  }
0xd4: {  	[tilespmem:v9+s30+$0x0] =	vst.idx.msk $0xffff, v16  }
0xd5: {  	v16 =	vld [tilespmem:s14+$0x8A10]  }
0xd6: {  	v17 =	vld [tilespmem:s14+$0x8A00]  }
0xd7: {  	v18 =	vld [tilespmem:s14+$0xA00]  }
0xd8: {  	v19 =	vld [tilespmem:s14+$0xA10]  }
0xd9: {  	v20 =	vld [tilespmem:s14+$0xA20]  }
0xda: {  	v49 =	vld [tilespmem:s14+$0x8A20]  }
0xdb: {  	v50 =	vld [tilespmem:s14+$0xA30]  }
0xdc: {  	v51 =	vld [tilespmem:s14+$0x8A30]  }
0xdd: {  	v17 =	vmul.f32 v17, v18;
	v16 =	vmul.f32 v16, v19;
	_ =	sdelay $0x1  }
0xde: {  	v16 =	vadd.f32 v16, v17;
	v17 =	vmul.f32 v49, v20;
	_ =	sdelay $0x1  }
0xdf: {  	v16 =	vadd.f32 v17, v16;
	v17 =	vmul.f32 v51, v50;
	_ =	sdelay $0x1  }
0xe0: {  	v16 =	vadd.f32 v17, v16;
	_ =	sdelay $0x1  }
0xe1: {  	[tilespmem:v10+s30+$0x0] =	vst.idx.msk $0xffff, v16  }
0xe2: {  	v16 =	vld [tilespmem:s14+$0x8A80]  }
0xe3: {  	v17 =	vld [tilespmem:s14+$0x8A90]  }
0xe4: {  	v18 =	vld [tilespmem:s14+$0xA80]  }
0xe5: {  	v19 =	vld [tilespmem:s14+$0xA90]  }
0xe6: {  	v20 =	vld [tilespmem:s14+$0xAA0]  }
0xe7: {  	v52 =	vld [tilespmem:s14+$0x8AA0]  }
0xe8: {  	v53 =	vld [tilespmem:s14+$0xAB0]  }
0xe9: {  	v54 =	vld [tilespmem:s14+$0x8AB0]  }
0xea: {  	v16 =	vmul.f32 v16, v18;
	v17 =	vmul.f32 v17, v19;
	_ =	sdelay $0x1  }
0xeb: {  	v16 =	vadd.f32 v17, v16;
	v17 =	vmul.f32 v52, v20;
	_ =	sdelay $0x1  }
0xec: {  	v16 =	vadd.f32 v17, v16;
	v17 =	vmul.f32 v54, v53;
	_ =	sdelay $0x1  }
0xed: {  	v16 =	vadd.f32 v17, v16;
	_ =	sdelay $0x1  }
0xee: {  	[tilespmem:v11+s30+$0x0] =	vst.idx.msk $0xffff, v16  }
0xef: {  	v16 =	vld [tilespmem:s14+$0x8B00]  }
0xf0: {  	v17 =	vld [tilespmem:s14+$0x8B10]  }
0xf1: {  	v18 =	vld [tilespmem:s14+$0xB00]  }
0xf2: {  	v19 =	vld [tilespmem:s14+$0xB10]  }
0xf3: {  	v20 =	vld [tilespmem:s14+$0xB20]  }
0xf4: {  	v55 =	vld [tilespmem:s14+$0x8B20]  }
0xf5: {  	v56 =	vld [tilespmem:s14+$0xB30]  }
0xf6: {  	v57 =	vld [tilespmem:s14+$0x8B30]  }
0xf7: {  	v16 =	vmul.f32 v16, v18;
	v17 =	vmul.f32 v17, v19;
	_ =	sdelay $0x1  }
0xf8: {  	v16 =	vadd.f32 v17, v16;
	v17 =	vmul.f32 v55, v20;
	_ =	sdelay $0x1  }
0xf9: {  	v16 =	vadd.f32 v17, v16;
	v17 =	vmul.f32 v57, v56;
	_ =	sdelay $0x1  }
0xfa: {  	v16 =	vadd.f32 v17, v16;
	_ =	sdelay $0x1  }
0xfb: {  	[tilespmem:v12+s30+$0x0] =	vst.idx.msk $0xffff, v16  }
0xfc: {  	v16 =	vld [tilespmem:s14+$0x8B80]  }
0xfd: {  	v17 =	vld [tilespmem:s14+$0x8B90]  }
0xfe: {  	v18 =	vld [tilespmem:s14+$0xB80]  }
0xff: {  	v19 =	vld [tilespmem:s14+$0xB90]  }
0x100: {  	v20 =	vld [tilespmem:s14+$0xBA0]  }
0x101: {  	v58 =	vld [tilespmem:s14+$0x8BA0]  }
0x102: {  	v59 =	vld [tilespmem:s14+$0xBB0]  }
0x103: {  	v60 =	vld [tilespmem:s14+$0x8BB0]  }
0x104: {  	v16 =	vmul.f32 v16, v18;
	v17 =	vmul.f32 v17, v19;
	_ =	sdelay $0x1  }
0x105: {  	v16 =	vadd.f32 v17, v16;
	v17 =	vmul.f32 v58, v20;
	_ =	sdelay $0x1  }
0x106: {  	v16 =	vadd.f32 v17, v16;
	v17 =	vmul.f32 v60, v59;
	_ =	sdelay $0x1  }
0x107: {  	v16 =	vadd.f32 v17, v16;
	_ =	sdelay $0x1  }
0x108: {  	[tilespmem:v13+s30+$0x0] =	vst.idx.msk $0xffff, v16  }
0x109: {  	v16 =	vld [tilespmem:s14+$0x8C00]  }
0x10a: {  	v17 =	vld [tilespmem:s14+$0x8C10]  }
0x10b: {  	v18 =	vld [tilespmem:s14+$0xC00]  }
0x10c: {  	v19 =	vld [tilespmem:s14+$0xC10]  }
0x10d: {  	v20 =	vld [tilespmem:s14+$0xC20]  }
0x10e: {  	v61 =	vld [tilespmem:s14+$0x8C20]  }
0x10f: {  	v62 =	vld [tilespmem:s14+$0xC30]  }
0x110: {  	v63 =	vld [tilespmem:s14+$0x8C30]  }
0x111: {  	v16 =	vmul.f32 v16, v18;
	v17 =	vmul.f32 v17, v19;
	_ =	sdelay $0x1  }
0x112: {  	v16 =	vadd.f32 v17, v16;
	v17 =	vmul.f32 v61, v20;
	_ =	sdelay $0x1  }
0x113: {  	v16 =	vadd.f32 v17, v16;
	v17 =	vmul.f32 v63, v62;
	_ =	sdelay $0x1  }
0x114: {  	v16 =	vadd.f32 v17, v16;
	_ =	sdelay $0x1  }
0x115: {  	[tilespmem:v14+s30+$0x0] =	vst.idx.msk $0xffff, v16  }
0x116: {  	v16 =	vld [tilespmem:s14+$0x8C80]  }
0x117: {  	v18 =	vld [tilespmem:s14+$0xC80]  }
0x118: {  	v17 =	vld [tilespmem:s14+$0x8C90]  }
0x119: {  	s16 =	simm.s32 $0x10900;
	s17 =	simm.s32 $0x2000;
	s15 =	simm.s32 $0x10900;
	v19 =	vld [tilespmem:s14+$0xC90]  }
.LBB2_6:
0x11a: {  	p0 =	sne.s32 s17, $0x1E000  }
0x11b: {  	v20 =	vld [tilespmem:s14+$0xCA0];
	s16 =	sadd.s32 $0x10, s16;
	s18 =	smov.u32 s17;
	s17 =	sadd.s32 $0x2000, s17  }
0x11c: {  	v21 =	vld [tilespmem:s14+$0x8CA0]  }
0x11d: {  	v16 =	vmul.f32 v16, v18;
	v18 =	vld [tilespmem:s14+$0xCB0]  }
0x11e: {  	v22 =	vld [tilespmem:s14+$0x8CB0]  }
0x11f: {  	v17 =	vmul.f32 v17, v19;
	_ =	sdelay $0x1  }
0x120: {  	v16 =	vadd.f32 v17, v16;
	v17 =	vmul.f32 v21, v20;
	_ =	sdelay $0x1  }
0x121: {  	v16 =	vadd.f32 v17, v16;
	v17 =	vmul.f32 v22, v18;
	_ =	sdelay $0x1  }
0x122: {  	v16 =	vadd.f32 v17, v16;
	_ =	sdelay $0x1  }
0x123: {  	[tilespmem:v15+s30+$0x0] =	vst.idx.msk $0xffff, v16  }
0x124: {  	v16 =	vld [tilespmem:$0x10B00]  }
0x125: {  	v17 =	vld [tilespmem:$0x10B11]  }
0x126: {  	v18 =	vld [tilespmem:$0x10B22]  }
0x127: {  	v19 =	vld [tilespmem:$0x10B33]  }
0x128: {  	v20 =	vld [tilespmem:$0x10B44]  }
0x129: {  	v21 =	vld [tilespmem:$0x10B55]  }
0x12a: {  	v16 =	vadd.f32 v17, v16;
	v17 =	vld [tilespmem:$0x10B66]  }
0x12b: {  	v22 =	vld [tilespmem:$0x10B77]  }
0x12c: {  	v16 =	vadd.f32 v18, v16;
	v18 =	vld [tilespmem:$0x10B88]  }
0x12d: {  	v23 =	vld [tilespmem:$0x10B99]  }
0x12e: {  	v16 =	vadd.f32 v19, v16;
	v19 =	vld [tilespmem:$0x10BAA]  }
0x12f: {  	v24 =	vld [tilespmem:$0x10BBB]  }
0x130: {  	v16 =	vadd.f32 v20, v16;
	v20 =	vld [tilespmem:$0x10BCC]  }
0x131: {  	v25 =	vld [tilespmem:$0x10BDD]  }
0x132: {  	v16 =	vadd.f32 v21, v16;
	v21 =	vld [tilespmem:$0x10BEE]  }
0x133: {  	v26 =	vld [tilespmem:$0x10BFF]  }
0x134: {  	v16 =	vadd.f32 v17, v16;
	_ =	sdelay $0x1  }
0x135: {  	v16 =	vadd.f32 v22, v16;
	_ =	sdelay $0x1  }
0x136: {  	v16 =	vadd.f32 v18, v16;
	_ =	sdelay $0x1  }
0x137: {  	v16 =	vadd.f32 v23, v16;
	_ =	sdelay $0x1  }
0x138: {  	v16 =	vadd.f32 v19, v16;
	_ =	sdelay $0x1  }
0x139: {  	v16 =	vadd.f32 v24, v16;
	_ =	sdelay $0x1  }
0x13a: {  	v16 =	vadd.f32 v20, v16;
	_ =	sdelay $0x1  }
0x13b: {  	v16 =	vadd.f32 v25, v16;
	_ =	sdelay $0x1  }
0x13c: {  	v16 =	vadd.f32 v21, v16;
	_ =	sdelay $0x1  }
0x13d: {  	v16 =	vadd.f32 v26, v16;
	_ =	sdelay $0x1  }
0x13e: {  	s14 =	sshra.s32 s18, $0x2;
	[tilespmem:s15+$0x0] =	vst v16;
	s15 =	smov.u32 s16  }
0x13f: {  	v16 =	vld [tilespmem:s14+$0x8510]  }
0x140: {  	v17 =	vld [tilespmem:s14+$0x500]  }
0x141: {  	v18 =	vld [tilespmem:s14+$0x510]  }
0x142: {  	v19 =	vld [tilespmem:s14+$0x8500]  }
0x143: {  	v20 =	vld [tilespmem:s14+$0x8520]  }
0x144: {  	v21 =	vld [tilespmem:s14+$0x520]  }
0x145: {  	v22 =	vld [tilespmem:s14+$0x8530]  }
0x146: {  	v16 =	vmul.f32 v16, v18;
	v18 =	vld [tilespmem:s14+$0x530]  }
0x147: {  	v17 =	vmul.f32 v19, v17;
	_ =	sdelay $0x1  }
0x148: {  	v16 =	vadd.f32 v16, v17;
	v17 =	vmul.f32 v20, v21;
	_ =	sdelay $0x1  }
0x149: {  	v16 =	vadd.f32 v17, v16;
	v17 =	vmul.f32 v22, v18;
	_ =	sdelay $0x1  }
0x14a: {  	v16 =	vadd.f32 v17, v16;
	_ =	sdelay $0x1  }
0x14b: {  	[tilespmem:v0+s30+$0x0] =	vst.idx.msk $0xffff, v16  }
0x14c: {  	v16 =	vld [tilespmem:s14+$0x580]  }
0x14d: {  	v17 =	vld [tilespmem:s14+$0x8580]  }
0x14e: {  	v18 =	vld [tilespmem:s14+$0x590]  }
0x14f: {  	v19 =	vld [tilespmem:s14+$0x8590]  }
0x150: {  	v20 =	vld [tilespmem:s14+$0x85A0]  }
0x151: {  	v21 =	vld [tilespmem:s14+$0x5A0]  }
0x152: {  	v16 =	vmul.f32 v17, v16;
	v17 =	vld [tilespmem:s14+$0x85B0]  }
0x153: {  	v22 =	vld [tilespmem:s14+$0x5B0]  }
0x154: {  	v18 =	vmul.f32 v19, v18;
	_ =	sdelay $0x1  }
0x155: {  	v16 =	vadd.f32 v18, v16;
	v18 =	vmul.f32 v20, v21;
	_ =	sdelay $0x1  }
0x156: {  	v16 =	vadd.f32 v18, v16;
	v17 =	vmul.f32 v17, v22;
	_ =	sdelay $0x1  }
0x157: {  	v16 =	vadd.f32 v17, v16;
	_ =	sdelay $0x1  }
0x158: {  	[tilespmem:v1+s30+$0x0] =	vst.idx.msk $0xffff, v16  }
0x159: {  	v16 =	vld [tilespmem:s14+$0x8610]  }
0x15a: {  	v17 =	vld [tilespmem:s14+$0x600]  }
0x15b: {  	v18 =	vld [tilespmem:s14+$0x8600]  }
0x15c: {  	v19 =	vld [tilespmem:s14+$0x610]  }
0x15d: {  	v20 =	vld [tilespmem:s14+$0x8620]  }
0x15e: {  	v21 =	vld [tilespmem:s14+$0x620]  }
0x15f: {  	v22 =	vld [tilespmem:s14+$0x8630]  }
0x160: {  	v17 =	vmul.f32 v18, v17;
	v18 =	vld [tilespmem:s14+$0x630]  }
0x161: {  	v16 =	vmul.f32 v16, v19;
	_ =	sdelay $0x1  }
0x162: {  	v16 =	vadd.f32 v16, v17;
	v17 =	vmul.f32 v20, v21;
	_ =	sdelay $0x1  }
0x163: {  	v16 =	vadd.f32 v17, v16;
	v17 =	vmul.f32 v22, v18;
	_ =	sdelay $0x1  }
0x164: {  	v16 =	vadd.f32 v17, v16;
	_ =	sdelay $0x1  }
0x165: {  	[tilespmem:v2+s30+$0x0] =	vst.idx.msk $0xffff, v16  }
0x166: {  	v16 =	vld [tilespmem:s14+$0x8690]  }
0x167: {  	v17 =	vld [tilespmem:s14+$0x680]  }
0x168: {  	v18 =	vld [tilespmem:s14+$0x8680]  }
0x169: {  	v19 =	vld [tilespmem:s14+$0x690]  }
0x16a: {  	v20 =	vld [tilespmem:s14+$0x6A0]  }
0x16b: {  	v21 =	vld [tilespmem:s14+$0x86A0]  }
0x16c: {  	v22 =	vld [tilespmem:s14+$0x86B0]  }
0x16d: {  	v17 =	vmul.f32 v18, v17;
	v18 =	vld [tilespmem:s14+$0x6B0]  }
0x16e: {  	v16 =	vmul.f32 v16, v19;
	_ =	sdelay $0x1  }
0x16f: {  	v16 =	vadd.f32 v16, v17;
	v17 =	vmul.f32 v21, v20;
	_ =	sdelay $0x1  }
0x170: {  	v16 =	vadd.f32 v17, v16;
	v17 =	vmul.f32 v22, v18;
	_ =	sdelay $0x1  }
0x171: {  	v16 =	vadd.f32 v17, v16;
	_ =	sdelay $0x1  }
0x172: {  	[tilespmem:v3+s30+$0x0] =	vst.idx.msk $0xffff, v16  }
0x173: {  	v16 =	vld [tilespmem:s14+$0x8700]  }
0x174: {  	v17 =	vld [tilespmem:s14+$0x8710]  }
0x175: {  	v18 =	vld [tilespmem:s14+$0x700]  }
0x176: {  	v19 =	vld [tilespmem:s14+$0x710]  }
0x177: {  	v20 =	vld [tilespmem:s14+$0x720]  }
0x178: {  	v21 =	vld [tilespmem:s14+$0x8720]  }
0x179: {  	v22 =	vld [tilespmem:s14+$0x8730]  }
0x17a: {  	v16 =	vmul.f32 v16, v18;
	v18 =	vld [tilespmem:s14+$0x730]  }
0x17b: {  	v17 =	vmul.f32 v17, v19;
	_ =	sdelay $0x1  }
0x17c: {  	v16 =	vadd.f32 v17, v16;
	v17 =	vmul.f32 v21, v20;
	_ =	sdelay $0x1  }
0x17d: {  	v16 =	vadd.f32 v17, v16;
	v17 =	vmul.f32 v22, v18;
	_ =	sdelay $0x1  }
0x17e: {  	v16 =	vadd.f32 v17, v16;
	_ =	sdelay $0x1  }
0x17f: {  	[tilespmem:v4+s30+$0x0] =	vst.idx.msk $0xffff, v16  }
0x180: {  	v16 =	vld [tilespmem:s14+$0x8780]  }
0x181: {  	v17 =	vld [tilespmem:s14+$0x8790]  }
0x182: {  	v18 =	vld [tilespmem:s14+$0x780]  }
0x183: {  	v19 =	vld [tilespmem:s14+$0x790]  }
0x184: {  	v20 =	vld [tilespmem:s14+$0x7A0]  }
0x185: {  	v21 =	vld [tilespmem:s14+$0x87A0]  }
0x186: {  	v22 =	vld [tilespmem:s14+$0x87B0]  }
0x187: {  	v16 =	vmul.f32 v16, v18;
	v18 =	vld [tilespmem:s14+$0x7B0]  }
0x188: {  	v17 =	vmul.f32 v17, v19;
	_ =	sdelay $0x1  }
0x189: {  	v16 =	vadd.f32 v17, v16;
	v17 =	vmul.f32 v21, v20;
	_ =	sdelay $0x1  }
0x18a: {  	v16 =	vadd.f32 v17, v16;
	v17 =	vmul.f32 v22, v18;
	_ =	sdelay $0x1  }
0x18b: {  	v16 =	vadd.f32 v17, v16;
	_ =	sdelay $0x1  }
0x18c: {  	[tilespmem:v5+s30+$0x0] =	vst.idx.msk $0xffff, v16  }
0x18d: {  	v16 =	vld [tilespmem:s14+$0x8800]  }
0x18e: {  	v17 =	vld [tilespmem:s14+$0x8810]  }
0x18f: {  	v18 =	vld [tilespmem:s14+$0x810]  }
0x190: {  	v19 =	vld [tilespmem:s14+$0x800]  }
0x191: {  	v20 =	vld [tilespmem:s14+$0x8820]  }
0x192: {  	v21 =	vld [tilespmem:s14+$0x820]  }
0x193: {  	v22 =	vld [tilespmem:s14+$0x8830]  }
0x194: {  	v17 =	vmul.f32 v17, v18;
	v18 =	vld [tilespmem:s14+$0x830]  }
0x195: {  	v16 =	vmul.f32 v16, v19;
	_ =	sdelay $0x1  }
0x196: {  	v16 =	vadd.f32 v17, v16;
	v17 =	vmul.f32 v20, v21;
	_ =	sdelay $0x1  }
0x197: {  	v16 =	vadd.f32 v17, v16;
	v17 =	vmul.f32 v22, v18;
	_ =	sdelay $0x1  }
0x198: {  	v16 =	vadd.f32 v17, v16;
	_ =	sdelay $0x1  }
0x199: {  	[tilespmem:v6+s30+$0x0] =	vst.idx.msk $0xffff, v16  }
0x19a: {  	v16 =	vld [tilespmem:s14+$0x880]  }
0x19b: {  	v17 =	vld [tilespmem:s14+$0x8880]  }
0x19c: {  	v18 =	vld [tilespmem:s14+$0x8890]  }
0x19d: {  	v19 =	vld [tilespmem:s14+$0x890]  }
0x19e: {  	v20 =	vld [tilespmem:s14+$0x88A0]  }
0x19f: {  	v21 =	vld [tilespmem:s14+$0x8A0]  }
0x1a0: {  	v16 =	vmul.f32 v17, v16;
	v17 =	vld [tilespmem:s14+$0x88B0]  }
0x1a1: {  	v22 =	vld [tilespmem:s14+$0x8B0]  }
0x1a2: {  	v18 =	vmul.f32 v18, v19;
	_ =	sdelay $0x1  }
0x1a3: {  	v16 =	vadd.f32 v18, v16;
	v18 =	vmul.f32 v20, v21;
	_ =	sdelay $0x1  }
0x1a4: {  	v16 =	vadd.f32 v18, v16;
	v17 =	vmul.f32 v17, v22;
	_ =	sdelay $0x1  }
0x1a5: {  	v16 =	vadd.f32 v17, v16;
	_ =	sdelay $0x1  }
0x1a6: {  	[tilespmem:v7+s30+$0x0] =	vst.idx.msk $0xffff, v16  }
0x1a7: {  	v16 =	vld [tilespmem:s14+$0x8900]  }
0x1a8: {  	v17 =	vld [tilespmem:s14+$0x8910]  }
0x1a9: {  	v18 =	vld [tilespmem:s14+$0x900]  }
0x1aa: {  	v19 =	vld [tilespmem:s14+$0x910]  }
0x1ab: {  	v20 =	vld [tilespmem:s14+$0x8920]  }
0x1ac: {  	v21 =	vld [tilespmem:s14+$0x920]  }
0x1ad: {  	v22 =	vld [tilespmem:s14+$0x8930]  }
0x1ae: {  	v16 =	vmul.f32 v16, v18;
	v18 =	vld [tilespmem:s14+$0x930]  }
0x1af: {  	v17 =	vmul.f32 v17, v19;
	_ =	sdelay $0x1  }
0x1b0: {  	v16 =	vadd.f32 v17, v16;
	v17 =	vmul.f32 v20, v21;
	_ =	sdelay $0x1  }
0x1b1: {  	v16 =	vadd.f32 v17, v16;
	v17 =	vmul.f32 v22, v18;
	_ =	sdelay $0x1  }
0x1b2: {  	v16 =	vadd.f32 v17, v16;
	_ =	sdelay $0x1  }
0x1b3: {  	[tilespmem:v8+s30+$0x0] =	vst.idx.msk $0xffff, v16  }
0x1b4: {  	v16 =	vld [tilespmem:s14+$0x8980]  }
0x1b5: {  	v17 =	vld [tilespmem:s14+$0x8990]  }
0x1b6: {  	v18 =	vld [tilespmem:s14+$0x990]  }
0x1b7: {  	v19 =	vld [tilespmem:s14+$0x980]  }
0x1b8: {  	v20 =	vld [tilespmem:s14+$0x9A0]  }
0x1b9: {  	v21 =	vld [tilespmem:s14+$0x89A0]  }
0x1ba: {  	v22 =	vld [tilespmem:s14+$0x9B0]  }
0x1bb: {  	v17 =	vmul.f32 v17, v18;
	v18 =	vld [tilespmem:s14+$0x89B0]  }
0x1bc: {  	v16 =	vmul.f32 v16, v19;
	_ =	sdelay $0x1  }
0x1bd: {  	v16 =	vadd.f32 v17, v16;
	v17 =	vmul.f32 v21, v20;
	_ =	sdelay $0x1  }
0x1be: {  	v16 =	vadd.f32 v17, v16;
	v17 =	vmul.f32 v18, v22;
	_ =	sdelay $0x1  }
0x1bf: {  	v16 =	vadd.f32 v17, v16;
	_ =	sdelay $0x1  }
0x1c0: {  	[tilespmem:v9+s30+$0x0] =	vst.idx.msk $0xffff, v16  }
0x1c1: {  	v16 =	vld [tilespmem:s14+$0x8A10]  }
0x1c2: {  	v17 =	vld [tilespmem:s14+$0x8A00]  }
0x1c3: {  	v18 =	vld [tilespmem:s14+$0xA00]  }
0x1c4: {  	v19 =	vld [tilespmem:s14+$0xA10]  }
0x1c5: {  	v20 =	vld [tilespmem:s14+$0xA20]  }
0x1c6: {  	v21 =	vld [tilespmem:s14+$0x8A20]  }
0x1c7: {  	v22 =	vld [tilespmem:s14+$0xA30]  }
0x1c8: {  	v17 =	vmul.f32 v17, v18;
	v18 =	vld [tilespmem:s14+$0x8A30]  }
0x1c9: {  	v16 =	vmul.f32 v16, v19;
	_ =	sdelay $0x1  }
0x1ca: {  	v16 =	vadd.f32 v16, v17;
	v17 =	vmul.f32 v21, v20;
	_ =	sdelay $0x1  }
0x1cb: {  	v16 =	vadd.f32 v17, v16;
	v17 =	vmul.f32 v18, v22;
	_ =	sdelay $0x1  }
0x1cc: {  	v16 =	vadd.f32 v17, v16;
	_ =	sdelay $0x1  }
0x1cd: {  	[tilespmem:v10+s30+$0x0] =	vst.idx.msk $0xffff, v16  }
0x1ce: {  	v16 =	vld [tilespmem:s14+$0x8A80]  }
0x1cf: {  	v17 =	vld [tilespmem:s14+$0x8A90]  }
0x1d0: {  	v18 =	vld [tilespmem:s14+$0xA80]  }
0x1d1: {  	v19 =	vld [tilespmem:s14+$0xA90]  }
0x1d2: {  	v20 =	vld [tilespmem:s14+$0xAA0]  }
0x1d3: {  	v21 =	vld [tilespmem:s14+$0x8AA0]  }
0x1d4: {  	v22 =	vld [tilespmem:s14+$0xAB0]  }
0x1d5: {  	v16 =	vmul.f32 v16, v18;
	v18 =	vld [tilespmem:s14+$0x8AB0]  }
0x1d6: {  	v17 =	vmul.f32 v17, v19;
	_ =	sdelay $0x1  }
0x1d7: {  	v16 =	vadd.f32 v17, v16;
	v17 =	vmul.f32 v21, v20;
	_ =	sdelay $0x1  }
0x1d8: {  	v16 =	vadd.f32 v17, v16;
	v17 =	vmul.f32 v18, v22;
	_ =	sdelay $0x1  }
0x1d9: {  	v16 =	vadd.f32 v17, v16;
	_ =	sdelay $0x1  }
0x1da: {  	[tilespmem:v11+s30+$0x0] =	vst.idx.msk $0xffff, v16  }
0x1db: {  	v16 =	vld [tilespmem:s14+$0x8B00]  }
0x1dc: {  	v17 =	vld [tilespmem:s14+$0x8B10]  }
0x1dd: {  	v18 =	vld [tilespmem:s14+$0xB00]  }
0x1de: {  	v19 =	vld [tilespmem:s14+$0xB10]  }
0x1df: {  	v20 =	vld [tilespmem:s14+$0xB20]  }
0x1e0: {  	v21 =	vld [tilespmem:s14+$0x8B20]  }
0x1e1: {  	v22 =	vld [tilespmem:s14+$0xB30]  }
0x1e2: {  	v16 =	vmul.f32 v16, v18;
	v18 =	vld [tilespmem:s14+$0x8B30]  }
0x1e3: {  	v17 =	vmul.f32 v17, v19;
	_ =	sdelay $0x1  }
0x1e4: {  	v16 =	vadd.f32 v17, v16;
	v17 =	vmul.f32 v21, v20;
	_ =	sdelay $0x1  }
0x1e5: {  	v16 =	vadd.f32 v17, v16;
	v17 =	vmul.f32 v18, v22;
	_ =	sdelay $0x1  }
0x1e6: {  	v16 =	vadd.f32 v17, v16;
	_ =	sdelay $0x1  }
0x1e7: {  	[tilespmem:v12+s30+$0x0] =	vst.idx.msk $0xffff, v16  }
0x1e8: {  	v16 =	vld [tilespmem:s14+$0x8B80]  }
0x1e9: {  	v17 =	vld [tilespmem:s14+$0x8B90]  }
0x1ea: {  	v18 =	vld [tilespmem:s14+$0xB80]  }
0x1eb: {  	v19 =	vld [tilespmem:s14+$0xB90]  }
0x1ec: {  	v20 =	vld [tilespmem:s14+$0xBA0]  }
0x1ed: {  	v21 =	vld [tilespmem:s14+$0x8BA0]  }
0x1ee: {  	v22 =	vld [tilespmem:s14+$0xBB0]  }
0x1ef: {  	v16 =	vmul.f32 v16, v18;
	v18 =	vld [tilespmem:s14+$0x8BB0]  }
0x1f0: {  	v17 =	vmul.f32 v17, v19;
	_ =	sdelay $0x1  }
0x1f1: {  	v16 =	vadd.f32 v17, v16;
	v17 =	vmul.f32 v21, v20;
	_ =	sdelay $0x1  }
0x1f2: {  	v16 =	vadd.f32 v17, v16;
	v17 =	vmul.f32 v18, v22;
	_ =	sdelay $0x1  }
0x1f3: {  	v16 =	vadd.f32 v17, v16;
	_ =	sdelay $0x1  }
0x1f4: {  	[tilespmem:v13+s30+$0x0] =	vst.idx.msk $0xffff, v16  }
0x1f5: {  	v16 =	vld [tilespmem:s14+$0x8C00]  }
0x1f6: {  	v17 =	vld [tilespmem:s14+$0x8C10]  }
0x1f7: {  	v18 =	vld [tilespmem:s14+$0xC00]  }
0x1f8: {  	v19 =	vld [tilespmem:s14+$0xC10]  }
0x1f9: {  	v20 =	vld [tilespmem:s14+$0xC20]  }
0x1fa: {  	v21 =	vld [tilespmem:s14+$0x8C20]  }
0x1fb: {  	v22 =	vld [tilespmem:s14+$0xC30]  }
0x1fc: {  	v16 =	vmul.f32 v16, v18;
	v18 =	vld [tilespmem:s14+$0x8C30]  }
0x1fd: {  	v17 =	vmul.f32 v17, v19;
	_ =	sdelay $0x1  }
0x1fe: {  	v16 =	vadd.f32 v17, v16;
	v17 =	vmul.f32 v21, v20;
	_ =	sdelay $0x1  }
0x1ff: {  	v16 =	vadd.f32 v17, v16;
	v17 =	vmul.f32 v18, v22;
	_ =	sdelay $0x1  }
0x200: {  	v16 =	vadd.f32 v17, v16;
	_ =	sdelay $0x1  }
.Ltmp2:
0x201: {  	[tilespmem:v14+s30+$0x0] =	vst.idx.msk $0xffff, v16;
	(pc) =	sbr.rel @p0 .LBB2_6-.Ltmp2, $4  }
0x202: {  	v16 =	vld [tilespmem:s14+$0x8C80]  }
0x203: {  	v18 =	vld [tilespmem:s14+$0xC80]  }
0x204: {  	v17 =	vld [tilespmem:s14+$0x8C90]  }
0x205: {  	v19 =	vld [tilespmem:s14+$0xC90]  }
0x206: {  	v20 =	vld [tilespmem:s14+$0xCA0]  }
0x207: {  	v21 =	vld [tilespmem:s14+$0x8CA0]  }
0x208: {  	v22 =	vld [tilespmem:s14+$0xCB0]  }
0x209: {  	v23 =	vld [tilespmem:s14+$0x8CB0]  }
0x20a: {  	v16 =	vmul.f32 v16, v18;
	v17 =	vmul.f32 v17, v19;
	_ =	sdelay $0x1  }
0x20b: {  	v16 =	vadd.f32 v17, v16;
	v17 =	vmul.f32 v21, v20;
	_ =	sdelay $0x1  }
0x20c: {  	v16 =	vadd.f32 v17, v16;
	v17 =	vmul.f32 v23, v22;
	_ =	sdelay $0x1  }
0x20d: {  	v16 =	vadd.f32 v17, v16;
	_ =	sdelay $0x1  }
0x20e: {  	[tilespmem:v15+s30+$0x0] =	vst.idx.msk $0xffff, v16  }
0x20f: {  	v16 =	vld [tilespmem:$0x10B00]  }
0x210: {  	v17 =	vld [tilespmem:$0x10B11];
	_ =	sdelay $0x1  }
0x211: {  	v18 =	vld [tilespmem:$0x10B22];
	_ =	sdelay $0x1  }
0x212: {  	v19 =	vld [tilespmem:$0x10B33]  }
0x213: {  	v16 =	vadd.f32 v17, v16  }
0x214: {  	v17 =	vld [tilespmem:$0x10B44]  }
0x215: {  	v16 =	vadd.f32 v18, v16  }
0x216: {  	v18 =	vld [tilespmem:$0x10B55]  }
0x217: {  	v16 =	vadd.f32 v19, v16  }
0x218: {  	v19 =	vld [tilespmem:$0x10B66]  }
0x219: {  	v16 =	vadd.f32 v17, v16  }
0x21a: {  	v17 =	vld [tilespmem:$0x10B77]  }
0x21b: {  	v16 =	vadd.f32 v18, v16  }
0x21c: {  	v18 =	vld [tilespmem:$0x10B88]  }
0x21d: {  	v16 =	vadd.f32 v19, v16  }
0x21e: {  	v19 =	vld [tilespmem:$0x10B99]  }
0x21f: {  	v16 =	vadd.f32 v17, v16  }
0x220: {  	v17 =	vld [tilespmem:$0x10BAA]  }
0x221: {  	v16 =	vadd.f32 v18, v16  }
0x222: {  	v18 =	vld [tilespmem:$0x10BBB]  }
0x223: {  	v16 =	vadd.f32 v19, v16  }
0x224: {  	v19 =	vld [tilespmem:$0x10BCC]  }
0x225: {  	v16 =	vadd.f32 v17, v16  }
0x226: {  	v17 =	vld [tilespmem:$0x10BDD]  }
0x227: {  	v16 =	vadd.f32 v18, v16  }
0x228: {  	v18 =	vld [tilespmem:$0x10BEE]  }
0x229: {  	v16 =	vadd.f32 v19, v16  }
0x22a: {  	v19 =	vld [tilespmem:$0x10BFF]  }
0x22b: {  	v16 =	vadd.f32 v17, v16;
	_ =	sdelay $0x1  }
0x22c: {  	v16 =	vadd.f32 v18, v16;
	_ =	sdelay $0x1  }
0x22d: {  	v16 =	vadd.f32 v19, v16;
	_ =	sdelay $0x1  }
0x22e: {  	s16 =	simm.s32 $0x0;
	[tilespmem:s15+$0x0] =	vst v16  }
0x22f: {  	v16 =	vld [tilespmem:s16+$0x100]  }
0x230: {  	v17 =	vld [tilespmem:s16+$0x380];
	_ =	sdelay $0x3  }
0x231: {  	(v2sf) =	vpush v16, $0x0  }
0x232: {  	(v2sf) =	vpush v17, $0x0;
	_ =	sdelay $0xd  }
0x233: {  	s17 =	spop (v2sf)  }
0x234: {  	s14 =	sshll.u32 s17, $0x4;
	s18 =	spop (v2sf)  }
0x235: {  	s16 =	sand.u32 $0x1FFFFFF0, s14;
	s15 =	sshll.u32 s18, $0x4  }
0x236: {  	s14 =	simm.s32 $0x500;
	s16 =	sadd.s32 s3, s16;
	s17 =	sand.u32 $0x1FFFFFF0, s15  }
0x237: {  	[tilespmem:s14], [sflag:$0x1] =	stream.linear.gather [hbm4b:s16+s2], $0x80, $0x38;
	[tilespmem:$0x10C80] =	vst v63  }
0x238: {  	s15 =	simm.s32 $0x8500;
	s19 =	sadd.s32 s4, s17;
	s17 =	simm.s32 $0x1  }
0x239: {  	[tilespmem:s15], [sflag:$0x2] =	stream.linear.gather [hbm4b:s19+s2], $0x80, $0x38;
	[tilespmem:$0x10C80] =	vst v63  }
0x23a: {  	s16 =	simm.s32 $0x8;
	v16 =	vld [tilespmem:s17+$0x100]  }
.LBB2_8:
0x23b: {  	p0 =	sne.s32 s16, $0x3FC;
	v17 =	vld [tilespmem:s17+$0x380];
	_ =	sdelay $0x3  }
0x23c: {  	(v2sf) =	vpush v16, $0x0  }
0x23d: {  	(v2sf) =	vpush v17, $0x0;
	_ =	sdelay $0xd  }
0x23e: {  	s17 =	spop (v2sf)  }
0x23f: {  	s17 =	sshll.u32 s17, $0x4;
	s18 =	spop (v2sf)  }
0x240: {  	s14 =	sadd.s32 $0x80, s14;
	s17 =	sand.u32 $0x1FFFFFF0, s17;
	s18 =	sshll.u32 s18, $0x4  }
.Ltmp3:
0x241: {  	s17 =	sadd.s32 s3, s17;
	s18 =	sand.u32 $0x1FFFFFF0, s18;
	(pc) =	sbr.rel @p0 .LBB2_8-.Ltmp3, $4  }
0x242: {  	[tilespmem:s14], [sflag:$0x1] =	stream.linear.gather [hbm4b:s17+s2], $0x80, $0x38;
	[tilespmem:$0x10C80] =	vst v63  }
0x243: {  	s15 =	sadd.s32 $0x80, s15;
	s17 =	sshra.s32 s16, $0x2;
	s18 =	sadd.s32 s4, s18  }
0x244: {  	[tilespmem:s15], [sflag:$0x2] =	stream.linear.gather [hbm4b:s18+s2], $0x80, $0x38;
	[tilespmem:$0x10C80] =	vst v63  }
0x245: {  	s16 =	sadd.s32 $0x4, s16;
	v16 =	vld [tilespmem:s17+$0x100]  }
0x246: {  	v17 =	vld [tilespmem:s17+$0x380];
	_ =	sdelay $0x3  }
0x247: {  	(v2sf) =	vpush v16, $0x0  }
0x248: {  	(v2sf) =	vpush v17, $0x0;
	_ =	sdelay $0xd  }
0x249: {  	s16 =	spop (v2sf)  }
0x24a: {  	s16 =	sshll.u32 s16, $0x4;
	s18 =	spop (v2sf)  }
0x24b: {  	s16 =	sand.u32 $0x1FFFFFF0, s16;
	s17 =	sshll.u32 s18, $0x4  }
0x24c: {  	s14 =	sadd.s32 $0x80, s14;
	s16 =	sadd.s32 s3, s16;
	s17 =	sand.u32 $0x1FFFFFF0, s17  }
0x24d: {  	[tilespmem:s14], [sflag:$0x1] =	stream.linear.gather [hbm4b:s16+s2], $0x80, $0x38;
	[tilespmem:$0x10C80] =	vst v63  }
0x24e: {  	s15 =	sadd.s32 $0x80, s15;
	s19 =	sadd.s32 s4, s17  }
0x24f: {  	[tilespmem:s15], [sflag:$0x2] =	stream.linear.gather [hbm4b:s19+s2], $0x80, $0x38;
	[tilespmem:$0x10C80] =	vst v63  }
0x250: {  	_ =	swait.ge [sflag:s28], $0x80  }
0x251: {  	[sflag:s28] =	ssyncset.done $0x0  }
0x252: {  	[sflag:s28] =	ssyncadd.s32 $0xFFFFFF80  }
0x253: {  	_ =	swait.ge [sflag:s29], $0x80  }
0x254: {  	s14 =	simm.s32 $0xFF;
	[sflag:s29] =	ssyncset.done $0x0  }
.LBB2_10:
0x255: {  	p0 =	sne.s32 s14, $0x1;
	s14 =	sadd.s32 $0xFFFFFFFF, s14;
	[sflag:s29] =	ssyncadd.s32 $0xFFFFFF80  }
.Ltmp4:
0x256: {  	_ =	swait.ge [sflag:s28], $0x80;
	(pc) =	sbr.rel @p0 .LBB2_10-.Ltmp4, $4  }
0x257: {  	[sflag:s28] =	ssyncset.done $0x0  }
0x258: {  	[sflag:s28] =	ssyncadd.s32 $0xFFFFFF80  }
0x259: {  	_ =	swait.ge [sflag:s29], $0x80  }
0x25a: {  	[sflag:s29] =	ssyncset.done $0x0  }
0x25b: {  	[sflag:s29] =	ssyncadd.s32 $0xFFFFFF80;
	s15 =	simm.s32 $0x900  }
0x25c: {  	s14 =	simm.s32 $0x8900;
	v16 =	vld [tilespmem:s15+$0xFFFFFC00]  }
0x25d: {  	v17 =	vld [tilespmem:s14+$0xFFFFFC10]  }
0x25e: {  	v18 =	vld [tilespmem:s15+$0xFFFFFC10]  }
0x25f: {  	v19 =	vld [tilespmem:s14+$0xFFFFFC00]  }
0x260: {  	v20 =	vld [tilespmem:s14+$0xFFFFFC20]  }
0x261: {  	v21 =	vld [tilespmem:s15+$0xFFFFFC20]  }
0x262: {  	v22 =	vld [tilespmem:s14+$0xFFFFFC30]  }
0x263: {  	v23 =	vld [tilespmem:s15+$0xFFFFFC30]  }
0x264: {  	v17 =	vmul.f32 v17, v18;
	v16 =	vmul.f32 v19, v16;
	_ =	sdelay $0x1  }
0x265: {  	v16 =	vadd.f32 v17, v16;
	v17 =	vmul.f32 v20, v21;
	_ =	sdelay $0x1  }
0x266: {  	v16 =	vadd.f32 v17, v16;
	v17 =	vmul.f32 v22, v23;
	_ =	sdelay $0x1  }
0x267: {  	v16 =	vadd.f32 v17, v16;
	_ =	sdelay $0x1  }
0x268: {  	[tilespmem:v0+s30+$0x0] =	vst.idx.msk $0xffff, v16  }
0x269: {  	v16 =	vld [tilespmem:s14+$0xFFFFFC90]  }
0x26a: {  	v17 =	vld [tilespmem:s15+$0xFFFFFC80]  }
0x26b: {  	v18 =	vld [tilespmem:s15+$0xFFFFFC90]  }
0x26c: {  	v19 =	vld [tilespmem:s14+$0xFFFFFC80]  }
0x26d: {  	v20 =	vld [tilespmem:s14+$0xFFFFFCA0]  }
0x26e: {  	v21 =	vld [tilespmem:s15+$0xFFFFFCA0]  }
0x26f: {  	v22 =	vld [tilespmem:s14+$0xFFFFFCB0]  }
0x270: {  	v23 =	vld [tilespmem:s15+$0xFFFFFCB0]  }
0x271: {  	v16 =	vmul.f32 v16, v18;
	v17 =	vmul.f32 v19, v17;
	_ =	sdelay $0x1  }
0x272: {  	v16 =	vadd.f32 v16, v17;
	v17 =	vmul.f32 v20, v21;
	_ =	sdelay $0x1  }
0x273: {  	v16 =	vadd.f32 v17, v16;
	v17 =	vmul.f32 v22, v23;
	_ =	sdelay $0x1  }
0x274: {  	v16 =	vadd.f32 v17, v16;
	_ =	sdelay $0x1  }
0x275: {  	[tilespmem:v1+s30+$0x0] =	vst.idx.msk $0xffff, v16  }
0x276: {  	v16 =	vld [tilespmem:s15+$0xFFFFFD00]  }
0x277: {  	v17 =	vld [tilespmem:s14+$0xFFFFFD00]  }
0x278: {  	v18 =	vld [tilespmem:s14+$0xFFFFFD10]  }
0x279: {  	v19 =	vld [tilespmem:s15+$0xFFFFFD10]  }
0x27a: {  	v20 =	vld [tilespmem:s14+$0xFFFFFD20]  }
0x27b: {  	v21 =	vld [tilespmem:s15+$0xFFFFFD20]  }
0x27c: {  	v22 =	vld [tilespmem:s14+$0xFFFFFD30]  }
0x27d: {  	v23 =	vld [tilespmem:s15+$0xFFFFFD30]  }
0x27e: {  	v16 =	vmul.f32 v17, v16;
	v17 =	vmul.f32 v18, v19;
	_ =	sdelay $0x1  }
0x27f: {  	v16 =	vadd.f32 v17, v16;
	v17 =	vmul.f32 v20, v21;
	_ =	sdelay $0x1  }
0x280: {  	v16 =	vadd.f32 v17, v16;
	v17 =	vmul.f32 v22, v23;
	_ =	sdelay $0x1  }
0x281: {  	v16 =	vadd.f32 v17, v16;
	_ =	sdelay $0x1  }
0x282: {  	[tilespmem:v2+s30+$0x0] =	vst.idx.msk $0xffff, v16  }
0x283: {  	v16 =	vld [tilespmem:s14+$0xFFFFFD80]  }
0x284: {  	v17 =	vld [tilespmem:s15+$0xFFFFFD80]  }
0x285: {  	v18 =	vld [tilespmem:s15+$0xFFFFFD90]  }
0x286: {  	v19 =	vld [tilespmem:s14+$0xFFFFFD90]  }
0x287: {  	v20 =	vld [tilespmem:s14+$0xFFFFFDA0]  }
0x288: {  	v21 =	vld [tilespmem:s15+$0xFFFFFDA0]  }
0x289: {  	v22 =	vld [tilespmem:s14+$0xFFFFFDB0]  }
0x28a: {  	v23 =	vld [tilespmem:s15+$0xFFFFFDB0]  }
0x28b: {  	v16 =	vmul.f32 v16, v17;
	v17 =	vmul.f32 v19, v18;
	_ =	sdelay $0x1  }
0x28c: {  	v16 =	vadd.f32 v17, v16;
	v17 =	vmul.f32 v20, v21;
	_ =	sdelay $0x1  }
0x28d: {  	v16 =	vadd.f32 v17, v16;
	v17 =	vmul.f32 v22, v23;
	_ =	sdelay $0x1  }
0x28e: {  	v16 =	vadd.f32 v17, v16;
	_ =	sdelay $0x1  }
0x28f: {  	[tilespmem:v3+s30+$0x0] =	vst.idx.msk $0xffff, v16  }
0x290: {  	v16 =	vld [tilespmem:s14+$0xFFFFFE10]  }
0x291: {  	v17 =	vld [tilespmem:s15+$0xFFFFFE00]  }
0x292: {  	v18 =	vld [tilespmem:s14+$0xFFFFFE00]  }
0x293: {  	v19 =	vld [tilespmem:s15+$0xFFFFFE10]  }
0x294: {  	v20 =	vld [tilespmem:s14+$0xFFFFFE20]  }
0x295: {  	v21 =	vld [tilespmem:s15+$0xFFFFFE20]  }
0x296: {  	v22 =	vld [tilespmem:s14+$0xFFFFFE30]  }
0x297: {  	v23 =	vld [tilespmem:s15+$0xFFFFFE30]  }
0x298: {  	v17 =	vmul.f32 v18, v17;
	v16 =	vmul.f32 v16, v19;
	_ =	sdelay $0x1  }
0x299: {  	v16 =	vadd.f32 v16, v17;
	v17 =	vmul.f32 v20, v21;
	_ =	sdelay $0x1  }
0x29a: {  	v16 =	vadd.f32 v17, v16;
	v17 =	vmul.f32 v22, v23;
	_ =	sdelay $0x1  }
0x29b: {  	v16 =	vadd.f32 v17, v16;
	_ =	sdelay $0x1  }
0x29c: {  	[tilespmem:v4+s30+$0x0] =	vst.idx.msk $0xffff, v16  }
0x29d: {  	v16 =	vld [tilespmem:s14+$0xFFFFFE90]  }
0x29e: {  	v17 =	vld [tilespmem:s15+$0xFFFFFE80]  }
0x29f: {  	v18 =	vld [tilespmem:s14+$0xFFFFFE80]  }
0x2a0: {  	v19 =	vld [tilespmem:s15+$0xFFFFFE90]  }
0x2a1: {  	v20 =	vld [tilespmem:s14+$0xFFFFFEA0]  }
0x2a2: {  	v21 =	vld [tilespmem:s15+$0xFFFFFEA0]  }
0x2a3: {  	v22 =	vld [tilespmem:s14+$0xFFFFFEB0]  }
0x2a4: {  	v23 =	vld [tilespmem:s15+$0xFFFFFEB0]  }
0x2a5: {  	v17 =	vmul.f32 v18, v17;
	v16 =	vmul.f32 v16, v19;
	_ =	sdelay $0x1  }
0x2a6: {  	v16 =	vadd.f32 v16, v17;
	v17 =	vmul.f32 v20, v21;
	_ =	sdelay $0x1  }
0x2a7: {  	v16 =	vadd.f32 v17, v16;
	v17 =	vmul.f32 v22, v23;
	_ =	sdelay $0x1  }
0x2a8: {  	v16 =	vadd.f32 v17, v16;
	_ =	sdelay $0x1  }
0x2a9: {  	[tilespmem:v5+s30+$0x0] =	vst.idx.msk $0xffff, v16  }
0x2aa: {  	v16 =	vld [tilespmem:s14+$0xFFFFFF00]  }
0x2ab: {  	v17 =	vld [tilespmem:s14+$0xFFFFFF10]  }
0x2ac: {  	v18 =	vld [tilespmem:s15+$0xFFFFFF10]  }
0x2ad: {  	v19 =	vld [tilespmem:s15+$0xFFFFFF00]  }
0x2ae: {  	v20 =	vld [tilespmem:s14+$0xFFFFFF20]  }
0x2af: {  	v21 =	vld [tilespmem:s15+$0xFFFFFF20]  }
0x2b0: {  	v22 =	vld [tilespmem:s14+$0xFFFFFF30]  }
0x2b1: {  	v23 =	vld [tilespmem:s15+$0xFFFFFF30]  }
0x2b2: {  	v17 =	vmul.f32 v17, v18;
	v16 =	vmul.f32 v16, v19;
	_ =	sdelay $0x1  }
0x2b3: {  	v16 =	vadd.f32 v17, v16;
	v17 =	vmul.f32 v20, v21;
	_ =	sdelay $0x1  }
0x2b4: {  	v16 =	vadd.f32 v17, v16;
	v17 =	vmul.f32 v22, v23;
	_ =	sdelay $0x1  }
0x2b5: {  	v16 =	vadd.f32 v17, v16;
	_ =	sdelay $0x1  }
0x2b6: {  	[tilespmem:v6+s30+$0x0] =	vst.idx.msk $0xffff, v16  }
0x2b7: {  	v16 =	vld [tilespmem:s14+$0xFFFFFF90]  }
0x2b8: {  	v17 =	vld [tilespmem:s14+$0xFFFFFF80]  }
0x2b9: {  	v18 =	vld [tilespmem:s15+$0xFFFFFF80]  }
0x2ba: {  	v19 =	vld [tilespmem:s15+$0xFFFFFF90]  }
0x2bb: {  	v20 =	vld [tilespmem:s14+$0xFFFFFFA0]  }
0x2bc: {  	v21 =	vld [tilespmem:s15+$0xFFFFFFA0]  }
0x2bd: {  	v22 =	vld [tilespmem:s14+$0xFFFFFFB0]  }
0x2be: {  	v23 =	vld [tilespmem:s15+$0xFFFFFFB0]  }
0x2bf: {  	v17 =	vmul.f32 v17, v18;
	v16 =	vmul.f32 v16, v19;
	_ =	sdelay $0x1  }
0x2c0: {  	v16 =	vadd.f32 v16, v17;
	v17 =	vmul.f32 v20, v21;
	_ =	sdelay $0x1  }
0x2c1: {  	v16 =	vadd.f32 v17, v16;
	v17 =	vmul.f32 v22, v23;
	_ =	sdelay $0x1  }
0x2c2: {  	v16 =	vadd.f32 v17, v16;
	_ =	sdelay $0x1  }
0x2c3: {  	[tilespmem:v7+s30+$0x0] =	vst.idx.msk $0xffff, v16  }
0x2c4: {  	v16 =	vld [tilespmem:s14+$0x0]  }
0x2c5: {  	v17 =	vld [tilespmem:s14+$0x10]  }
0x2c6: {  	v18 =	vld [tilespmem:s15+$0x0]  }
0x2c7: {  	v19 =	vld [tilespmem:s15+$0x10]  }
0x2c8: {  	v20 =	vld [tilespmem:s14+$0x20]  }
0x2c9: {  	v21 =	vld [tilespmem:s15+$0x20]  }
0x2ca: {  	v22 =	vld [tilespmem:s14+$0x30]  }
0x2cb: {  	v23 =	vld [tilespmem:s15+$0x30]  }
0x2cc: {  	v16 =	vmul.f32 v16, v18;
	v17 =	vmul.f32 v17, v19;
	_ =	sdelay $0x1  }
0x2cd: {  	v16 =	vadd.f32 v17, v16;
	v17 =	vmul.f32 v20, v21;
	_ =	sdelay $0x1  }
0x2ce: {  	v16 =	vadd.f32 v17, v16;
	v17 =	vmul.f32 v22, v23;
	_ =	sdelay $0x1  }
0x2cf: {  	v16 =	vadd.f32 v17, v16;
	_ =	sdelay $0x1  }
0x2d0: {  	[tilespmem:v8+s30+$0x0] =	vst.idx.msk $0xffff, v16  }
0x2d1: {  	v16 =	vld [tilespmem:s14+$0x80]  }
0x2d2: {  	v17 =	vld [tilespmem:s14+$0x90]  }
0x2d3: {  	v18 =	vld [tilespmem:s15+$0x80]  }
0x2d4: {  	v19 =	vld [tilespmem:s15+$0x90]  }
0x2d5: {  	v20 =	vld [tilespmem:s15+$0xA0]  }
0x2d6: {  	v21 =	vld [tilespmem:s14+$0xA0]  }
0x2d7: {  	v22 =	vld [tilespmem:s15+$0xB0]  }
0x2d8: {  	v23 =	vld [tilespmem:s14+$0xB0]  }
0x2d9: {  	v16 =	vmul.f32 v16, v18;
	v17 =	vmul.f32 v17, v19;
	_ =	sdelay $0x1  }
0x2da: {  	v16 =	vadd.f32 v17, v16;
	v17 =	vmul.f32 v21, v20;
	_ =	sdelay $0x1  }
0x2db: {  	v16 =	vadd.f32 v17, v16;
	v17 =	vmul.f32 v23, v22;
	_ =	sdelay $0x1  }
0x2dc: {  	v16 =	vadd.f32 v17, v16;
	_ =	sdelay $0x1  }
0x2dd: {  	[tilespmem:v9+s30+$0x0] =	vst.idx.msk $0xffff, v16  }
0x2de: {  	v16 =	vld [tilespmem:s14+$0x100]  }
0x2df: {  	v17 =	vld [tilespmem:s14+$0x110]  }
0x2e0: {  	v18 =	vld [tilespmem:s15+$0x100]  }
0x2e1: {  	v19 =	vld [tilespmem:s15+$0x110]  }
0x2e2: {  	v20 =	vld [tilespmem:s15+$0x120]  }
0x2e3: {  	v21 =	vld [tilespmem:s14+$0x120]  }
0x2e4: {  	v22 =	vld [tilespmem:s15+$0x130]  }
0x2e5: {  	v23 =	vld [tilespmem:s14+$0x130]  }
0x2e6: {  	v16 =	vmul.f32 v16, v18;
	v17 =	vmul.f32 v17, v19;
	_ =	sdelay $0x1  }
0x2e7: {  	v16 =	vadd.f32 v17, v16;
	v17 =	vmul.f32 v21, v20;
	_ =	sdelay $0x1  }
0x2e8: {  	v16 =	vadd.f32 v17, v16;
	v17 =	vmul.f32 v23, v22;
	_ =	sdelay $0x1  }
0x2e9: {  	v16 =	vadd.f32 v17, v16;
	_ =	sdelay $0x1  }
0x2ea: {  	[tilespmem:v10+s30+$0x0] =	vst.idx.msk $0xffff, v16  }
0x2eb: {  	v16 =	vld [tilespmem:s14+$0x180]  }
0x2ec: {  	v17 =	vld [tilespmem:s14+$0x190]  }
0x2ed: {  	v18 =	vld [tilespmem:s15+$0x180]  }
0x2ee: {  	v19 =	vld [tilespmem:s15+$0x190]  }
0x2ef: {  	v20 =	vld [tilespmem:s15+$0x1A0]  }
0x2f0: {  	v21 =	vld [tilespmem:s14+$0x1A0]  }
0x2f1: {  	v22 =	vld [tilespmem:s15+$0x1B0]  }
0x2f2: {  	v23 =	vld [tilespmem:s14+$0x1B0]  }
0x2f3: {  	v16 =	vmul.f32 v16, v18;
	v17 =	vmul.f32 v17, v19;
	_ =	sdelay $0x1  }
0x2f4: {  	v16 =	vadd.f32 v17, v16;
	v17 =	vmul.f32 v21, v20;
	_ =	sdelay $0x1  }
0x2f5: {  	v16 =	vadd.f32 v17, v16;
	v17 =	vmul.f32 v23, v22;
	_ =	sdelay $0x1  }
0x2f6: {  	v16 =	vadd.f32 v17, v16;
	_ =	sdelay $0x1  }
0x2f7: {  	[tilespmem:v11+s30+$0x0] =	vst.idx.msk $0xffff, v16  }
0x2f8: {  	v16 =	vld [tilespmem:s14+$0x200]  }
0x2f9: {  	v17 =	vld [tilespmem:s14+$0x210]  }
0x2fa: {  	v18 =	vld [tilespmem:s15+$0x200]  }
0x2fb: {  	v19 =	vld [tilespmem:s15+$0x210]  }
0x2fc: {  	v20 =	vld [tilespmem:s15+$0x220]  }
0x2fd: {  	v21 =	vld [tilespmem:s14+$0x220]  }
0x2fe: {  	v22 =	vld [tilespmem:s15+$0x230]  }
0x2ff: {  	v23 =	vld [tilespmem:s14+$0x230]  }
0x300: {  	v16 =	vmul.f32 v16, v18;
	v17 =	vmul.f32 v17, v19;
	_ =	sdelay $0x1  }
0x301: {  	v16 =	vadd.f32 v17, v16;
	v17 =	vmul.f32 v21, v20;
	_ =	sdelay $0x1  }
0x302: {  	v16 =	vadd.f32 v17, v16;
	v17 =	vmul.f32 v23, v22;
	_ =	sdelay $0x1  }
0x303: {  	v16 =	vadd.f32 v17, v16;
	_ =	sdelay $0x1  }
0x304: {  	[tilespmem:v12+s30+$0x0] =	vst.idx.msk $0xffff, v16  }
0x305: {  	v16 =	vld [tilespmem:s14+$0x280]  }
0x306: {  	v17 =	vld [tilespmem:s14+$0x290]  }
0x307: {  	v18 =	vld [tilespmem:s15+$0x280]  }
0x308: {  	v19 =	vld [tilespmem:s15+$0x290]  }
0x309: {  	v20 =	vld [tilespmem:s15+$0x2A0]  }
0x30a: {  	v21 =	vld [tilespmem:s14+$0x2A0]  }
0x30b: {  	v22 =	vld [tilespmem:s15+$0x2B0]  }
0x30c: {  	v23 =	vld [tilespmem:s14+$0x2B0]  }
0x30d: {  	v16 =	vmul.f32 v16, v18;
	v17 =	vmul.f32 v17, v19;
	_ =	sdelay $0x1  }
0x30e: {  	v16 =	vadd.f32 v17, v16;
	v17 =	vmul.f32 v21, v20;
	_ =	sdelay $0x1  }
0x30f: {  	v16 =	vadd.f32 v17, v16;
	v17 =	vmul.f32 v23, v22;
	_ =	sdelay $0x1  }
0x310: {  	v16 =	vadd.f32 v17, v16;
	_ =	sdelay $0x1  }
0x311: {  	[tilespmem:v13+s30+$0x0] =	vst.idx.msk $0xffff, v16  }
0x312: {  	v16 =	vld [tilespmem:s14+$0x300]  }
0x313: {  	v17 =	vld [tilespmem:s14+$0x310]  }
0x314: {  	v18 =	vld [tilespmem:s15+$0x310]  }
0x315: {  	v19 =	vld [tilespmem:s15+$0x300]  }
0x316: {  	v20 =	vld [tilespmem:s15+$0x320]  }
0x317: {  	v21 =	vld [tilespmem:s14+$0x320]  }
0x318: {  	v22 =	vld [tilespmem:s15+$0x330]  }
0x319: {  	v23 =	vld [tilespmem:s14+$0x330]  }
0x31a: {  	v17 =	vmul.f32 v17, v18;
	v16 =	vmul.f32 v16, v19;
	_ =	sdelay $0x1  }
0x31b: {  	v16 =	vadd.f32 v17, v16;
	v17 =	vmul.f32 v21, v20;
	_ =	sdelay $0x1  }
0x31c: {  	v16 =	vadd.f32 v17, v16;
	v17 =	vmul.f32 v23, v22;
	_ =	sdelay $0x1  }
0x31d: {  	v16 =	vadd.f32 v17, v16;
	_ =	sdelay $0x1  }
0x31e: {  	[tilespmem:v14+s30+$0x0] =	vst.idx.msk $0xffff, v16  }
0x31f: {  	v19 =	vld [tilespmem:s15+$0x380]  }
0x320: {  	v21 =	vld [tilespmem:s14+$0x380]  }
0x321: {  	v17 =	vld [tilespmem:s14+$0x390]  }
0x322: {  	v20 =	vld [tilespmem:s15+$0x390]  }
0x323: {  	v16 =	vld [tilespmem:s15+$0x3A0]  }
0x324: {  	v18 =	vld [tilespmem:s14+$0x3A0]  }
0x325: {  	s16 =	simm.s32 $0x0;
	s17 =	simm.s32 $0x10;
	v21 =	vmul.f32 v21, v19;
	v19 =	vld [tilespmem:s15+$0x3B0]  }
.LBB2_12:
0x326: {  	p0 =	sne.s32 s17, $0xF0;
	v22 =	vld [tilespmem:s14+$0x3B0];
	s15 =	sadd.s32 $0x800, s15;
	s14 =	sadd.s32 $0x800, s14  }
0x327: {  	s18 =	smov.u32 s17;
	s17 =	sadd.s32 $0x10, s17;
	v17 =	vmul.f32 v17, v20;
	_ =	sdelay $0x1  }
0x328: {  	v17 =	vadd.f32 v17, v21;
	v16 =	vmul.f32 v18, v16;
	_ =	sdelay $0x1  }
0x329: {  	v16 =	vadd.f32 v16, v17;
	v17 =	vmul.f32 v22, v19;
	_ =	sdelay $0x1  }
0x32a: {  	v16 =	vadd.f32 v17, v16;
	_ =	sdelay $0x1  }
0x32b: {  	[tilespmem:v15+s30+$0x0] =	vst.idx.msk $0xffff, v16  }
0x32c: {  	v16 =	vld [tilespmem:$0x10B00]  }
0x32d: {  	v17 =	vld [tilespmem:$0x10B11]  }
0x32e: {  	v18 =	vld [tilespmem:$0x10B22]  }
0x32f: {  	v19 =	vld [tilespmem:$0x10B33]  }
0x330: {  	v20 =	vld [tilespmem:$0x10B44]  }
0x331: {  	v21 =	vld [tilespmem:$0x10B55]  }
0x332: {  	v16 =	vadd.f32 v17, v16;
	v17 =	vld [tilespmem:$0x10B66]  }
0x333: {  	v22 =	vld [tilespmem:$0x10B77]  }
0x334: {  	v16 =	vadd.f32 v18, v16;
	v18 =	vld [tilespmem:$0x10B88]  }
0x335: {  	v23 =	vld [tilespmem:$0x10B99]  }
0x336: {  	v16 =	vadd.f32 v19, v16;
	v19 =	vld [tilespmem:$0x10BAA]  }
0x337: {  	v24 =	vld [tilespmem:$0x10BBB]  }
0x338: {  	v16 =	vadd.f32 v20, v16;
	v20 =	vld [tilespmem:$0x10BCC]  }
0x339: {  	v25 =	vld [tilespmem:$0x10BDD]  }
0x33a: {  	v16 =	vadd.f32 v21, v16;
	v21 =	vld [tilespmem:$0x10BEE]  }
0x33b: {  	v26 =	vld [tilespmem:$0x10BFF]  }
0x33c: {  	v16 =	vadd.f32 v17, v16;
	_ =	sdelay $0x1  }
0x33d: {  	v16 =	vadd.f32 v22, v16;
	_ =	sdelay $0x1  }
0x33e: {  	v16 =	vadd.f32 v18, v16;
	_ =	sdelay $0x1  }
0x33f: {  	v16 =	vadd.f32 v23, v16;
	_ =	sdelay $0x1  }
0x340: {  	v16 =	vadd.f32 v19, v16;
	_ =	sdelay $0x1  }
0x341: {  	v16 =	vadd.f32 v24, v16;
	_ =	sdelay $0x1  }
0x342: {  	v16 =	vadd.f32 v20, v16;
	_ =	sdelay $0x1  }
0x343: {  	v16 =	vadd.f32 v25, v16;
	_ =	sdelay $0x1  }
0x344: {  	v16 =	vadd.f32 v21, v16;
	_ =	sdelay $0x1  }
0x345: {  	s19 =	sand.u32 $0xF0, s16;
	s16 =	smov.u32 s18;
	v16 =	vadd.f32 v26, v16;
	_ =	sdelay $0x1  }
0x346: {  	[tilespmem:s19+$0x10A00] =	vst v16  }
0x347: {  	v16 =	vld [tilespmem:s15+$0xFFFFFC00]  }
0x348: {  	v17 =	vld [tilespmem:s14+$0xFFFFFC10]  }
0x349: {  	v18 =	vld [tilespmem:s15+$0xFFFFFC10]  }
0x34a: {  	v19 =	vld [tilespmem:s14+$0xFFFFFC00]  }
0x34b: {  	v20 =	vld [tilespmem:s14+$0xFFFFFC20]  }
0x34c: {  	v21 =	vld [tilespmem:s15+$0xFFFFFC20]  }
0x34d: {  	v22 =	vld [tilespmem:s14+$0xFFFFFC30]  }
0x34e: {  	v17 =	vmul.f32 v17, v18;
	v18 =	vld [tilespmem:s15+$0xFFFFFC30]  }
0x34f: {  	v16 =	vmul.f32 v19, v16;
	_ =	sdelay $0x1  }
0x350: {  	v16 =	vadd.f32 v17, v16;
	v17 =	vmul.f32 v20, v21;
	_ =	sdelay $0x1  }
0x351: {  	v16 =	vadd.f32 v17, v16;
	v17 =	vmul.f32 v22, v18;
	_ =	sdelay $0x1  }
0x352: {  	v16 =	vadd.f32 v17, v16;
	_ =	sdelay $0x1  }
0x353: {  	[tilespmem:v0+s30+$0x0] =	vst.idx.msk $0xffff, v16  }
0x354: {  	v16 =	vld [tilespmem:s14+$0xFFFFFC90]  }
0x355: {  	v17 =	vld [tilespmem:s15+$0xFFFFFC80]  }
0x356: {  	v18 =	vld [tilespmem:s15+$0xFFFFFC90]  }
0x357: {  	v19 =	vld [tilespmem:s14+$0xFFFFFC80]  }
0x358: {  	v20 =	vld [tilespmem:s14+$0xFFFFFCA0]  }
0x359: {  	v21 =	vld [tilespmem:s15+$0xFFFFFCA0]  }
0x35a: {  	v22 =	vld [tilespmem:s14+$0xFFFFFCB0]  }
0x35b: {  	v16 =	vmul.f32 v16, v18;
	v18 =	vld [tilespmem:s15+$0xFFFFFCB0]  }
0x35c: {  	v17 =	vmul.f32 v19, v17;
	_ =	sdelay $0x1  }
0x35d: {  	v16 =	vadd.f32 v16, v17;
	v17 =	vmul.f32 v20, v21;
	_ =	sdelay $0x1  }
0x35e: {  	v16 =	vadd.f32 v17, v16;
	v17 =	vmul.f32 v22, v18;
	_ =	sdelay $0x1  }
0x35f: {  	v16 =	vadd.f32 v17, v16;
	_ =	sdelay $0x1  }
0x360: {  	[tilespmem:v1+s30+$0x0] =	vst.idx.msk $0xffff, v16  }
0x361: {  	v16 =	vld [tilespmem:s15+$0xFFFFFD00]  }
0x362: {  	v17 =	vld [tilespmem:s14+$0xFFFFFD00]  }
0x363: {  	v18 =	vld [tilespmem:s14+$0xFFFFFD10]  }
0x364: {  	v19 =	vld [tilespmem:s15+$0xFFFFFD10]  }
0x365: {  	v20 =	vld [tilespmem:s14+$0xFFFFFD20]  }
0x366: {  	v21 =	vld [tilespmem:s15+$0xFFFFFD20]  }
0x367: {  	v16 =	vmul.f32 v17, v16;
	v17 =	vld [tilespmem:s14+$0xFFFFFD30]  }
0x368: {  	v22 =	vld [tilespmem:s15+$0xFFFFFD30]  }
0x369: {  	v18 =	vmul.f32 v18, v19;
	_ =	sdelay $0x1  }
0x36a: {  	v16 =	vadd.f32 v18, v16;
	v18 =	vmul.f32 v20, v21;
	_ =	sdelay $0x1  }
0x36b: {  	v16 =	vadd.f32 v18, v16;
	v17 =	vmul.f32 v17, v22;
	_ =	sdelay $0x1  }
0x36c: {  	v16 =	vadd.f32 v17, v16;
	_ =	sdelay $0x1  }
0x36d: {  	[tilespmem:v2+s30+$0x0] =	vst.idx.msk $0xffff, v16  }
0x36e: {  	v16 =	vld [tilespmem:s14+$0xFFFFFD80]  }
0x36f: {  	v17 =	vld [tilespmem:s15+$0xFFFFFD80]  }
0x370: {  	v18 =	vld [tilespmem:s15+$0xFFFFFD90]  }
0x371: {  	v19 =	vld [tilespmem:s14+$0xFFFFFD90]  }
0x372: {  	v20 =	vld [tilespmem:s14+$0xFFFFFDA0]  }
0x373: {  	v21 =	vld [tilespmem:s15+$0xFFFFFDA0]  }
0x374: {  	v16 =	vmul.f32 v16, v17;
	v17 =	vld [tilespmem:s14+$0xFFFFFDB0]  }
0x375: {  	v22 =	vld [tilespmem:s15+$0xFFFFFDB0]  }
0x376: {  	v18 =	vmul.f32 v19, v18;
	_ =	sdelay $0x1  }
0x377: {  	v16 =	vadd.f32 v18, v16;
	v18 =	vmul.f32 v20, v21;
	_ =	sdelay $0x1  }
0x378: {  	v16 =	vadd.f32 v18, v16;
	v17 =	vmul.f32 v17, v22;
	_ =	sdelay $0x1  }
0x379: {  	v16 =	vadd.f32 v17, v16;
	_ =	sdelay $0x1  }
0x37a: {  	[tilespmem:v3+s30+$0x0] =	vst.idx.msk $0xffff, v16  }
0x37b: {  	v16 =	vld [tilespmem:s14+$0xFFFFFE10]  }
0x37c: {  	v17 =	vld [tilespmem:s15+$0xFFFFFE00]  }
0x37d: {  	v18 =	vld [tilespmem:s14+$0xFFFFFE00]  }
0x37e: {  	v19 =	vld [tilespmem:s15+$0xFFFFFE10]  }
0x37f: {  	v20 =	vld [tilespmem:s14+$0xFFFFFE20]  }
0x380: {  	v21 =	vld [tilespmem:s15+$0xFFFFFE20]  }
0x381: {  	v22 =	vld [tilespmem:s14+$0xFFFFFE30]  }
0x382: {  	v17 =	vmul.f32 v18, v17;
	v18 =	vld [tilespmem:s15+$0xFFFFFE30]  }
0x383: {  	v16 =	vmul.f32 v16, v19;
	_ =	sdelay $0x1  }
0x384: {  	v16 =	vadd.f32 v16, v17;
	v17 =	vmul.f32 v20, v21;
	_ =	sdelay $0x1  }
0x385: {  	v16 =	vadd.f32 v17, v16;
	v17 =	vmul.f32 v22, v18;
	_ =	sdelay $0x1  }
0x386: {  	v16 =	vadd.f32 v17, v16;
	_ =	sdelay $0x1  }
0x387: {  	[tilespmem:v4+s30+$0x0] =	vst.idx.msk $0xffff, v16  }
0x388: {  	v16 =	vld [tilespmem:s14+$0xFFFFFE90]  }
0x389: {  	v17 =	vld [tilespmem:s15+$0xFFFFFE80]  }
0x38a: {  	v18 =	vld [tilespmem:s14+$0xFFFFFE80]  }
0x38b: {  	v19 =	vld [tilespmem:s15+$0xFFFFFE90]  }
0x38c: {  	v20 =	vld [tilespmem:s14+$0xFFFFFEA0]  }
0x38d: {  	v21 =	vld [tilespmem:s15+$0xFFFFFEA0]  }
0x38e: {  	v22 =	vld [tilespmem:s14+$0xFFFFFEB0]  }
0x38f: {  	v17 =	vmul.f32 v18, v17;
	v18 =	vld [tilespmem:s15+$0xFFFFFEB0]  }
0x390: {  	v16 =	vmul.f32 v16, v19;
	_ =	sdelay $0x1  }
0x391: {  	v16 =	vadd.f32 v16, v17;
	v17 =	vmul.f32 v20, v21;
	_ =	sdelay $0x1  }
0x392: {  	v16 =	vadd.f32 v17, v16;
	v17 =	vmul.f32 v22, v18;
	_ =	sdelay $0x1  }
0x393: {  	v16 =	vadd.f32 v17, v16;
	_ =	sdelay $0x1  }
0x394: {  	[tilespmem:v5+s30+$0x0] =	vst.idx.msk $0xffff, v16  }
0x395: {  	v16 =	vld [tilespmem:s14+$0xFFFFFF00]  }
0x396: {  	v17 =	vld [tilespmem:s14+$0xFFFFFF10]  }
0x397: {  	v18 =	vld [tilespmem:s15+$0xFFFFFF10]  }
0x398: {  	v19 =	vld [tilespmem:s15+$0xFFFFFF00]  }
0x399: {  	v20 =	vld [tilespmem:s14+$0xFFFFFF20]  }
0x39a: {  	v21 =	vld [tilespmem:s15+$0xFFFFFF20]  }
0x39b: {  	v22 =	vld [tilespmem:s14+$0xFFFFFF30]  }
0x39c: {  	v17 =	vmul.f32 v17, v18;
	v18 =	vld [tilespmem:s15+$0xFFFFFF30]  }
0x39d: {  	v16 =	vmul.f32 v16, v19;
	_ =	sdelay $0x1  }
0x39e: {  	v16 =	vadd.f32 v17, v16;
	v17 =	vmul.f32 v20, v21;
	_ =	sdelay $0x1  }
0x39f: {  	v16 =	vadd.f32 v17, v16;
	v17 =	vmul.f32 v22, v18;
	_ =	sdelay $0x1  }
0x3a0: {  	v16 =	vadd.f32 v17, v16;
	_ =	sdelay $0x1  }
0x3a1: {  	[tilespmem:v6+s30+$0x0] =	vst.idx.msk $0xffff, v16  }
0x3a2: {  	v16 =	vld [tilespmem:s14+$0xFFFFFF90]  }
0x3a3: {  	v17 =	vld [tilespmem:s14+$0xFFFFFF80]  }
0x3a4: {  	v18 =	vld [tilespmem:s15+$0xFFFFFF80]  }
0x3a5: {  	v19 =	vld [tilespmem:s15+$0xFFFFFF90]  }
0x3a6: {  	v20 =	vld [tilespmem:s14+$0xFFFFFFA0]  }
0x3a7: {  	v21 =	vld [tilespmem:s15+$0xFFFFFFA0]  }
0x3a8: {  	v22 =	vld [tilespmem:s14+$0xFFFFFFB0]  }
0x3a9: {  	v17 =	vmul.f32 v17, v18;
	v18 =	vld [tilespmem:s15+$0xFFFFFFB0]  }
0x3aa: {  	v16 =	vmul.f32 v16, v19;
	_ =	sdelay $0x1  }
0x3ab: {  	v16 =	vadd.f32 v16, v17;
	v17 =	vmul.f32 v20, v21;
	_ =	sdelay $0x1  }
0x3ac: {  	v16 =	vadd.f32 v17, v16;
	v17 =	vmul.f32 v22, v18;
	_ =	sdelay $0x1  }
0x3ad: {  	v16 =	vadd.f32 v17, v16;
	_ =	sdelay $0x1  }
0x3ae: {  	[tilespmem:v7+s30+$0x0] =	vst.idx.msk $0xffff, v16  }
0x3af: {  	v16 =	vld [tilespmem:s14+$0x0]  }
0x3b0: {  	v17 =	vld [tilespmem:s14+$0x10]  }
0x3b1: {  	v18 =	vld [tilespmem:s15+$0x0]  }
0x3b2: {  	v19 =	vld [tilespmem:s15+$0x10]  }
0x3b3: {  	v20 =	vld [tilespmem:s14+$0x20]  }
0x3b4: {  	v21 =	vld [tilespmem:s15+$0x20]  }
0x3b5: {  	v22 =	vld [tilespmem:s14+$0x30]  }
0x3b6: {  	v16 =	vmul.f32 v16, v18;
	v18 =	vld [tilespmem:s15+$0x30]  }
0x3b7: {  	v17 =	vmul.f32 v17, v19;
	_ =	sdelay $0x1  }
0x3b8: {  	v16 =	vadd.f32 v17, v16;
	v17 =	vmul.f32 v20, v21;
	_ =	sdelay $0x1  }
0x3b9: {  	v16 =	vadd.f32 v17, v16;
	v17 =	vmul.f32 v22, v18;
	_ =	sdelay $0x1  }
0x3ba: {  	v16 =	vadd.f32 v17, v16;
	_ =	sdelay $0x1  }
0x3bb: {  	[tilespmem:v8+s30+$0x0] =	vst.idx.msk $0xffff, v16  }
0x3bc: {  	v16 =	vld [tilespmem:s14+$0x80]  }
0x3bd: {  	v17 =	vld [tilespmem:s14+$0x90]  }
0x3be: {  	v18 =	vld [tilespmem:s15+$0x80]  }
0x3bf: {  	v19 =	vld [tilespmem:s15+$0x90]  }
0x3c0: {  	v20 =	vld [tilespmem:s15+$0xA0]  }
0x3c1: {  	v21 =	vld [tilespmem:s14+$0xA0]  }
0x3c2: {  	v22 =	vld [tilespmem:s15+$0xB0]  }
0x3c3: {  	v16 =	vmul.f32 v16, v18;
	v18 =	vld [tilespmem:s14+$0xB0]  }
0x3c4: {  	v17 =	vmul.f32 v17, v19;
	_ =	sdelay $0x1  }
0x3c5: {  	v16 =	vadd.f32 v17, v16;
	v17 =	vmul.f32 v21, v20;
	_ =	sdelay $0x1  }
0x3c6: {  	v16 =	vadd.f32 v17, v16;
	v17 =	vmul.f32 v18, v22;
	_ =	sdelay $0x1  }
0x3c7: {  	v16 =	vadd.f32 v17, v16;
	_ =	sdelay $0x1  }
0x3c8: {  	[tilespmem:v9+s30+$0x0] =	vst.idx.msk $0xffff, v16  }
0x3c9: {  	v16 =	vld [tilespmem:s14+$0x100]  }
0x3ca: {  	v17 =	vld [tilespmem:s14+$0x110]  }
0x3cb: {  	v18 =	vld [tilespmem:s15+$0x100]  }
0x3cc: {  	v19 =	vld [tilespmem:s15+$0x110]  }
0x3cd: {  	v20 =	vld [tilespmem:s15+$0x120]  }
0x3ce: {  	v21 =	vld [tilespmem:s14+$0x120]  }
0x3cf: {  	v22 =	vld [tilespmem:s15+$0x130]  }
0x3d0: {  	v16 =	vmul.f32 v16, v18;
	v18 =	vld [tilespmem:s14+$0x130]  }
0x3d1: {  	v17 =	vmul.f32 v17, v19;
	_ =	sdelay $0x1  }
0x3d2: {  	v16 =	vadd.f32 v17, v16;
	v17 =	vmul.f32 v21, v20;
	_ =	sdelay $0x1  }
0x3d3: {  	v16 =	vadd.f32 v17, v16;
	v17 =	vmul.f32 v18, v22;
	_ =	sdelay $0x1  }
0x3d4: {  	v16 =	vadd.f32 v17, v16;
	_ =	sdelay $0x1  }
0x3d5: {  	[tilespmem:v10+s30+$0x0] =	vst.idx.msk $0xffff, v16  }
0x3d6: {  	v16 =	vld [tilespmem:s14+$0x180]  }
0x3d7: {  	v17 =	vld [tilespmem:s14+$0x190]  }
0x3d8: {  	v18 =	vld [tilespmem:s15+$0x180]  }
0x3d9: {  	v19 =	vld [tilespmem:s15+$0x190]  }
0x3da: {  	v20 =	vld [tilespmem:s15+$0x1A0]  }
0x3db: {  	v21 =	vld [tilespmem:s14+$0x1A0]  }
0x3dc: {  	v22 =	vld [tilespmem:s15+$0x1B0]  }
0x3dd: {  	v16 =	vmul.f32 v16, v18;
	v18 =	vld [tilespmem:s14+$0x1B0]  }
0x3de: {  	v17 =	vmul.f32 v17, v19;
	_ =	sdelay $0x1  }
0x3df: {  	v16 =	vadd.f32 v17, v16;
	v17 =	vmul.f32 v21, v20;
	_ =	sdelay $0x1  }
0x3e0: {  	v16 =	vadd.f32 v17, v16;
	v17 =	vmul.f32 v18, v22;
	_ =	sdelay $0x1  }
0x3e1: {  	v16 =	vadd.f32 v17, v16;
	_ =	sdelay $0x1  }
0x3e2: {  	[tilespmem:v11+s30+$0x0] =	vst.idx.msk $0xffff, v16  }
0x3e3: {  	v16 =	vld [tilespmem:s14+$0x200]  }
0x3e4: {  	v17 =	vld [tilespmem:s14+$0x210]  }
0x3e5: {  	v18 =	vld [tilespmem:s15+$0x200]  }
0x3e6: {  	v19 =	vld [tilespmem:s15+$0x210]  }
0x3e7: {  	v20 =	vld [tilespmem:s15+$0x220]  }
0x3e8: {  	v21 =	vld [tilespmem:s14+$0x220]  }
0x3e9: {  	v22 =	vld [tilespmem:s15+$0x230]  }
0x3ea: {  	v16 =	vmul.f32 v16, v18;
	v18 =	vld [tilespmem:s14+$0x230]  }
0x3eb: {  	v17 =	vmul.f32 v17, v19;
	_ =	sdelay $0x1  }
0x3ec: {  	v16 =	vadd.f32 v17, v16;
	v17 =	vmul.f32 v21, v20;
	_ =	sdelay $0x1  }
0x3ed: {  	v16 =	vadd.f32 v17, v16;
	v17 =	vmul.f32 v18, v22;
	_ =	sdelay $0x1  }
0x3ee: {  	v16 =	vadd.f32 v17, v16;
	_ =	sdelay $0x1  }
0x3ef: {  	[tilespmem:v12+s30+$0x0] =	vst.idx.msk $0xffff, v16  }
0x3f0: {  	v16 =	vld [tilespmem:s14+$0x280]  }
0x3f1: {  	v17 =	vld [tilespmem:s14+$0x290]  }
0x3f2: {  	v18 =	vld [tilespmem:s15+$0x280]  }
0x3f3: {  	v19 =	vld [tilespmem:s15+$0x290]  }
0x3f4: {  	v20 =	vld [tilespmem:s15+$0x2A0]  }
0x3f5: {  	v21 =	vld [tilespmem:s14+$0x2A0]  }
0x3f6: {  	v22 =	vld [tilespmem:s15+$0x2B0]  }
0x3f7: {  	v16 =	vmul.f32 v16, v18;
	v18 =	vld [tilespmem:s14+$0x2B0]  }
0x3f8: {  	v17 =	vmul.f32 v17, v19;
	_ =	sdelay $0x1  }
0x3f9: {  	v16 =	vadd.f32 v17, v16;
	v17 =	vmul.f32 v21, v20;
	_ =	sdelay $0x1  }
0x3fa: {  	v16 =	vadd.f32 v17, v16;
	v17 =	vmul.f32 v18, v22;
	_ =	sdelay $0x1  }
0x3fb: {  	v16 =	vadd.f32 v17, v16;
	_ =	sdelay $0x1  }
0x3fc: {  	[tilespmem:v13+s30+$0x0] =	vst.idx.msk $0xffff, v16  }
0x3fd: {  	v16 =	vld [tilespmem:s14+$0x300]  }
0x3fe: {  	v17 =	vld [tilespmem:s14+$0x310]  }
0x3ff: {  	v18 =	vld [tilespmem:s15+$0x310]  }
0x400: {  	v19 =	vld [tilespmem:s15+$0x300]  }
0x401: {  	v20 =	vld [tilespmem:s15+$0x320]  }
0x402: {  	v21 =	vld [tilespmem:s14+$0x320]  }
0x403: {  	v22 =	vld [tilespmem:s15+$0x330]  }
0x404: {  	v17 =	vmul.f32 v17, v18;
	v18 =	vld [tilespmem:s14+$0x330]  }
0x405: {  	v16 =	vmul.f32 v16, v19;
	_ =	sdelay $0x1  }
0x406: {  	v16 =	vadd.f32 v17, v16;
	v17 =	vmul.f32 v21, v20;
	_ =	sdelay $0x1  }
0x407: {  	v16 =	vadd.f32 v17, v16;
	v17 =	vmul.f32 v18, v22;
	_ =	sdelay $0x1  }
0x408: {  	v16 =	vadd.f32 v17, v16;
	_ =	sdelay $0x1  }
0x409: {  	[tilespmem:v14+s30+$0x0] =	vst.idx.msk $0xffff, v16  }
0x40a: {  	v19 =	vld [tilespmem:s15+$0x380]  }
0x40b: {  	v21 =	vld [tilespmem:s14+$0x380]  }
.Ltmp5:
0x40c: {  	v17 =	vld [tilespmem:s14+$0x390];
	(pc) =	sbr.rel @p0 .LBB2_12-.Ltmp5, $4  }
0x40d: {  	v20 =	vld [tilespmem:s15+$0x390]  }
0x40e: {  	v16 =	vld [tilespmem:s15+$0x3A0]  }
0x40f: {  	v18 =	vld [tilespmem:s14+$0x3A0]  }
0x410: {  	v21 =	vmul.f32 v21, v19;
	v19 =	vld [tilespmem:s15+$0x3B0]  }
0x411: {  	v22 =	vld [tilespmem:s14+$0x3B0]  }
0x412: {  	v17 =	vmul.f32 v17, v20;
	_ =	sdelay $0x1  }
0x413: {  	v17 =	vadd.f32 v17, v21;
	v16 =	vmul.f32 v18, v16;
	_ =	sdelay $0x1  }
0x414: {  	v16 =	vadd.f32 v16, v17;
	v17 =	vmul.f32 v22, v19;
	_ =	sdelay $0x1  }
0x415: {  	v16 =	vadd.f32 v17, v16;
	_ =	sdelay $0x1  }
0x416: {  	[tilespmem:v15+s30+$0x0] =	vst.idx.msk $0xffff, v16  }
0x417: {  	v16 =	vld [tilespmem:$0x10B00]  }
0x418: {  	v17 =	vld [tilespmem:$0x10B11];
	_ =	sdelay $0x1  }
0x419: {  	v18 =	vld [tilespmem:$0x10B22];
	_ =	sdelay $0x1  }
0x41a: {  	v19 =	vld [tilespmem:$0x10B33]  }
0x41b: {  	v16 =	vadd.f32 v17, v16  }
0x41c: {  	v17 =	vld [tilespmem:$0x10B44]  }
0x41d: {  	v16 =	vadd.f32 v18, v16  }
0x41e: {  	v18 =	vld [tilespmem:$0x10B55]  }
0x41f: {  	v16 =	vadd.f32 v19, v16  }
0x420: {  	v19 =	vld [tilespmem:$0x10B66]  }
0x421: {  	v16 =	vadd.f32 v17, v16  }
0x422: {  	v17 =	vld [tilespmem:$0x10B77]  }
0x423: {  	v16 =	vadd.f32 v18, v16  }
0x424: {  	v18 =	vld [tilespmem:$0x10B88]  }
0x425: {  	v16 =	vadd.f32 v19, v16  }
0x426: {  	v19 =	vld [tilespmem:$0x10B99]  }
0x427: {  	v16 =	vadd.f32 v17, v16  }
0x428: {  	v17 =	vld [tilespmem:$0x10BAA]  }
0x429: {  	v16 =	vadd.f32 v18, v16  }
0x42a: {  	v18 =	vld [tilespmem:$0x10BBB]  }
0x42b: {  	v16 =	vadd.f32 v19, v16  }
0x42c: {  	v19 =	vld [tilespmem:$0x10BCC]  }
0x42d: {  	v16 =	vadd.f32 v17, v16  }
0x42e: {  	v17 =	vld [tilespmem:$0x10BDD]  }
0x42f: {  	v16 =	vadd.f32 v18, v16  }
0x430: {  	v18 =	vld [tilespmem:$0x10BEE]  }
0x431: {  	v16 =	vadd.f32 v19, v16  }
0x432: {  	v19 =	vld [tilespmem:$0x10BFF]  }
0x433: {  	v16 =	vadd.f32 v17, v16;
	_ =	sdelay $0x1  }
0x434: {  	v16 =	vadd.f32 v18, v16;
	_ =	sdelay $0x1  }
0x435: {  	v16 =	vadd.f32 v19, v16  }
0x436: {  	s19 =	sand.u32 $0xF0, s16  }
0x437: {  	[tilespmem:s19+$0x10A00] =	vst v16  }
0x438: {  	_ =	swait.ge [sflag:s31], $0x80  }
0x439: {  	[sflag:s31] =	ssyncset.done $0x0  }
0x43a: {  	[sflag:s31] =	ssyncadd.s32 $0xFFFFFF80  }
0x43b: {  	_ =	swait.ge [sflag:s31], $0x80  }
0x43c: {  	[sflag:s31] =	ssyncset.done $0x0  }
0x43d: {  	[sflag:s31] =	ssyncadd.s32 $0xFFFFFF80  }
0x43e: {  	_ =	swait.ge [sflag:s31], $0x80  }
0x43f: {  	[sflag:s31] =	ssyncset.done $0x0  }
0x440: {  	[sflag:s31] =	ssyncadd.s32 $0xFFFFFF80  }
0x441: {  	_ =	swait.ge [sflag:s31], $0x80  }
0x442: {  	[sflag:s31] =	ssyncset.done $0x0  }
0x443: {  	[sflag:s31] =	ssyncadd.s32 $0xFFFFFF80  }
0x444: {  	_ =	swait.ge [sflag:s31], $0x80  }
0x445: {  	[sflag:s31] =	ssyncset.done $0x0  }
0x446: {  	[sflag:s31] =	ssyncadd.s32 $0xFFFFFF80  }
0x447: {  	_ =	swait.ge [sflag:s31], $0x80  }
0x448: {  	[sflag:s31] =	ssyncset.done $0x0  }
0x449: {  	[sflag:s31] =	ssyncadd.s32 $0xFFFFFF80  }
0x44a: {  	_ =	swait.ge [sflag:s31], $0x80  }
0x44b: {  	[sflag:s31] =	ssyncset.done $0x0  }
0x44c: {  	[sflag:s31] =	ssyncadd.s32 $0xFFFFFF80  }
0x44d: {  	_ =	swait.ge [sflag:s31], $0x80  }
0x44e: {  	[sflag:s31] =	ssyncset.done $0x0  }
0x44f: {  	s14 =	simm.s32 $0x0;
	[sflag:s31] =	ssyncadd.s32 $0xFFFFFF80  }
0x450: {  	s15 =	simm.s32 $0x40;
	v16 =	vld [tilespmem:s14+$0x10500]  }
.LBB2_14:
0x451: {  	p0 =	sne.s32 s15, $0x7C0;
	v17 =	vld [tilespmem:s14+$0x10900];
	_ =	sdelay $0x1  }
0x452: {  	v18 =	vld [tilespmem:s14+$0x10700];
	_ =	sdelay $0x2  }
0x453: {  	v16 =	vadd.f32 v16, v17;
	_ =	sdelay $0x1  }
0x454: {  	v16 =	vadd.f32 v18, v16;
	_ =	sdelay $0x1  }
0x455: {  	v16 =	vsub.f32 $0.0e+00, v16;
	_ =	sdelay $0x1  }
0x456: {  	v16 =	vmul.f32 $1.442695020e+00, v16;
	_ =	sdelay $0x1  }
0x457: {  	(erf) = vpow2.f32 v16;
	_ =	sdelay $0x8  }
0x458: {  	v16 =	vpop (erf)  }
0x459: {  	v16 =	vadd.f32 $1.000000000e+00, v16;
	_ =	sdelay $0x1  }
0x45a: {  	(erf) = vrcp.f32 v16;
	_ =	sdelay $0x5  }
.Ltmp6:
0x45b: {  	(pc) =	sbr.rel @p0 .LBB2_14-.Ltmp6, $3  }
0x45c: {  	_ =	sdelay $0x1  }
0x45d: {  	s16 =	sshra.s32 s15, $0x2;
	v17 =	vpop (erf)  }
0x45e: {  	s15 =	sadd.s32 $0x40, s15;
	v16 =	vld [tilespmem:s16+$0x10500];
	[tilespmem:s14+$0x10900] =	vst v17;
	s14 =	smov.u32 s16  }
0x45f: {  	v17 =	vld [tilespmem:s14+$0x10900];
	_ =	sdelay $0x1  }
0x460: {  	v18 =	vld [tilespmem:s14+$0x10700];
	_ =	sdelay $0x2  }
0x461: {  	v16 =	vadd.f32 v16, v17;
	_ =	sdelay $0x1  }
0x462: {  	v16 =	vadd.f32 v18, v16;
	_ =	sdelay $0x1  }
0x463: {  	v16 =	vsub.f32 $0.0e+00, v16;
	_ =	sdelay $0x1  }
0x464: {  	v16 =	vmul.f32 $1.442695020e+00, v16;
	_ =	sdelay $0x1  }
0x465: {  	(erf) = vpow2.f32 v16;
	_ =	sdelay $0x8  }
0x466: {  	v16 =	vpop (erf)  }
0x467: {  	v16 =	vadd.f32 $1.000000000e+00, v16;
	_ =	sdelay $0x1  }
0x468: {  	(erf) = vrcp.f32 v16;
	_ =	sdelay $0x7  }
0x469: {  	s1 =	sadd.s32 $0x1, s1  }
0x46a: {  	p0 =	sne.s32 s1, s10;
	v16 =	vpop (erf)  }
.Ltmp7:
0x46b: {  	[tilespmem:s14+$0x10900] =	vst v16;
	(pc) =	sbr.rel @p0 .LBB2_1-.Ltmp7, $4  }
0x46c: {  	[hbm4b:s9+s2] =	stream.linear.scatter [tilespmem:s0], [sflag:$0x4], $0x200, $0x38;
	[tilespmem:$0x10C80] =	vst v63  }
0x46d: {  	_ =	swait.ge [sflag:s11], $0x200  }
0x46e: {  	[sflag:s11] =	ssyncset.done $0x0  }
0x46f: {  	[sflag:s11] =	ssyncadd.s32 $0xFFFFFE00  }
0x470: {  	_ =	sfence.sel $0x180000  }
0x471: {  	[bflag:$0x0] =	sbarrier.arrive $0xFFFF  }
0x472: {  	_ =	strace $0x90000047  }
0x473: {  	s0 =	stileid.u32;
	[bflag:$0x2] =	sbarrier.arrive $0xFFFF  }
0x474: {  	p0 =	sne.s32 s0, $0x0;
	s0 =	rddreg [dreg:$0x2]  }
0x475: {  	s0 =	sadd.s32 @!p0 $0x100000, s0  }
0x476: {  	[sflag:s0] =	ssyncadd.tile.s32 @!p0 $0x1;
	_ =	shalt  }
.Lfunc_end2:
_tile_overlayer_lowered:
.L_overlay_start_2:
0x477: {  	(tag) =	ssettag $0x2  }
0x478: {  	s0 =	rddreg [dreg:$0x0];
	s2 =	stileid.u32  }
0x479: {  	s1 =	rddreg [dreg:$0x1];
	p0 =	sne.s32 s2, $0x0  }
0x47a: {  	s3 =	rddreg [dreg:$0x2];
	[bflag:$0x3] =	sbarrier.arrive $0xFFFF;
	s2 =	simm.s32 @!p0 $0x1C04  }
0x47b: {  	[timem:s3], [sflag:s2] =	dma.local @!p0 [hbm:s0], s1  }
0x47c: {  	s0 =	simm.s32 @!p0 $0x4  }
0x47d: {  	_ =	swait.ge @!p0 [sflag:s0], s1  }
0x47e: {  	s1 =	ssub.s32 @!p0 $0x0, s1;
	[sflag:s0] =	ssyncset.done @!p0 $0x0  }
0x47f: {  	[sflag:s0] =	ssyncadd.s32 @!p0 s1  }
0x480: {  	[bflag:$0x3] =	sbarrier.arrive $0xFFFF  }
0x481: {  	_ =	shalt  }

</sc_bundles>
